<compile_context>
chip_gen: v7x
topology: tpu7x:2x2x1
jax: 0.10.2.dev20260603
libtpu: 0.0.44.dev20260713+nightly
codegen_flags: <defaults>
</compile_context>

<pallas_src>
import functools

import jax
import jax.numpy as jnp
from jax import lax
from jax.experimental import pallas as pl
from jax.experimental.pallas import tpu as pltpu
from jax.experimental.pallas import tpu_sc as plsc

NUM_EMB = 1_000_000
D = 64
NC = 2
NS = 16
NW = NC * NS
B_TOTAL = 16384 * 50
PER_W = B_TOTAL // NW
CHUNK = 128
NCHUNK = PER_W // CHUNK
FIRE = 8

BLK_L = 32768
G = BLK_L // 128
GRID = 31
NBINS = GRID * BLK_L
TILE_BINS = NBINS // NS
ZCH = TILE_BINS // 4

_mesh = plsc.VectorSubcoreMesh(
    core_axis_name="c", subcore_axis_name="s", num_cores=1, num_subcores=NS
)


def _make_hist(row_off):
    @functools.partial(
        pl.kernel,
        mesh=_mesh,
        out_type=jax.ShapeDtypeStruct((NBINS,), jnp.float32),
        scratch_types=[
            pltpu.VMEM((NCHUNK, CHUNK), jnp.int32),
            pltpu.VMEM((ZCH,), jnp.float32),
            pltpu.VMEM((CHUNK,), jnp.float32),
            pltpu.VMEM_SHARED((NBINS,), jnp.float32),
            pltpu.SemaphoreType.DMA,
        ],
        compiler_params=pltpu.CompilerParams(use_tc_tiling_on_sc=False),
    )
    def _hist_half(idx_hbm, out0, idx_v, zbuf, ones_v, counts_sh, sem):
        s = lax.axis_index("s")

        def zfill(i, _):
            zbuf[pl.ds(i * 16, 16)] = jnp.zeros((16,), jnp.float32)
            return 0

        lax.fori_loop(0, ZCH // 16, zfill, 0)
        for j in range(CHUNK // 16):
            ones_v[pl.ds(j * 16, 16)] = jnp.ones((16,), jnp.float32)

        pltpu.sync_copy(idx_hbm.at[row_off + s], idx_v)

        base = s * TILE_BINS
        for q in range(4):
            pltpu.sync_copy(zbuf, counts_sh.at[pl.ds(base + q * ZCH, ZCH)])
        plsc.subcore_barrier()

        def group(o, _):
            for j in range(FIRE):
                pltpu.async_copy(
                    ones_v, counts_sh.at[idx_v.at[o * FIRE + j]], sem, add=True
                )
            for j in range(FIRE):
                pltpu.make_async_copy(
                    ones_v, counts_sh.at[idx_v.at[o * FIRE + j]], sem
                ).wait()
            return 0

        lax.fori_loop(0, NCHUNK // FIRE, group, 0)
        plsc.subcore_barrier()

        pltpu.sync_copy(
            counts_sh.at[pl.ds(base, TILE_BINS)],
            out0.at[pl.ds(base, TILE_BINS)],
        )

    return _hist_half


_hist_a = _make_hist(0)
_hist_b = _make_hist(NS)


def _mv_body(tbl_ref, c0_ref, c1_ref, out_ref, acc_v):
    i = pl.program_id(0)

    @pl.when(i == 0)
    def _():
        acc_v[...] = jnp.zeros_like(acc_v)

    cnt = c0_ref[...] + c1_ref[...]
    t2 = tbl_ref[...]
    acc = t2[:, 0:128] * cnt[0:1, :]
    for g in range(1, G):
        acc = acc + t2[:, g * 128:(g + 1) * 128] * cnt[g:g + 1, :]
    acc_v[...] += acc

    @pl.when(i == GRID - 1)
    def _():
        out_ref[...] = jnp.sum(acc_v[...], axis=1, keepdims=True)


_matvec = pl.pallas_call(
    _mv_body,
    grid=(GRID,),
    in_specs=[
        pl.BlockSpec((D, BLK_L), lambda i: (0, i)),
        pl.BlockSpec((G, 128), lambda i: (i, 0)),
        pl.BlockSpec((G, 128), lambda i: (i, 0)),
    ],
    out_specs=pl.BlockSpec((D, 1), lambda i: (0, 0)),
    out_shape=jax.ShapeDtypeStruct((D, 1), jnp.float32),
    scratch_shapes=[pltpu.VMEM((D, 128), jnp.float32)],
    compiler_params=pltpu.CompilerParams(
        dimension_semantics=("arbitrary",)
    ),
)


def kernel(ix, table):
    idx3 = ix.reshape(NW, NCHUNK, CHUNK).astype(jnp.int32)
    c0 = _hist_a(idx3)
    c1 = _hist_b(idx3)
    col = _matvec(
        table.T,
        c0.reshape(GRID * G, 128),
        c1.reshape(GRID * G, 128),
    )
    return col.reshape(D)

# --- scband reference (transcript-rebuilt; emitter-appended) ---
"""Pipeline reference for scband-embed-sum-86311662780592 (READ-ONLY COPY).

The authoritative reference and input builder live on the scoring server;
editing this copy changes nothing except your own understanding.
"""

import jax, jax.numpy as jnp
import numpy as np

NUM_EMBEDDINGS = 1000000
EMB_SIZE = 64

def setup_inputs(seed: int = 0) -> dict:
    key = jax.random.key(seed)
    k_ix, k_tab = jax.random.split(key)
    ix = jax.random.randint(k_ix, (16384, 50), 0, NUM_EMBEDDINGS, dtype=jnp.int64 if jax.config.read('jax_enable_x64') else jnp.int32)
    table = jax.random.normal(k_tab, (NUM_EMBEDDINGS, EMB_SIZE), dtype=jnp.float32) * 0.02
    return {"ix": ix, "table": table}

def reference(ix, table):
    # EmbeddingBag(mode='sum') over the fully flattened index tensor,
    # viewed as a single bag, then flattened to a vector of size emb_size.
    flat = ix.reshape(-1)
    gathered = jnp.take(table, flat, axis=0)
    return jnp.sum(gathered, axis=0).reshape(-1)

if __name__ == "__main__":
    import jax
    _d = setup_inputs()
    print(jax.jit(kernel)(*tuple(_d.values())))

</pallas_src>

<mosaic_0001>
#map = affine_map<(d0, d1) -> (0, 0, 0)>
#map1 = affine_map<(d0, d1) -> (0)>
module attributes {stable_mosaic.version = 14 : i64} {
  func.func @_hist_half(%arg0: i32, %arg1: i32, %arg2: memref<32x200x128xi32, #tpu.memory_space<hbm>>, %arg3: memref<1015808xf32, #tpu.memory_space<hbm>>, %arg4: memref<200x128xi32, #tpu.memory_space<vmem>>, %arg5: memref<15872xf32, #tpu.memory_space<vmem>>, %arg6: memref<128xf32, #tpu.memory_space<vmem>>, %arg7: memref<1015808xf32, #tpu.memory_space<vmem_shared>>, %arg8: memref<!tpu.dma_semaphore, #tpu.memory_space<semaphore_mem>>) attributes {dimension_semantics = [#tpu.dimension_semantics<core_parallel>, #tpu.dimension_semantics<subcore_parallel>], iteration_bounds = array<i64: 1, 16>, scalar_prefetch = 0 : i64, scratch_operands = 5 : i64, tpu.core_type = #tpu.core_type<sc_vector_subcore>, window_params = [{transform_indices = #map}, {transform_indices = #map1}]} {
    %scan3A = arith.constant 0 : i32
    %scan3A_0 = arith.constant 0 : i32
    %scan3A_1 = arith.constant 992 : i32
    %scan3A_2 = arith.addi %scan3A_0, %scan3A_1 : i32
    %scan3A_3 = arith.constant 1 : i32
    %scan3A_4 = scf.for %scan3A_70 = %scan3A_0 to %scan3A_2 step %scan3A_3 iter_args(%scan3A_71 = %scan3A) -> (i32)  : i32 {
      %broadcast_in_dim3A_72 = arith.constant 0.000000e+00 : f32
      %broadcast_in_dim3A_73 = vector.broadcast %broadcast_in_dim3A_72 : f32 to vector<16xf32>
      %mul3A_74 = arith.constant 16 : i32
      %mul3A_75 = arith.muli %scan3A_70, %mul3A_74 : i32
      %swap3A_76 = arith.index_cast %mul3A_75 : i32 to index
      %swap3A_77 = tpu.vector_load %arg5[%swap3A_76] {strides = array<i32>} : memref<15872xf32, #tpu.memory_space<vmem>>, vector<16xf32>,
      %swap3A_78 = vector.shape_cast %swap3A_77 : vector<16xf32> to vector<16xf32>
      %swap3A_79 = vector.shape_cast %broadcast_in_dim3A_73 : vector<16xf32> to vector<16xf32>
      tpu.vector_store %arg5[%swap3A_76], %swap3A_79 {strides = array<i32>} : memref<15872xf32, #tpu.memory_space<vmem>>, vector<16xf32>,
      %scan3A_80 = arith.constant 0 : i32
      scf.yield %scan3A_80 : i32
    }
    %scan3A_5 = arith.constant 992 : i32
    %broadcast_in_dim3A = arith.constant 1.000000e+00 : f32
    %broadcast_in_dim3A_6 = vector.broadcast %broadcast_in_dim3A : f32 to vector<16xf32>
    %swap3A = arith.constant 0 : index
    %swap3A_7 = tpu.vector_load %arg6[%swap3A] {strides = array<i32>} : memref<128xf32, #tpu.memory_space<vmem>>, vector<16xf32>,
    %swap3A_8 = vector.shape_cast %swap3A_7 : vector<16xf32> to vector<16xf32>
    %swap3A_9 = vector.shape_cast %broadcast_in_dim3A_6 : vector<16xf32> to vector<16xf32>
    tpu.vector_store %arg6[%swap3A], %swap3A_9 {strides = array<i32>} : memref<128xf32, #tpu.memory_space<vmem>>, vector<16xf32>,
    %broadcast_in_dim3A_10 = arith.constant 1.000000e+00 : f32
    %broadcast_in_dim3A_11 = vector.broadcast %broadcast_in_dim3A_10 : f32 to vector<16xf32>
    %swap3A_12 = arith.constant 16 : index
    %swap3A_13 = tpu.vector_load %arg6[%swap3A_12] {strides = array<i32>} : memref<128xf32, #tpu.memory_space<vmem>>, vector<16xf32>,
    %swap3A_14 = vector.shape_cast %swap3A_13 : vector<16xf32> to vector<16xf32>
    %swap3A_15 = vector.shape_cast %broadcast_in_dim3A_11 : vector<16xf32> to vector<16xf32>
    tpu.vector_store %arg6[%swap3A_12], %swap3A_15 {strides = array<i32>} : memref<128xf32, #tpu.memory_space<vmem>>, vector<16xf32>,
    %broadcast_in_dim3A_16 = arith.constant 1.000000e+00 : f32
    %broadcast_in_dim3A_17 = vector.broadcast %broadcast_in_dim3A_16 : f32 to vector<16xf32>
    %swap3A_18 = arith.constant 32 : index
    %swap3A_19 = tpu.vector_load %arg6[%swap3A_18] {strides = array<i32>} : memref<128xf32, #tpu.memory_space<vmem>>, vector<16xf32>,
    %swap3A_20 = vector.shape_cast %swap3A_19 : vector<16xf32> to vector<16xf32>
    %swap3A_21 = vector.shape_cast %broadcast_in_dim3A_17 : vector<16xf32> to vector<16xf32>
    tpu.vector_store %arg6[%swap3A_18], %swap3A_21 {strides = array<i32>} : memref<128xf32, #tpu.memory_space<vmem>>, vector<16xf32>,
    %broadcast_in_dim3A_22 = arith.constant 1.000000e+00 : f32
    %broadcast_in_dim3A_23 = vector.broadcast %broadcast_in_dim3A_22 : f32 to vector<16xf32>
    %swap3A_24 = arith.constant 48 : index
    %swap3A_25 = tpu.vector_load %arg6[%swap3A_24] {strides = array<i32>} : memref<128xf32, #tpu.memory_space<vmem>>, vector<16xf32>,
    %swap3A_26 = vector.shape_cast %swap3A_25 : vector<16xf32> to vector<16xf32>
    %swap3A_27 = vector.shape_cast %broadcast_in_dim3A_23 : vector<16xf32> to vector<16xf32>
    tpu.vector_store %arg6[%swap3A_24], %swap3A_27 {strides = array<i32>} : memref<128xf32, #tpu.memory_space<vmem>>, vector<16xf32>,
    %broadcast_in_dim3A_28 = arith.constant 1.000000e+00 : f32
    %broadcast_in_dim3A_29 = vector.broadcast %broadcast_in_dim3A_28 : f32 to vector<16xf32>
    %swap3A_30 = arith.constant 64 : index
    %swap3A_31 = tpu.vector_load %arg6[%swap3A_30] {strides = array<i32>} : memref<128xf32, #tpu.memory_space<vmem>>, vector<16xf32>,
    %swap3A_32 = vector.shape_cast %swap3A_31 : vector<16xf32> to vector<16xf32>
    %swap3A_33 = vector.shape_cast %broadcast_in_dim3A_29 : vector<16xf32> to vector<16xf32>
    tpu.vector_store %arg6[%swap3A_30], %swap3A_33 {strides = array<i32>} : memref<128xf32, #tpu.memory_space<vmem>>, vector<16xf32>,
    %broadcast_in_dim3A_34 = arith.constant 1.000000e+00 : f32
    %broadcast_in_dim3A_35 = vector.broadcast %broadcast_in_dim3A_34 : f32 to vector<16xf32>
    %swap3A_36 = arith.constant 80 : index
    %swap3A_37 = tpu.vector_load %arg6[%swap3A_36] {strides = array<i32>} : memref<128xf32, #tpu.memory_space<vmem>>, vector<16xf32>,
    %swap3A_38 = vector.shape_cast %swap3A_37 : vector<16xf32> to vector<16xf32>
    %swap3A_39 = vector.shape_cast %broadcast_in_dim3A_35 : vector<16xf32> to vector<16xf32>
    tpu.vector_store %arg6[%swap3A_36], %swap3A_39 {strides = array<i32>} : memref<128xf32, #tpu.memory_space<vmem>>, vector<16xf32>,
    %broadcast_in_dim3A_40 = arith.constant 1.000000e+00 : f32
    %broadcast_in_dim3A_41 = vector.broadcast %broadcast_in_dim3A_40 : f32 to vector<16xf32>
    %swap3A_42 = arith.constant 96 : index
    %swap3A_43 = tpu.vector_load %arg6[%swap3A_42] {strides = array<i32>} : memref<128xf32, #tpu.memory_space<vmem>>, vector<16xf32>,
    %swap3A_44 = vector.shape_cast %swap3A_43 : vector<16xf32> to vector<16xf32>
    %swap3A_45 = vector.shape_cast %broadcast_in_dim3A_41 : vector<16xf32> to vector<16xf32>
    tpu.vector_store %arg6[%swap3A_42], %swap3A_45 {strides = array<i32>} : memref<128xf32, #tpu.memory_space<vmem>>, vector<16xf32>,
    %broadcast_in_dim3A_46 = arith.constant 1.000000e+00 : f32
    %broadcast_in_dim3A_47 = vector.broadcast %broadcast_in_dim3A_46 : f32 to vector<16xf32>
    %swap3A_48 = arith.constant 112 : index
    %swap3A_49 = tpu.vector_load %arg6[%swap3A_48] {strides = array<i32>} : memref<128xf32, #tpu.memory_space<vmem>>, vector<16xf32>,
    %swap3A_50 = vector.shape_cast %swap3A_49 : vector<16xf32> to vector<16xf32>
    %swap3A_51 = vector.shape_cast %broadcast_in_dim3A_47 : vector<16xf32> to vector<16xf32>
    tpu.vector_store %arg6[%swap3A_48], %swap3A_51 {strides = array<i32>} : memref<128xf32, #tpu.memory_space<vmem>>, vector<16xf32>,
    %add3A = arith.constant 0 : i32
    %add3A_52 = arith.addi %add3A, %arg1 : i32
    "tpu.region"() ({
      %run_scoped3A = tpu.sem_alloc : memref<!tpu.dma_semaphore, #tpu.memory_space<semaphore_mem>>
      %dma_start3A = arith.constant 0 : i32
      %dma_start3A_70 = arith.constant 0 : i32
      %dma_start3A_71 = tpu.memref_slice %arg2[%add3A_52, %dma_start3A, %dma_start3A_70] : memref<32x200x128xi32, #tpu.memory_space<hbm>> -> memref<1x200x128xi32, #tpu.memory_space<hbm>>
      %dma_start3A_72 = tpu.memref_squeeze %dma_start3A_71 : memref<1x200x128xi32, #tpu.memory_space<hbm>> -> memref<200x128xi32, #tpu.memory_space<hbm>>
      %dma_start3A_73 = arith.constant 0 : i32
      %dma_start3A_74 = arith.constant 0 : i32
      %dma_start3A_75 = tpu.memref_slice %arg2[%add3A_52, %dma_start3A_73, %dma_start3A_74] : memref<32x200x128xi32, #tpu.memory_space<hbm>> -> memref<1x200x128xi32, #tpu.memory_space<hbm>>
      %dma_start3A_76 = tpu.memref_squeeze %dma_start3A_75 : memref<1x200x128xi32, #tpu.memory_space<hbm>> -> memref<200x128xi32, #tpu.memory_space<hbm>>
      tpu.enqueue_dma source(%dma_start3A_76 : memref<200x128xi32, #tpu.memory_space<hbm>>) target(%arg4 : memref<200x128xi32, #tpu.memory_space<vmem>>) target_semaphore(%run_scoped3A : memref<!tpu.dma_semaphore, #tpu.memory_space<semaphore_mem>>)
      %dma_wait3A = arith.constant 0 : i32
      %dma_wait3A_77 = arith.constant 0 : i32
      %dma_wait3A_78 = tpu.memref_slice %arg2[%add3A_52, %dma_wait3A, %dma_wait3A_77] : memref<32x200x128xi32, #tpu.memory_space<hbm>> -> memref<1x200x128xi32, #tpu.memory_space<hbm>>
      %dma_wait3A_79 = tpu.memref_squeeze %dma_wait3A_78 : memref<1x200x128xi32, #tpu.memory_space<hbm>> -> memref<200x128xi32, #tpu.memory_space<hbm>>
      %dma_wait3A_80 = arith.constant 0 : i32
      %dma_wait3A_81 = arith.constant 0 : i32
      %dma_wait3A_82 = tpu.memref_slice %arg2[%add3A_52, %dma_wait3A_80, %dma_wait3A_81] : memref<32x200x128xi32, #tpu.memory_space<hbm>> -> memref<1x200x128xi32, #tpu.memory_space<hbm>>
      %dma_wait3A_83 = tpu.memref_squeeze %dma_wait3A_82 : memref<1x200x128xi32, #tpu.memory_space<hbm>> -> memref<200x128xi32, #tpu.memory_space<hbm>>
      tpu.wait_dma2 semaphore(%run_scoped3A : memref<!tpu.dma_semaphore, #tpu.memory_space<semaphore_mem>>) src(%dma_wait3A_83 : memref<200x128xi32, #tpu.memory_space<hbm>>) dst(%arg4 : memref<200x128xi32, #tpu.memory_space<vmem>>)
      tpu.yield
    }) : () -> ()
    %mul3A = arith.constant 63488 : i32
    %mul3A_53 = arith.muli %arg1, %mul3A : i32
    %add3A_54 = arith.constant 0 : i32
    %add3A_55 = arith.addi %mul3A_53, %add3A_54 : i32
    "tpu.region"() ({
      %run_scoped3A = tpu.sem_alloc : memref<!tpu.dma_semaphore, #tpu.memory_space<semaphore_mem>>
      %dma_start3A = tpu.memref_slice %arg7[%add3A_55] : memref<1015808xf32, #tpu.memory_space<vmem_shared>> -> memref<15872xf32, #tpu.memory_space<vmem_shared>>
      %dma_start3A_70 = tpu.memref_slice %arg7[%add3A_55] : memref<1015808xf32, #tpu.memory_space<vmem_shared>> -> memref<15872xf32, #tpu.memory_space<vmem_shared>>
      tpu.enqueue_dma source(%arg5 : memref<15872xf32, #tpu.memory_space<vmem>>) target(%dma_start3A_70 : memref<15872xf32, #tpu.memory_space<vmem_shared>>) target_semaphore(%run_scoped3A : memref<!tpu.dma_semaphore, #tpu.memory_space<semaphore_mem>>)
      %dma_wait3A = tpu.memref_slice %arg7[%add3A_55] : memref<1015808xf32, #tpu.memory_space<vmem_shared>> -> memref<15872xf32, #tpu.memory_space<vmem_shared>>
      %dma_wait3A_71 = tpu.memref_slice %arg7[%add3A_55] : memref<1015808xf32, #tpu.memory_space<vmem_shared>> -> memref<15872xf32, #tpu.memory_space<vmem_shared>>
      tpu.wait_dma2 semaphore(%run_scoped3A : memref<!tpu.dma_semaphore, #tpu.memory_space<semaphore_mem>>) src(%arg5 : memref<15872xf32, #tpu.memory_space<vmem>>) dst(%dma_wait3A_71 : memref<15872xf32, #tpu.memory_space<vmem_shared>>)
      tpu.yield
    }) : () -> ()
    %add3A_56 = arith.constant 15872 : i32
    %add3A_57 = arith.addi %mul3A_53, %add3A_56 : i32
    "tpu.region"() ({
      %run_scoped3A = tpu.sem_alloc : memref<!tpu.dma_semaphore, #tpu.memory_space<semaphore_mem>>
      %dma_start3A = tpu.memref_slice %arg7[%add3A_57] : memref<1015808xf32, #tpu.memory_space<vmem_shared>> -> memref<15872xf32, #tpu.memory_space<vmem_shared>>
      %dma_start3A_70 = tpu.memref_slice %arg7[%add3A_57] : memref<1015808xf32, #tpu.memory_space<vmem_shared>> -> memref<15872xf32, #tpu.memory_space<vmem_shared>>
      tpu.enqueue_dma source(%arg5 : memref<15872xf32, #tpu.memory_space<vmem>>) target(%dma_start3A_70 : memref<15872xf32, #tpu.memory_space<vmem_shared>>) target_semaphore(%run_scoped3A : memref<!tpu.dma_semaphore, #tpu.memory_space<semaphore_mem>>)
      %dma_wait3A = tpu.memref_slice %arg7[%add3A_57] : memref<1015808xf32, #tpu.memory_space<vmem_shared>> -> memref<15872xf32, #tpu.memory_space<vmem_shared>>
      %dma_wait3A_71 = tpu.memref_slice %arg7[%add3A_57] : memref<1015808xf32, #tpu.memory_space<vmem_shared>> -> memref<15872xf32, #tpu.memory_space<vmem_shared>>
      tpu.wait_dma2 semaphore(%run_scoped3A : memref<!tpu.dma_semaphore, #tpu.memory_space<semaphore_mem>>) src(%arg5 : memref<15872xf32, #tpu.memory_space<vmem>>) dst(%dma_wait3A_71 : memref<15872xf32, #tpu.memory_space<vmem_shared>>)
      tpu.yield
    }) : () -> ()
    %add3A_58 = arith.constant 31744 : i32
    %add3A_59 = arith.addi %mul3A_53, %add3A_58 : i32
    "tpu.region"() ({
      %run_scoped3A = tpu.sem_alloc : memref<!tpu.dma_semaphore, #tpu.memory_space<semaphore_mem>>
      %dma_start3A = tpu.memref_slice %arg7[%add3A_59] : memref<1015808xf32, #tpu.memory_space<vmem_shared>> -> memref<15872xf32, #tpu.memory_space<vmem_shared>>
      %dma_start3A_70 = tpu.memref_slice %arg7[%add3A_59] : memref<1015808xf32, #tpu.memory_space<vmem_shared>> -> memref<15872xf32, #tpu.memory_space<vmem_shared>>
      tpu.enqueue_dma source(%arg5 : memref<15872xf32, #tpu.memory_space<vmem>>) target(%dma_start3A_70 : memref<15872xf32, #tpu.memory_space<vmem_shared>>) target_semaphore(%run_scoped3A : memref<!tpu.dma_semaphore, #tpu.memory_space<semaphore_mem>>)
      %dma_wait3A = tpu.memref_slice %arg7[%add3A_59] : memref<1015808xf32, #tpu.memory_space<vmem_shared>> -> memref<15872xf32, #tpu.memory_space<vmem_shared>>
      %dma_wait3A_71 = tpu.memref_slice %arg7[%add3A_59] : memref<1015808xf32, #tpu.memory_space<vmem_shared>> -> memref<15872xf32, #tpu.memory_space<vmem_shared>>
      tpu.wait_dma2 semaphore(%run_scoped3A : memref<!tpu.dma_semaphore, #tpu.memory_space<semaphore_mem>>) src(%arg5 : memref<15872xf32, #tpu.memory_space<vmem>>) dst(%dma_wait3A_71 : memref<15872xf32, #tpu.memory_space<vmem_shared>>)
      tpu.yield
    }) : () -> ()
    %add3A_60 = arith.constant 47616 : i32
    %add3A_61 = arith.addi %mul3A_53, %add3A_60 : i32
    "tpu.region"() ({
      %run_scoped3A = tpu.sem_alloc : memref<!tpu.dma_semaphore, #tpu.memory_space<semaphore_mem>>
      %dma_start3A = tpu.memref_slice %arg7[%add3A_61] : memref<1015808xf32, #tpu.memory_space<vmem_shared>> -> memref<15872xf32, #tpu.memory_space<vmem_shared>>
      %dma_start3A_70 = tpu.memref_slice %arg7[%add3A_61] : memref<1015808xf32, #tpu.memory_space<vmem_shared>> -> memref<15872xf32, #tpu.memory_space<vmem_shared>>
      tpu.enqueue_dma source(%arg5 : memref<15872xf32, #tpu.memory_space<vmem>>) target(%dma_start3A_70 : memref<15872xf32, #tpu.memory_space<vmem_shared>>) target_semaphore(%run_scoped3A : memref<!tpu.dma_semaphore, #tpu.memory_space<semaphore_mem>>)
      %dma_wait3A = tpu.memref_slice %arg7[%add3A_61] : memref<1015808xf32, #tpu.memory_space<vmem_shared>> -> memref<15872xf32, #tpu.memory_space<vmem_shared>>
      %dma_wait3A_71 = tpu.memref_slice %arg7[%add3A_61] : memref<1015808xf32, #tpu.memory_space<vmem_shared>> -> memref<15872xf32, #tpu.memory_space<vmem_shared>>
      tpu.wait_dma2 semaphore(%run_scoped3A : memref<!tpu.dma_semaphore, #tpu.memory_space<semaphore_mem>>) src(%arg5 : memref<15872xf32, #tpu.memory_space<vmem>>) dst(%dma_wait3A_71 : memref<15872xf32, #tpu.memory_space<vmem_shared>>)
      tpu.yield
    }) : () -> ()
    %barrier3A = arith.constant 0 : index
    tpu.barrier barrier_id(%barrier3A)
    %scan3A_62 = arith.constant 0 : i32
    %scan3A_63 = arith.constant 0 : i32
    %scan3A_64 = arith.constant 25 : i32
    %scan3A_65 = arith.addi %scan3A_63, %scan3A_64 : i32
    %scan3A_66 = arith.constant 1 : i32
    %scan3A_67 = scf.for %scan3A_70 = %scan3A_63 to %scan3A_65 step %scan3A_66 iter_args(%scan3A_71 = %scan3A_62) -> (i32)  : i32 {
      %mul3A_72 = arith.constant 8 : i32
      %mul3A_73 = arith.muli %scan3A_70, %mul3A_72 : i32
      %add3A_74 = arith.constant 0 : i32
      %add3A_75 = arith.addi %mul3A_73, %add3A_74 : i32
      %dma_start3A = arith.constant 0 : i32
      %dma_start3A_76 = tpu.memref_slice %arg4[%add3A_75, %dma_start3A] : memref<200x128xi32, #tpu.memory_space<vmem>> -> memref<1x128xi32, #tpu.memory_space<vmem>>
      %dma_start3A_77 = tpu.memref_squeeze %dma_start3A_76 : memref<1x128xi32, #tpu.memory_space<vmem>> -> memref<128xi32, #tpu.memory_space<vmem>>
      %dma_start3A_78 = arith.constant 0 : i32
      %dma_start3A_79 = tpu.memref_slice %arg7[%dma_start3A_78] : memref<1015808xf32, #tpu.memory_space<vmem_shared>> -> memref<1015808xf32, #tpu.memory_space<vmem_shared>>
      tpu.enqueue_indirect_dma source(%arg6 : memref<128xf32, #tpu.memory_space<vmem>>) target(%dma_start3A_79 : memref<1015808xf32, #tpu.memory_space<vmem_shared>>) offsets(%dma_start3A_77 : memref<128xi32, #tpu.memory_space<vmem>>) semaphore(%arg8 : memref<!tpu.dma_semaphore, #tpu.memory_space<semaphore_mem>>) {add = true}
      %mul3A_80 = arith.constant 8 : i32
      %mul3A_81 = arith.muli %scan3A_70, %mul3A_80 : i32
      %add3A_82 = arith.constant 1 : i32
      %add3A_83 = arith.addi %mul3A_81, %add3A_82 : i32
      %dma_start3A_84 = arith.constant 0 : i32
      %dma_start3A_85 = tpu.memref_slice %arg4[%add3A_83, %dma_start3A_84] : memref<200x128xi32, #tpu.memory_space<vmem>> -> memref<1x128xi32, #tpu.memory_space<vmem>>
      %dma_start3A_86 = tpu.memref_squeeze %dma_start3A_85 : memref<1x128xi32, #tpu.memory_space<vmem>> -> memref<128xi32, #tpu.memory_space<vmem>>
      %dma_start3A_87 = arith.constant 0 : i32
      %dma_start3A_88 = tpu.memref_slice %arg7[%dma_start3A_87] : memref<1015808xf32, #tpu.memory_space<vmem_shared>> -> memref<1015808xf32, #tpu.memory_space<vmem_shared>>
      tpu.enqueue_indirect_dma source(%arg6 : memref<128xf32, #tpu.memory_space<vmem>>) target(%dma_start3A_88 : memref<1015808xf32, #tpu.memory_space<vmem_shared>>) offsets(%dma_start3A_86 : memref<128xi32, #tpu.memory_space<vmem>>) semaphore(%arg8 : memref<!tpu.dma_semaphore, #tpu.memory_space<semaphore_mem>>) {add = true}
      %mul3A_89 = arith.constant 8 : i32
      %mul3A_90 = arith.muli %scan3A_70, %mul3A_89 : i32
      %add3A_91 = arith.constant 2 : i32
      %add3A_92 = arith.addi %mul3A_90, %add3A_91 : i32
      %dma_start3A_93 = arith.constant 0 : i32
      %dma_start3A_94 = tpu.memref_slice %arg4[%add3A_92, %dma_start3A_93] : memref<200x128xi32, #tpu.memory_space<vmem>> -> memref<1x128xi32, #tpu.memory_space<vmem>>
      %dma_start3A_95 = tpu.memref_squeeze %dma_start3A_94 : memref<1x128xi32, #tpu.memory_space<vmem>> -> memref<128xi32, #tpu.memory_space<vmem>>
      %dma_start3A_96 = arith.constant 0 : i32
      %dma_start3A_97 = tpu.memref_slice %arg7[%dma_start3A_96] : memref<1015808xf32, #tpu.memory_space<vmem_shared>> -> memref<1015808xf32, #tpu.memory_space<vmem_shared>>
      tpu.enqueue_indirect_dma source(%arg6 : memref<128xf32, #tpu.memory_space<vmem>>) target(%dma_start3A_97 : memref<1015808xf32, #tpu.memory_space<vmem_shared>>) offsets(%dma_start3A_95 : memref<128xi32, #tpu.memory_space<vmem>>) semaphore(%arg8 : memref<!tpu.dma_semaphore, #tpu.memory_space<semaphore_mem>>) {add = true}
      %mul3A_98 = arith.constant 8 : i32
      %mul3A_99 = arith.muli %scan3A_70, %mul3A_98 : i32
      %add3A_100 = arith.constant 3 : i32
      %add3A_101 = arith.addi %mul3A_99, %add3A_100 : i32
      %dma_start3A_102 = arith.constant 0 : i32
      %dma_start3A_103 = tpu.memref_slice %arg4[%add3A_101, %dma_start3A_102] : memref<200x128xi32, #tpu.memory_space<vmem>> -> memref<1x128xi32, #tpu.memory_space<vmem>>
      %dma_start3A_104 = tpu.memref_squeeze %dma_start3A_103 : memref<1x128xi32, #tpu.memory_space<vmem>> -> memref<128xi32, #tpu.memory_space<vmem>>
      %dma_start3A_105 = arith.constant 0 : i32
      %dma_start3A_106 = tpu.memref_slice %arg7[%dma_start3A_105] : memref<1015808xf32, #tpu.memory_space<vmem_shared>> -> memref<1015808xf32, #tpu.memory_space<vmem_shared>>
      tpu.enqueue_indirect_dma source(%arg6 : memref<128xf32, #tpu.memory_space<vmem>>) target(%dma_start3A_106 : memref<1015808xf32, #tpu.memory_space<vmem_shared>>) offsets(%dma_start3A_104 : memref<128xi32, #tpu.memory_space<vmem>>) semaphore(%arg8 : memref<!tpu.dma_semaphore, #tpu.memory_space<semaphore_mem>>) {add = true}
      %mul3A_107 = arith.constant 8 : i32
      %mul3A_108 = arith.muli %scan3A_70, %mul3A_107 : i32
      %add3A_109 = arith.constant 4 : i32
      %add3A_110 = arith.addi %mul3A_108, %add3A_109 : i32
      %dma_start3A_111 = arith.constant 0 : i32
      %dma_start3A_112 = tpu.memref_slice %arg4[%add3A_110, %dma_start3A_111] : memref<200x128xi32, #tpu.memory_space<vmem>> -> memref<1x128xi32, #tpu.memory_space<vmem>>
      %dma_start3A_113 = tpu.memref_squeeze %dma_start3A_112 : memref<1x128xi32, #tpu.memory_space<vmem>> -> memref<128xi32, #tpu.memory_space<vmem>>
      %dma_start3A_114 = arith.constant 0 : i32
      %dma_start3A_115 = tpu.memref_slice %arg7[%dma_start3A_114] : memref<1015808xf32, #tpu.memory_space<vmem_shared>> -> memref<1015808xf32, #tpu.memory_space<vmem_shared>>
      tpu.enqueue_indirect_dma source(%arg6 : memref<128xf32, #tpu.memory_space<vmem>>) target(%dma_start3A_115 : memref<1015808xf32, #tpu.memory_space<vmem_shared>>) offsets(%dma_start3A_113 : memref<128xi32, #tpu.memory_space<vmem>>) semaphore(%arg8 : memref<!tpu.dma_semaphore, #tpu.memory_space<semaphore_mem>>) {add = true}
      %mul3A_116 = arith.constant 8 : i32
      %mul3A_117 = arith.muli %scan3A_70, %mul3A_116 : i32
      %add3A_118 = arith.constant 5 : i32
      %add3A_119 = arith.addi %mul3A_117, %add3A_118 : i32
      %dma_start3A_120 = arith.constant 0 : i32
      %dma_start3A_121 = tpu.memref_slice %arg4[%add3A_119, %dma_start3A_120] : memref<200x128xi32, #tpu.memory_space<vmem>> -> memref<1x128xi32, #tpu.memory_space<vmem>>
      %dma_start3A_122 = tpu.memref_squeeze %dma_start3A_121 : memref<1x128xi32, #tpu.memory_space<vmem>> -> memref<128xi32, #tpu.memory_space<vmem>>
      %dma_start3A_123 = arith.constant 0 : i32
      %dma_start3A_124 = tpu.memref_slice %arg7[%dma_start3A_123] : memref<1015808xf32, #tpu.memory_space<vmem_shared>> -> memref<1015808xf32, #tpu.memory_space<vmem_shared>>
      tpu.enqueue_indirect_dma source(%arg6 : memref<128xf32, #tpu.memory_space<vmem>>) target(%dma_start3A_124 : memref<1015808xf32, #tpu.memory_space<vmem_shared>>) offsets(%dma_start3A_122 : memref<128xi32, #tpu.memory_space<vmem>>) semaphore(%arg8 : memref<!tpu.dma_semaphore, #tpu.memory_space<semaphore_mem>>) {add = true}
      %mul3A_125 = arith.constant 8 : i32
      %mul3A_126 = arith.muli %scan3A_70, %mul3A_125 : i32
      %add3A_127 = arith.constant 6 : i32
      %add3A_128 = arith.addi %mul3A_126, %add3A_127 : i32
      %dma_start3A_129 = arith.constant 0 : i32
      %dma_start3A_130 = tpu.memref_slice %arg4[%add3A_128, %dma_start3A_129] : memref<200x128xi32, #tpu.memory_space<vmem>> -> memref<1x128xi32, #tpu.memory_space<vmem>>
      %dma_start3A_131 = tpu.memref_squeeze %dma_start3A_130 : memref<1x128xi32, #tpu.memory_space<vmem>> -> memref<128xi32, #tpu.memory_space<vmem>>
      %dma_start3A_132 = arith.constant 0 : i32
      %dma_start3A_133 = tpu.memref_slice %arg7[%dma_start3A_132] : memref<1015808xf32, #tpu.memory_space<vmem_shared>> -> memref<1015808xf32, #tpu.memory_space<vmem_shared>>
      tpu.enqueue_indirect_dma source(%arg6 : memref<128xf32, #tpu.memory_space<vmem>>) target(%dma_start3A_133 : memref<1015808xf32, #tpu.memory_space<vmem_shared>>) offsets(%dma_start3A_131 : memref<128xi32, #tpu.memory_space<vmem>>) semaphore(%arg8 : memref<!tpu.dma_semaphore, #tpu.memory_space<semaphore_mem>>) {add = true}
      %mul3A_134 = arith.constant 8 : i32
      %mul3A_135 = arith.muli %scan3A_70, %mul3A_134 : i32
      %add3A_136 = arith.constant 7 : i32
      %add3A_137 = arith.addi %mul3A_135, %add3A_136 : i32
      %dma_start3A_138 = arith.constant 0 : i32
      %dma_start3A_139 = tpu.memref_slice %arg4[%add3A_137, %dma_start3A_138] : memref<200x128xi32, #tpu.memory_space<vmem>> -> memref<1x128xi32, #tpu.memory_space<vmem>>
      %dma_start3A_140 = tpu.memref_squeeze %dma_start3A_139 : memref<1x128xi32, #tpu.memory_space<vmem>> -> memref<128xi32, #tpu.memory_space<vmem>>
      %dma_start3A_141 = arith.constant 0 : i32
      %dma_start3A_142 = tpu.memref_slice %arg7[%dma_start3A_141] : memref<1015808xf32, #tpu.memory_space<vmem_shared>> -> memref<1015808xf32, #tpu.memory_space<vmem_shared>>
      tpu.enqueue_indirect_dma source(%arg6 : memref<128xf32, #tpu.memory_space<vmem>>) target(%dma_start3A_142 : memref<1015808xf32, #tpu.memory_space<vmem_shared>>) offsets(%dma_start3A_140 : memref<128xi32, #tpu.memory_space<vmem>>) semaphore(%arg8 : memref<!tpu.dma_semaphore, #tpu.memory_space<semaphore_mem>>) {add = true}
      %mul3A_143 = arith.constant 8 : i32
      %mul3A_144 = arith.muli %scan3A_70, %mul3A_143 : i32
      %add3A_145 = arith.constant 0 : i32
      %add3A_146 = arith.addi %mul3A_144, %add3A_145 : i32
      %dma_wait3A = arith.constant 0 : i32
      %dma_wait3A_147 = tpu.memref_slice %arg4[%add3A_146, %dma_wait3A] : memref<200x128xi32, #tpu.memory_space<vmem>> -> memref<1x128xi32, #tpu.memory_space<vmem>>
      %dma_wait3A_148 = tpu.memref_squeeze %dma_wait3A_147 : memref<1x128xi32, #tpu.memory_space<vmem>> -> memref<128xi32, #tpu.memory_space<vmem>>
      %dma_wait3A_149 = arith.constant 0 : i32
      %dma_wait3A_150 = tpu.memref_slice %arg7[%dma_wait3A_149] : memref<1015808xf32, #tpu.memory_space<vmem_shared>> -> memref<1015808xf32, #tpu.memory_space<vmem_shared>>
      tpu.wait_indirect_dma semaphore(%arg8 : memref<!tpu.dma_semaphore, #tpu.memory_space<semaphore_mem>>) src(%arg6 : memref<128xf32, #tpu.memory_space<vmem>>) dst(%dma_wait3A_150 : memref<1015808xf32, #tpu.memory_space<vmem_shared>>)
      %mul3A_151 = arith.constant 8 : i32
      %mul3A_152 = arith.muli %scan3A_70, %mul3A_151 : i32
      %add3A_153 = arith.constant 1 : i32
      %add3A_154 = arith.addi %mul3A_152, %add3A_153 : i32
      %dma_wait3A_155 = arith.constant 0 : i32
      %dma_wait3A_156 = tpu.memref_slice %arg4[%add3A_154, %dma_wait3A_155] : memref<200x128xi32, #tpu.memory_space<vmem>> -> memref<1x128xi32, #tpu.memory_space<vmem>>
      %dma_wait3A_157 = tpu.memref_squeeze %dma_wait3A_156 : memref<1x128xi32, #tpu.memory_space<vmem>> -> memref<128xi32, #tpu.memory_space<vmem>>
      %dma_wait3A_158 = arith.constant 0 : i32
      %dma_wait3A_159 = tpu.memref_slice %arg7[%dma_wait3A_158] : memref<1015808xf32, #tpu.memory_space<vmem_shared>> -> memref<1015808xf32, #tpu.memory_space<vmem_shared>>
      tpu.wait_indirect_dma semaphore(%arg8 : memref<!tpu.dma_semaphore, #tpu.memory_space<semaphore_mem>>) src(%arg6 : memref<128xf32, #tpu.memory_space<vmem>>) dst(%dma_wait3A_159 : memref<1015808xf32, #tpu.memory_space<vmem_shared>>)
      %mul3A_160 = arith.constant 8 : i32
      %mul3A_161 = arith.muli %scan3A_70, %mul3A_160 : i32
      %add3A_162 = arith.constant 2 : i32
      %add3A_163 = arith.addi %mul3A_161, %add3A_162 : i32
      %dma_wait3A_164 = arith.constant 0 : i32
      %dma_wait3A_165 = tpu.memref_slice %arg4[%add3A_163, %dma_wait3A_164] : memref<200x128xi32, #tpu.memory_space<vmem>> -> memref<1x128xi32, #tpu.memory_space<vmem>>
      %dma_wait3A_166 = tpu.memref_squeeze %dma_wait3A_165 : memref<1x128xi32, #tpu.memory_space<vmem>> -> memref<128xi32, #tpu.memory_space<vmem>>
      %dma_wait3A_167 = arith.constant 0 : i32
      %dma_wait3A_168 = tpu.memref_slice %arg7[%dma_wait3A_167] : memref<1015808xf32, #tpu.memory_space<vmem_shared>> -> memref<1015808xf32, #tpu.memory_space<vmem_shared>>
      tpu.wait_indirect_dma semaphore(%arg8 : memref<!tpu.dma_semaphore, #tpu.memory_space<semaphore_mem>>) src(%arg6 : memref<128xf32, #tpu.memory_space<vmem>>) dst(%dma_wait3A_168 : memref<1015808xf32, #tpu.memory_space<vmem_shared>>)
      %mul3A_169 = arith.constant 8 : i32
      %mul3A_170 = arith.muli %scan3A_70, %mul3A_169 : i32
      %add3A_171 = arith.constant 3 : i32
      %add3A_172 = arith.addi %mul3A_170, %add3A_171 : i32
      %dma_wait3A_173 = arith.constant 0 : i32
      %dma_wait3A_174 = tpu.memref_slice %arg4[%add3A_172, %dma_wait3A_173] : memref<200x128xi32, #tpu.memory_space<vmem>> -> memref<1x128xi32, #tpu.memory_space<vmem>>
      %dma_wait3A_175 = tpu.memref_squeeze %dma_wait3A_174 : memref<1x128xi32, #tpu.memory_space<vmem>> -> memref<128xi32, #tpu.memory_space<vmem>>
      %dma_wait3A_176 = arith.constant 0 : i32
      %dma_wait3A_177 = tpu.memref_slice %arg7[%dma_wait3A_176] : memref<1015808xf32, #tpu.memory_space<vmem_shared>> -> memref<1015808xf32, #tpu.memory_space<vmem_shared>>
      tpu.wait_indirect_dma semaphore(%arg8 : memref<!tpu.dma_semaphore, #tpu.memory_space<semaphore_mem>>) src(%arg6 : memref<128xf32, #tpu.memory_space<vmem>>) dst(%dma_wait3A_177 : memref<1015808xf32, #tpu.memory_space<vmem_shared>>)
      %mul3A_178 = arith.constant 8 : i32
      %mul3A_179 = arith.muli %scan3A_70, %mul3A_178 : i32
      %add3A_180 = arith.constant 4 : i32
      %add3A_181 = arith.addi %mul3A_179, %add3A_180 : i32
      %dma_wait3A_182 = arith.constant 0 : i32
      %dma_wait3A_183 = tpu.memref_slice %arg4[%add3A_181, %dma_wait3A_182] : memref<200x128xi32, #tpu.memory_space<vmem>> -> memref<1x128xi32, #tpu.memory_space<vmem>>
      %dma_wait3A_184 = tpu.memref_squeeze %dma_wait3A_183 : memref<1x128xi32, #tpu.memory_space<vmem>> -> memref<128xi32, #tpu.memory_space<vmem>>
      %dma_wait3A_185 = arith.constant 0 : i32
      %dma_wait3A_186 = tpu.memref_slice %arg7[%dma_wait3A_185] : memref<1015808xf32, #tpu.memory_space<vmem_shared>> -> memref<1015808xf32, #tpu.memory_space<vmem_shared>>
      tpu.wait_indirect_dma semaphore(%arg8 : memref<!tpu.dma_semaphore, #tpu.memory_space<semaphore_mem>>) src(%arg6 : memref<128xf32, #tpu.memory_space<vmem>>) dst(%dma_wait3A_186 : memref<1015808xf32, #tpu.memory_space<vmem_shared>>)
      %mul3A_187 = arith.constant 8 : i32
      %mul3A_188 = arith.muli %scan3A_70, %mul3A_187 : i32
      %add3A_189 = arith.constant 5 : i32
      %add3A_190 = arith.addi %mul3A_188, %add3A_189 : i32
      %dma_wait3A_191 = arith.constant 0 : i32
      %dma_wait3A_192 = tpu.memref_slice %arg4[%add3A_190, %dma_wait3A_191] : memref<200x128xi32, #tpu.memory_space<vmem>> -> memref<1x128xi32, #tpu.memory_space<vmem>>
      %dma_wait3A_193 = tpu.memref_squeeze %dma_wait3A_192 : memref<1x128xi32, #tpu.memory_space<vmem>> -> memref<128xi32, #tpu.memory_space<vmem>>
      %dma_wait3A_194 = arith.constant 0 : i32
      %dma_wait3A_195 = tpu.memref_slice %arg7[%dma_wait3A_194] : memref<1015808xf32, #tpu.memory_space<vmem_shared>> -> memref<1015808xf32, #tpu.memory_space<vmem_shared>>
      tpu.wait_indirect_dma semaphore(%arg8 : memref<!tpu.dma_semaphore, #tpu.memory_space<semaphore_mem>>) src(%arg6 : memref<128xf32, #tpu.memory_space<vmem>>) dst(%dma_wait3A_195 : memref<1015808xf32, #tpu.memory_space<vmem_shared>>)
      %mul3A_196 = arith.constant 8 : i32
      %mul3A_197 = arith.muli %scan3A_70, %mul3A_196 : i32
      %add3A_198 = arith.constant 6 : i32
      %add3A_199 = arith.addi %mul3A_197, %add3A_198 : i32
      %dma_wait3A_200 = arith.constant 0 : i32
      %dma_wait3A_201 = tpu.memref_slice %arg4[%add3A_199, %dma_wait3A_200] : memref<200x128xi32, #tpu.memory_space<vmem>> -> memref<1x128xi32, #tpu.memory_space<vmem>>
      %dma_wait3A_202 = tpu.memref_squeeze %dma_wait3A_201 : memref<1x128xi32, #tpu.memory_space<vmem>> -> memref<128xi32, #tpu.memory_space<vmem>>
      %dma_wait3A_203 = arith.constant 0 : i32
      %dma_wait3A_204 = tpu.memref_slice %arg7[%dma_wait3A_203] : memref<1015808xf32, #tpu.memory_space<vmem_shared>> -> memref<1015808xf32, #tpu.memory_space<vmem_shared>>
      tpu.wait_indirect_dma semaphore(%arg8 : memref<!tpu.dma_semaphore, #tpu.memory_space<semaphore_mem>>) src(%arg6 : memref<128xf32, #tpu.memory_space<vmem>>) dst(%dma_wait3A_204 : memref<1015808xf32, #tpu.memory_space<vmem_shared>>)
      %mul3A_205 = arith.constant 8 : i32
      %mul3A_206 = arith.muli %scan3A_70, %mul3A_205 : i32
      %add3A_207 = arith.constant 7 : i32
      %add3A_208 = arith.addi %mul3A_206, %add3A_207 : i32
      %dma_wait3A_209 = arith.constant 0 : i32
      %dma_wait3A_210 = tpu.memref_slice %arg4[%add3A_208, %dma_wait3A_209] : memref<200x128xi32, #tpu.memory_space<vmem>> -> memref<1x128xi32, #tpu.memory_space<vmem>>
      %dma_wait3A_211 = tpu.memref_squeeze %dma_wait3A_210 : memref<1x128xi32, #tpu.memory_space<vmem>> -> memref<128xi32, #tpu.memory_space<vmem>>
      %dma_wait3A_212 = arith.constant 0 : i32
      %dma_wait3A_213 = tpu.memref_slice %arg7[%dma_wait3A_212] : memref<1015808xf32, #tpu.memory_space<vmem_shared>> -> memref<1015808xf32, #tpu.memory_space<vmem_shared>>
      tpu.wait_indirect_dma semaphore(%arg8 : memref<!tpu.dma_semaphore, #tpu.memory_space<semaphore_mem>>) src(%arg6 : memref<128xf32, #tpu.memory_space<vmem>>) dst(%dma_wait3A_213 : memref<1015808xf32, #tpu.memory_space<vmem_shared>>)
      %scan3A_214 = arith.constant 0 : i32
      scf.yield %scan3A_214 : i32
    }
    %scan3A_68 = arith.constant 25 : i32
    %barrier3A_69 = arith.constant 0 : index
    tpu.barrier barrier_id(%barrier3A_69)
    "tpu.region"() ({
      %run_scoped3A = tpu.sem_alloc : memref<!tpu.dma_semaphore, #tpu.memory_space<semaphore_mem>>
      %dma_start3A = tpu.memref_slice %arg3[%mul3A_53] : memref<1015808xf32, #tpu.memory_space<hbm>> -> memref<63488xf32, #tpu.memory_space<hbm>>
      %dma_start3A_70 = tpu.memref_slice %arg7[%mul3A_53] : memref<1015808xf32, #tpu.memory_space<vmem_shared>> -> memref<63488xf32, #tpu.memory_space<vmem_shared>>
      tpu.enqueue_dma source(%dma_start3A_70 : memref<63488xf32, #tpu.memory_space<vmem_shared>>) target(%dma_start3A : memref<63488xf32, #tpu.memory_space<hbm>>) target_semaphore(%run_scoped3A : memref<!tpu.dma_semaphore, #tpu.memory_space<semaphore_mem>>)
      %dma_wait3A = tpu.memref_slice %arg3[%mul3A_53] : memref<1015808xf32, #tpu.memory_space<hbm>> -> memref<63488xf32, #tpu.memory_space<hbm>>
      %dma_wait3A_71 = tpu.memref_slice %arg7[%mul3A_53] : memref<1015808xf32, #tpu.memory_space<vmem_shared>> -> memref<63488xf32, #tpu.memory_space<vmem_shared>>
      tpu.wait_dma2 semaphore(%run_scoped3A : memref<!tpu.dma_semaphore, #tpu.memory_space<semaphore_mem>>) src(%dma_wait3A_71 : memref<63488xf32, #tpu.memory_space<vmem_shared>>) dst(%dma_wait3A : memref<63488xf32, #tpu.memory_space<hbm>>)
      tpu.yield
    }) : () -> ()
    return
  }
}

#map = affine_map<(d0, d1) -> (0, 0, 0)>
#map1 = affine_map<(d0, d1) -> (0)>
module attributes {stable_mosaic.version = 14 : i64} {
  func.func @_hist_half(%arg0: i32, %arg1: i32, %arg2: memref<32x200x128xi32, #tpu.memory_space<hbm>>, %arg3: memref<1015808xf32, #tpu.memory_space<hbm>>, %arg4: memref<200x128xi32, #tpu.memory_space<vmem>>, %arg5: memref<15872xf32, #tpu.memory_space<vmem>>, %arg6: memref<128xf32, #tpu.memory_space<vmem>>, %arg7: memref<1015808xf32, #tpu.memory_space<vmem_shared>>, %arg8: memref<!tpu.dma_semaphore, #tpu.memory_space<semaphore_mem>>) attributes {dimension_semantics = [#tpu.dimension_semantics<core_parallel>, #tpu.dimension_semantics<subcore_parallel>], iteration_bounds = array<i64: 1, 16>, scalar_prefetch = 0 : i64, scratch_operands = 5 : i64, tpu.core_type = #tpu.core_type<sc_vector_subcore>, window_params = [{transform_indices = #map}, {transform_indices = #map1}]} {
    %scan3A = arith.constant 0 : i32
    %scan3A_0 = arith.constant 0 : i32
    %scan3A_1 = arith.constant 992 : i32
    %scan3A_2 = arith.addi %scan3A_0, %scan3A_1 : i32
    %scan3A_3 = arith.constant 1 : i32
    %scan3A_4 = scf.for %scan3A_70 = %scan3A_0 to %scan3A_2 step %scan3A_3 iter_args(%scan3A_71 = %scan3A) -> (i32)  : i32 {
      %broadcast_in_dim3A_72 = arith.constant 0.000000e+00 : f32
      %broadcast_in_dim3A_73 = vector.broadcast %broadcast_in_dim3A_72 : f32 to vector<16xf32>
      %mul3A_74 = arith.constant 16 : i32
      %mul3A_75 = arith.muli %scan3A_70, %mul3A_74 : i32
      %swap3A_76 = arith.index_cast %mul3A_75 : i32 to index
      %swap3A_77 = tpu.vector_load %arg5[%swap3A_76] {strides = array<i32>} : memref<15872xf32, #tpu.memory_space<vmem>>, vector<16xf32>,
      %swap3A_78 = vector.shape_cast %swap3A_77 : vector<16xf32> to vector<16xf32>
      %swap3A_79 = vector.shape_cast %broadcast_in_dim3A_73 : vector<16xf32> to vector<16xf32>
      tpu.vector_store %arg5[%swap3A_76], %swap3A_79 {strides = array<i32>} : memref<15872xf32, #tpu.memory_space<vmem>>, vector<16xf32>,
      %scan3A_80 = arith.constant 0 : i32
      scf.yield %scan3A_80 : i32
    }
    %scan3A_5 = arith.constant 992 : i32
    %broadcast_in_dim3A = arith.constant 1.000000e+00 : f32
    %broadcast_in_dim3A_6 = vector.broadcast %broadcast_in_dim3A : f32 to vector<16xf32>
    %swap3A = arith.constant 0 : index
    %swap3A_7 = tpu.vector_load %arg6[%swap3A] {strides = array<i32>} : memref<128xf32, #tpu.memory_space<vmem>>, vector<16xf32>,
    %swap3A_8 = vector.shape_cast %swap3A_7 : vector<16xf32> to vector<16xf32>
    %swap3A_9 = vector.shape_cast %broadcast_in_dim3A_6 : vector<16xf32> to vector<16xf32>
    tpu.vector_store %arg6[%swap3A], %swap3A_9 {strides = array<i32>} : memref<128xf32, #tpu.memory_space<vmem>>, vector<16xf32>,
    %broadcast_in_dim3A_10 = arith.constant 1.000000e+00 : f32
    %broadcast_in_dim3A_11 = vector.broadcast %broadcast_in_dim3A_10 : f32 to vector<16xf32>
    %swap3A_12 = arith.constant 16 : index
    %swap3A_13 = tpu.vector_load %arg6[%swap3A_12] {strides = array<i32>} : memref<128xf32, #tpu.memory_space<vmem>>, vector<16xf32>,
    %swap3A_14 = vector.shape_cast %swap3A_13 : vector<16xf32> to vector<16xf32>
    %swap3A_15 = vector.shape_cast %broadcast_in_dim3A_11 : vector<16xf32> to vector<16xf32>
    tpu.vector_store %arg6[%swap3A_12], %swap3A_15 {strides = array<i32>} : memref<128xf32, #tpu.memory_space<vmem>>, vector<16xf32>,
    %broadcast_in_dim3A_16 = arith.constant 1.000000e+00 : f32
    %broadcast_in_dim3A_17 = vector.broadcast %broadcast_in_dim3A_16 : f32 to vector<16xf32>
    %swap3A_18 = arith.constant 32 : index
    %swap3A_19 = tpu.vector_load %arg6[%swap3A_18] {strides = array<i32>} : memref<128xf32, #tpu.memory_space<vmem>>, vector<16xf32>,
    %swap3A_20 = vector.shape_cast %swap3A_19 : vector<16xf32> to vector<16xf32>
    %swap3A_21 = vector.shape_cast %broadcast_in_dim3A_17 : vector<16xf32> to vector<16xf32>
    tpu.vector_store %arg6[%swap3A_18], %swap3A_21 {strides = array<i32>} : memref<128xf32, #tpu.memory_space<vmem>>, vector<16xf32>,
    %broadcast_in_dim3A_22 = arith.constant 1.000000e+00 : f32
    %broadcast_in_dim3A_23 = vector.broadcast %broadcast_in_dim3A_22 : f32 to vector<16xf32>
    %swap3A_24 = arith.constant 48 : index
    %swap3A_25 = tpu.vector_load %arg6[%swap3A_24] {strides = array<i32>} : memref<128xf32, #tpu.memory_space<vmem>>, vector<16xf32>,
    %swap3A_26 = vector.shape_cast %swap3A_25 : vector<16xf32> to vector<16xf32>
    %swap3A_27 = vector.shape_cast %broadcast_in_dim3A_23 : vector<16xf32> to vector<16xf32>
    tpu.vector_store %arg6[%swap3A_24], %swap3A_27 {strides = array<i32>} : memref<128xf32, #tpu.memory_space<vmem>>, vector<16xf32>,
    %broadcast_in_dim3A_28 = arith.constant 1.000000e+00 : f32
    %broadcast_in_dim3A_29 = vector.broadcast %broadcast_in_dim3A_28 : f32 to vector<16xf32>
    %swap3A_30 = arith.constant 64 : index
    %swap3A_31 = tpu.vector_load %arg6[%swap3A_30] {strides = array<i32>} : memref<128xf32, #tpu.memory_space<vmem>>, vector<16xf32>,
    %swap3A_32 = vector.shape_cast %swap3A_31 : vector<16xf32> to vector<16xf32>
    %swap3A_33 = vector.shape_cast %broadcast_in_dim3A_29 : vector<16xf32> to vector<16xf32>
    tpu.vector_store %arg6[%swap3A_30], %swap3A_33 {strides = array<i32>} : memref<128xf32, #tpu.memory_space<vmem>>, vector<16xf32>,
    %broadcast_in_dim3A_34 = arith.constant 1.000000e+00 : f32
    %broadcast_in_dim3A_35 = vector.broadcast %broadcast_in_dim3A_34 : f32 to vector<16xf32>
    %swap3A_36 = arith.constant 80 : index
    %swap3A_37 = tpu.vector_load %arg6[%swap3A_36] {strides = array<i32>} : memref<128xf32, #tpu.memory_space<vmem>>, vector<16xf32>,
    %swap3A_38 = vector.shape_cast %swap3A_37 : vector<16xf32> to vector<16xf32>
    %swap3A_39 = vector.shape_cast %broadcast_in_dim3A_35 : vector<16xf32> to vector<16xf32>
    tpu.vector_store %arg6[%swap3A_36], %swap3A_39 {strides = array<i32>} : memref<128xf32, #tpu.memory_space<vmem>>, vector<16xf32>,
    %broadcast_in_dim3A_40 = arith.constant 1.000000e+00 : f32
    %broadcast_in_dim3A_41 = vector.broadcast %broadcast_in_dim3A_40 : f32 to vector<16xf32>
    %swap3A_42 = arith.constant 96 : index
    %swap3A_43 = tpu.vector_load %arg6[%swap3A_42] {strides = array<i32>} : memref<128xf32, #tpu.memory_space<vmem>>, vector<16xf32>,
    %swap3A_44 = vector.shape_cast %swap3A_43 : vector<16xf32> to vector<16xf32>
    %swap3A_45 = vector.shape_cast %broadcast_in_dim3A_41 : vector<16xf32> to vector<16xf32>
    tpu.vector_store %arg6[%swap3A_42], %swap3A_45 {strides = array<i32>} : memref<128xf32, #tpu.memory_space<vmem>>, vector<16xf32>,
    %broadcast_in_dim3A_46 = arith.constant 1.000000e+00 : f32
    %broadcast_in_dim3A_47 = vector.broadcast %broadcast_in_dim3A_46 : f32 to vector<16xf32>
    %swap3A_48 = arith.constant 112 : index
    %swap3A_49 = tpu.vector_load %arg6[%swap3A_48] {strides = array<i32>} : memref<128xf32, #tpu.memory_space<vmem>>, vector<16xf32>,
    %swap3A_50 = vector.shape_cast %swap3A_49 : vector<16xf32> to vector<16xf32>
    %swap3A_51 = vector.shape_cast %broadcast_in_dim3A_47 : vector<16xf32> to vector<16xf32>
    tpu.vector_store %arg6[%swap3A_48], %swap3A_51 {strides = array<i32>} : memref<128xf32, #tpu.memory_space<vmem>>, vector<16xf32>,
    %add3A = arith.constant 16 : i32
    %add3A_52 = arith.addi %add3A, %arg1 : i32
    "tpu.region"() ({
      %run_scoped3A = tpu.sem_alloc : memref<!tpu.dma_semaphore, #tpu.memory_space<semaphore_mem>>
      %dma_start3A = arith.constant 0 : i32
      %dma_start3A_70 = arith.constant 0 : i32
      %dma_start3A_71 = tpu.memref_slice %arg2[%add3A_52, %dma_start3A, %dma_start3A_70] : memref<32x200x128xi32, #tpu.memory_space<hbm>> -> memref<1x200x128xi32, #tpu.memory_space<hbm>>
      %dma_start3A_72 = tpu.memref_squeeze %dma_start3A_71 : memref<1x200x128xi32, #tpu.memory_space<hbm>> -> memref<200x128xi32, #tpu.memory_space<hbm>>
      %dma_start3A_73 = arith.constant 0 : i32
      %dma_start3A_74 = arith.constant 0 : i32
      %dma_start3A_75 = tpu.memref_slice %arg2[%add3A_52, %dma_start3A_73, %dma_start3A_74] : memref<32x200x128xi32, #tpu.memory_space<hbm>> -> memref<1x200x128xi32, #tpu.memory_space<hbm>>
      %dma_start3A_76 = tpu.memref_squeeze %dma_start3A_75 : memref<1x200x128xi32, #tpu.memory_space<hbm>> -> memref<200x128xi32, #tpu.memory_space<hbm>>
      tpu.enqueue_dma source(%dma_start3A_76 : memref<200x128xi32, #tpu.memory_space<hbm>>) target(%arg4 : memref<200x128xi32, #tpu.memory_space<vmem>>) target_semaphore(%run_scoped3A : memref<!tpu.dma_semaphore, #tpu.memory_space<semaphore_mem>>)
      %dma_wait3A = arith.constant 0 : i32
      %dma_wait3A_77 = arith.constant 0 : i32
      %dma_wait3A_78 = tpu.memref_slice %arg2[%add3A_52, %dma_wait3A, %dma_wait3A_77] : memref<32x200x128xi32, #tpu.memory_space<hbm>> -> memref<1x200x128xi32, #tpu.memory_space<hbm>>
      %dma_wait3A_79 = tpu.memref_squeeze %dma_wait3A_78 : memref<1x200x128xi32, #tpu.memory_space<hbm>> -> memref<200x128xi32, #tpu.memory_space<hbm>>
      %dma_wait3A_80 = arith.constant 0 : i32
      %dma_wait3A_81 = arith.constant 0 : i32
      %dma_wait3A_82 = tpu.memref_slice %arg2[%add3A_52, %dma_wait3A_80, %dma_wait3A_81] : memref<32x200x128xi32, #tpu.memory_space<hbm>> -> memref<1x200x128xi32, #tpu.memory_space<hbm>>
      %dma_wait3A_83 = tpu.memref_squeeze %dma_wait3A_82 : memref<1x200x128xi32, #tpu.memory_space<hbm>> -> memref<200x128xi32, #tpu.memory_space<hbm>>
      tpu.wait_dma2 semaphore(%run_scoped3A : memref<!tpu.dma_semaphore, #tpu.memory_space<semaphore_mem>>) src(%dma_wait3A_83 : memref<200x128xi32, #tpu.memory_space<hbm>>) dst(%arg4 : memref<200x128xi32, #tpu.memory_space<vmem>>)
      tpu.yield
    }) : () -> ()
    %mul3A = arith.constant 63488 : i32
    %mul3A_53 = arith.muli %arg1, %mul3A : i32
    %add3A_54 = arith.constant 0 : i32
    %add3A_55 = arith.addi %mul3A_53, %add3A_54 : i32
    "tpu.region"() ({
      %run_scoped3A = tpu.sem_alloc : memref<!tpu.dma_semaphore, #tpu.memory_space<semaphore_mem>>
      %dma_start3A = tpu.memref_slice %arg7[%add3A_55] : memref<1015808xf32, #tpu.memory_space<vmem_shared>> -> memref<15872xf32, #tpu.memory_space<vmem_shared>>
      %dma_start3A_70 = tpu.memref_slice %arg7[%add3A_55] : memref<1015808xf32, #tpu.memory_space<vmem_shared>> -> memref<15872xf32, #tpu.memory_space<vmem_shared>>
      tpu.enqueue_dma source(%arg5 : memref<15872xf32, #tpu.memory_space<vmem>>) target(%dma_start3A_70 : memref<15872xf32, #tpu.memory_space<vmem_shared>>) target_semaphore(%run_scoped3A : memref<!tpu.dma_semaphore, #tpu.memory_space<semaphore_mem>>)
      %dma_wait3A = tpu.memref_slice %arg7[%add3A_55] : memref<1015808xf32, #tpu.memory_space<vmem_shared>> -> memref<15872xf32, #tpu.memory_space<vmem_shared>>
      %dma_wait3A_71 = tpu.memref_slice %arg7[%add3A_55] : memref<1015808xf32, #tpu.memory_space<vmem_shared>> -> memref<15872xf32, #tpu.memory_space<vmem_shared>>
      tpu.wait_dma2 semaphore(%run_scoped3A : memref<!tpu.dma_semaphore, #tpu.memory_space<semaphore_mem>>) src(%arg5 : memref<15872xf32, #tpu.memory_space<vmem>>) dst(%dma_wait3A_71 : memref<15872xf32, #tpu.memory_space<vmem_shared>>)
      tpu.yield
    }) : () -> ()
    %add3A_56 = arith.constant 15872 : i32
    %add3A_57 = arith.addi %mul3A_53, %add3A_56 : i32
    "tpu.region"() ({
      %run_scoped3A = tpu.sem_alloc : memref<!tpu.dma_semaphore, #tpu.memory_space<semaphore_mem>>
      %dma_start3A = tpu.memref_slice %arg7[%add3A_57] : memref<1015808xf32, #tpu.memory_space<vmem_shared>> -> memref<15872xf32, #tpu.memory_space<vmem_shared>>
      %dma_start3A_70 = tpu.memref_slice %arg7[%add3A_57] : memref<1015808xf32, #tpu.memory_space<vmem_shared>> -> memref<15872xf32, #tpu.memory_space<vmem_shared>>
      tpu.enqueue_dma source(%arg5 : memref<15872xf32, #tpu.memory_space<vmem>>) target(%dma_start3A_70 : memref<15872xf32, #tpu.memory_space<vmem_shared>>) target_semaphore(%run_scoped3A : memref<!tpu.dma_semaphore, #tpu.memory_space<semaphore_mem>>)
      %dma_wait3A = tpu.memref_slice %arg7[%add3A_57] : memref<1015808xf32, #tpu.memory_space<vmem_shared>> -> memref<15872xf32, #tpu.memory_space<vmem_shared>>
      %dma_wait3A_71 = tpu.memref_slice %arg7[%add3A_57] : memref<1015808xf32, #tpu.memory_space<vmem_shared>> -> memref<15872xf32, #tpu.memory_space<vmem_shared>>
      tpu.wait_dma2 semaphore(%run_scoped3A : memref<!tpu.dma_semaphore, #tpu.memory_space<semaphore_mem>>) src(%arg5 : memref<15872xf32, #tpu.memory_space<vmem>>) dst(%dma_wait3A_71 : memref<15872xf32, #tpu.memory_space<vmem_shared>>)
      tpu.yield
    }) : () -> ()
    %add3A_58 = arith.constant 31744 : i32
    %add3A_59 = arith.addi %mul3A_53, %add3A_58 : i32
    "tpu.region"() ({
      %run_scoped3A = tpu.sem_alloc : memref<!tpu.dma_semaphore, #tpu.memory_space<semaphore_mem>>
      %dma_start3A = tpu.memref_slice %arg7[%add3A_59] : memref<1015808xf32, #tpu.memory_space<vmem_shared>> -> memref<15872xf32, #tpu.memory_space<vmem_shared>>
      %dma_start3A_70 = tpu.memref_slice %arg7[%add3A_59] : memref<1015808xf32, #tpu.memory_space<vmem_shared>> -> memref<15872xf32, #tpu.memory_space<vmem_shared>>
      tpu.enqueue_dma source(%arg5 : memref<15872xf32, #tpu.memory_space<vmem>>) target(%dma_start3A_70 : memref<15872xf32, #tpu.memory_space<vmem_shared>>) target_semaphore(%run_scoped3A : memref<!tpu.dma_semaphore, #tpu.memory_space<semaphore_mem>>)
      %dma_wait3A = tpu.memref_slice %arg7[%add3A_59] : memref<1015808xf32, #tpu.memory_space<vmem_shared>> -> memref<15872xf32, #tpu.memory_space<vmem_shared>>
      %dma_wait3A_71 = tpu.memref_slice %arg7[%add3A_59] : memref<1015808xf32, #tpu.memory_space<vmem_shared>> -> memref<15872xf32, #tpu.memory_space<vmem_shared>>
      tpu.wait_dma2 semaphore(%run_scoped3A : memref<!tpu.dma_semaphore, #tpu.memory_space<semaphore_mem>>) src(%arg5 : memref<15872xf32, #tpu.memory_space<vmem>>) dst(%dma_wait3A_71 : memref<15872xf32, #tpu.memory_space<vmem_shared>>)
      tpu.yield
    }) : () -> ()
    %add3A_60 = arith.constant 47616 : i32
    %add3A_61 = arith.addi %mul3A_53, %add3A_60 : i32
    "tpu.region"() ({
      %run_scoped3A = tpu.sem_alloc : memref<!tpu.dma_semaphore, #tpu.memory_space<semaphore_mem>>
      %dma_start3A = tpu.memref_slice %arg7[%add3A_61] : memref<1015808xf32, #tpu.memory_space<vmem_shared>> -> memref<15872xf32, #tpu.memory_space<vmem_shared>>
      %dma_start3A_70 = tpu.memref_slice %arg7[%add3A_61] : memref<1015808xf32, #tpu.memory_space<vmem_shared>> -> memref<15872xf32, #tpu.memory_space<vmem_shared>>
      tpu.enqueue_dma source(%arg5 : memref<15872xf32, #tpu.memory_space<vmem>>) target(%dma_start3A_70 : memref<15872xf32, #tpu.memory_space<vmem_shared>>) target_semaphore(%run_scoped3A : memref<!tpu.dma_semaphore, #tpu.memory_space<semaphore_mem>>)
      %dma_wait3A = tpu.memref_slice %arg7[%add3A_61] : memref<1015808xf32, #tpu.memory_space<vmem_shared>> -> memref<15872xf32, #tpu.memory_space<vmem_shared>>
      %dma_wait3A_71 = tpu.memref_slice %arg7[%add3A_61] : memref<1015808xf32, #tpu.memory_space<vmem_shared>> -> memref<15872xf32, #tpu.memory_space<vmem_shared>>
      tpu.wait_dma2 semaphore(%run_scoped3A : memref<!tpu.dma_semaphore, #tpu.memory_space<semaphore_mem>>) src(%arg5 : memref<15872xf32, #tpu.memory_space<vmem>>) dst(%dma_wait3A_71 : memref<15872xf32, #tpu.memory_space<vmem_shared>>)
      tpu.yield
    }) : () -> ()
    %barrier3A = arith.constant 0 : index
    tpu.barrier barrier_id(%barrier3A)
    %scan3A_62 = arith.constant 0 : i32
    %scan3A_63 = arith.constant 0 : i32
    %scan3A_64 = arith.constant 25 : i32
    %scan3A_65 = arith.addi %scan3A_63, %scan3A_64 : i32
    %scan3A_66 = arith.constant 1 : i32
    %scan3A_67 = scf.for %scan3A_70 = %scan3A_63 to %scan3A_65 step %scan3A_66 iter_args(%scan3A_71 = %scan3A_62) -> (i32)  : i32 {
      %mul3A_72 = arith.constant 8 : i32
      %mul3A_73 = arith.muli %scan3A_70, %mul3A_72 : i32
      %add3A_74 = arith.constant 0 : i32
      %add3A_75 = arith.addi %mul3A_73, %add3A_74 : i32
      %dma_start3A = arith.constant 0 : i32
      %dma_start3A_76 = tpu.memref_slice %arg4[%add3A_75, %dma_start3A] : memref<200x128xi32, #tpu.memory_space<vmem>> -> memref<1x128xi32, #tpu.memory_space<vmem>>
      %dma_start3A_77 = tpu.memref_squeeze %dma_start3A_76 : memref<1x128xi32, #tpu.memory_space<vmem>> -> memref<128xi32, #tpu.memory_space<vmem>>
      %dma_start3A_78 = arith.constant 0 : i32
      %dma_start3A_79 = tpu.memref_slice %arg7[%dma_start3A_78] : memref<1015808xf32, #tpu.memory_space<vmem_shared>> -> memref<1015808xf32, #tpu.memory_space<vmem_shared>>
      tpu.enqueue_indirect_dma source(%arg6 : memref<128xf32, #tpu.memory_space<vmem>>) target(%dma_start3A_79 : memref<1015808xf32, #tpu.memory_space<vmem_shared>>) offsets(%dma_start3A_77 : memref<128xi32, #tpu.memory_space<vmem>>) semaphore(%arg8 : memref<!tpu.dma_semaphore, #tpu.memory_space<semaphore_mem>>) {add = true}
      %mul3A_80 = arith.constant 8 : i32
      %mul3A_81 = arith.muli %scan3A_70, %mul3A_80 : i32
      %add3A_82 = arith.constant 1 : i32
      %add3A_83 = arith.addi %mul3A_81, %add3A_82 : i32
      %dma_start3A_84 = arith.constant 0 : i32
      %dma_start3A_85 = tpu.memref_slice %arg4[%add3A_83, %dma_start3A_84] : memref<200x128xi32, #tpu.memory_space<vmem>> -> memref<1x128xi32, #tpu.memory_space<vmem>>
      %dma_start3A_86 = tpu.memref_squeeze %dma_start3A_85 : memref<1x128xi32, #tpu.memory_space<vmem>> -> memref<128xi32, #tpu.memory_space<vmem>>
      %dma_start3A_87 = arith.constant 0 : i32
      %dma_start3A_88 = tpu.memref_slice %arg7[%dma_start3A_87] : memref<1015808xf32, #tpu.memory_space<vmem_shared>> -> memref<1015808xf32, #tpu.memory_space<vmem_shared>>
      tpu.enqueue_indirect_dma source(%arg6 : memref<128xf32, #tpu.memory_space<vmem>>) target(%dma_start3A_88 : memref<1015808xf32, #tpu.memory_space<vmem_shared>>) offsets(%dma_start3A_86 : memref<128xi32, #tpu.memory_space<vmem>>) semaphore(%arg8 : memref<!tpu.dma_semaphore, #tpu.memory_space<semaphore_mem>>) {add = true}
      %mul3A_89 = arith.constant 8 : i32
      %mul3A_90 = arith.muli %scan3A_70, %mul3A_89 : i32
      %add3A_91 = arith.constant 2 : i32
      %add3A_92 = arith.addi %mul3A_90, %add3A_91 : i32
      %dma_start3A_93 = arith.constant 0 : i32
      %dma_start3A_94 = tpu.memref_slice %arg4[%add3A_92, %dma_start3A_93] : memref<200x128xi32, #tpu.memory_space<vmem>> -> memref<1x128xi32, #tpu.memory_space<vmem>>
      %dma_start3A_95 = tpu.memref_squeeze %dma_start3A_94 : memref<1x128xi32, #tpu.memory_space<vmem>> -> memref<128xi32, #tpu.memory_space<vmem>>
      %dma_start3A_96 = arith.constant 0 : i32
      %dma_start3A_97 = tpu.memref_slice %arg7[%dma_start3A_96] : memref<1015808xf32, #tpu.memory_space<vmem_shared>> -> memref<1015808xf32, #tpu.memory_space<vmem_shared>>
      tpu.enqueue_indirect_dma source(%arg6 : memref<128xf32, #tpu.memory_space<vmem>>) target(%dma_start3A_97 : memref<1015808xf32, #tpu.memory_space<vmem_shared>>) offsets(%dma_start3A_95 : memref<128xi32, #tpu.memory_space<vmem>>) semaphore(%arg8 : memref<!tpu.dma_semaphore, #tpu.memory_space<semaphore_mem>>) {add = true}
      %mul3A_98 = arith.constant 8 : i32
      %mul3A_99 = arith.muli %scan3A_70, %mul3A_98 : i32
      %add3A_100 = arith.constant 3 : i32
      %add3A_101 = arith.addi %mul3A_99, %add3A_100 : i32
      %dma_start3A_102 = arith.constant 0 : i32
      %dma_start3A_103 = tpu.memref_slice %arg4[%add3A_101, %dma_start3A_102] : memref<200x128xi32, #tpu.memory_space<vmem>> -> memref<1x128xi32, #tpu.memory_space<vmem>>
      %dma_start3A_104 = tpu.memref_squeeze %dma_start3A_103 : memref<1x128xi32, #tpu.memory_space<vmem>> -> memref<128xi32, #tpu.memory_space<vmem>>
      %dma_start3A_105 = arith.constant 0 : i32
      %dma_start3A_106 = tpu.memref_slice %arg7[%dma_start3A_105] : memref<1015808xf32, #tpu.memory_space<vmem_shared>> -> memref<1015808xf32, #tpu.memory_space<vmem_shared>>
      tpu.enqueue_indirect_dma source(%arg6 : memref<128xf32, #tpu.memory_space<vmem>>) target(%dma_start3A_106 : memref<1015808xf32, #tpu.memory_space<vmem_shared>>) offsets(%dma_start3A_104 : memref<128xi32, #tpu.memory_space<vmem>>) semaphore(%arg8 : memref<!tpu.dma_semaphore, #tpu.memory_space<semaphore_mem>>) {add = true}
      %mul3A_107 = arith.constant 8 : i32
      %mul3A_108 = arith.muli %scan3A_70, %mul3A_107 : i32
      %add3A_109 = arith.constant 4 : i32
      %add3A_110 = arith.addi %mul3A_108, %add3A_109 : i32
      %dma_start3A_111 = arith.constant 0 : i32
      %dma_start3A_112 = tpu.memref_slice %arg4[%add3A_110, %dma_start3A_111] : memref<200x128xi32, #tpu.memory_space<vmem>> -> memref<1x128xi32, #tpu.memory_space<vmem>>
      %dma_start3A_113 = tpu.memref_squeeze %dma_start3A_112 : memref<1x128xi32, #tpu.memory_space<vmem>> -> memref<128xi32, #tpu.memory_space<vmem>>
      %dma_start3A_114 = arith.constant 0 : i32
      %dma_start3A_115 = tpu.memref_slice %arg7[%dma_start3A_114] : memref<1015808xf32, #tpu.memory_space<vmem_shared>> -> memref<1015808xf32, #tpu.memory_space<vmem_shared>>
      tpu.enqueue_indirect_dma source(%arg6 : memref<128xf32, #tpu.memory_space<vmem>>) target(%dma_start3A_115 : memref<1015808xf32, #tpu.memory_space<vmem_shared>>) offsets(%dma_start3A_113 : memref<128xi32, #tpu.memory_space<vmem>>) semaphore(%arg8 : memref<!tpu.dma_semaphore, #tpu.memory_space<semaphore_mem>>) {add = true}
      %mul3A_116 = arith.constant 8 : i32
      %mul3A_117 = arith.muli %scan3A_70, %mul3A_116 : i32
      %add3A_118 = arith.constant 5 : i32
      %add3A_119 = arith.addi %mul3A_117, %add3A_118 : i32
      %dma_start3A_120 = arith.constant 0 : i32
      %dma_start3A_121 = tpu.memref_slice %arg4[%add3A_119, %dma_start3A_120] : memref<200x128xi32, #tpu.memory_space<vmem>> -> memref<1x128xi32, #tpu.memory_space<vmem>>
      %dma_start3A_122 = tpu.memref_squeeze %dma_start3A_121 : memref<1x128xi32, #tpu.memory_space<vmem>> -> memref<128xi32, #tpu.memory_space<vmem>>
      %dma_start3A_123 = arith.constant 0 : i32
      %dma_start3A_124 = tpu.memref_slice %arg7[%dma_start3A_123] : memref<1015808xf32, #tpu.memory_space<vmem_shared>> -> memref<1015808xf32, #tpu.memory_space<vmem_shared>>
      tpu.enqueue_indirect_dma source(%arg6 : memref<128xf32, #tpu.memory_space<vmem>>) target(%dma_start3A_124 : memref<1015808xf32, #tpu.memory_space<vmem_shared>>) offsets(%dma_start3A_122 : memref<128xi32, #tpu.memory_space<vmem>>) semaphore(%arg8 : memref<!tpu.dma_semaphore, #tpu.memory_space<semaphore_mem>>) {add = true}
      %mul3A_125 = arith.constant 8 : i32
      %mul3A_126 = arith.muli %scan3A_70, %mul3A_125 : i32
      %add3A_127 = arith.constant 6 : i32
      %add3A_128 = arith.addi %mul3A_126, %add3A_127 : i32
      %dma_start3A_129 = arith.constant 0 : i32
      %dma_start3A_130 = tpu.memref_slice %arg4[%add3A_128, %dma_start3A_129] : memref<200x128xi32, #tpu.memory_space<vmem>> -> memref<1x128xi32, #tpu.memory_space<vmem>>
      %dma_start3A_131 = tpu.memref_squeeze %dma_start3A_130 : memref<1x128xi32, #tpu.memory_space<vmem>> -> memref<128xi32, #tpu.memory_space<vmem>>
      %dma_start3A_132 = arith.constant 0 : i32
      %dma_start3A_133 = tpu.memref_slice %arg7[%dma_start3A_132] : memref<1015808xf32, #tpu.memory_space<vmem_shared>> -> memref<1015808xf32, #tpu.memory_space<vmem_shared>>
      tpu.enqueue_indirect_dma source(%arg6 : memref<128xf32, #tpu.memory_space<vmem>>) target(%dma_start3A_133 : memref<1015808xf32, #tpu.memory_space<vmem_shared>>) offsets(%dma_start3A_131 : memref<128xi32, #tpu.memory_space<vmem>>) semaphore(%arg8 : memref<!tpu.dma_semaphore, #tpu.memory_space<semaphore_mem>>) {add = true}
      %mul3A_134 = arith.constant 8 : i32
      %mul3A_135 = arith.muli %scan3A_70, %mul3A_134 : i32
      %add3A_136 = arith.constant 7 : i32
      %add3A_137 = arith.addi %mul3A_135, %add3A_136 : i32
      %dma_start3A_138 = arith.constant 0 : i32
      %dma_start3A_139 = tpu.memref_slice %arg4[%add3A_137, %dma_start3A_138] : memref<200x128xi32, #tpu.memory_space<vmem>> -> memref<1x128xi32, #tpu.memory_space<vmem>>
      %dma_start3A_140 = tpu.memref_squeeze %dma_start3A_139 : memref<1x128xi32, #tpu.memory_space<vmem>> -> memref<128xi32, #tpu.memory_space<vmem>>
      %dma_start3A_141 = arith.constant 0 : i32
      %dma_start3A_142 = tpu.memref_slice %arg7[%dma_start3A_141] : memref<1015808xf32, #tpu.memory_space<vmem_shared>> -> memref<1015808xf32, #tpu.memory_space<vmem_shared>>
      tpu.enqueue_indirect_dma source(%arg6 : memref<128xf32, #tpu.memory_space<vmem>>) target(%dma_start3A_142 : memref<1015808xf32, #tpu.memory_space<vmem_shared>>) offsets(%dma_start3A_140 : memref<128xi32, #tpu.memory_space<vmem>>) semaphore(%arg8 : memref<!tpu.dma_semaphore, #tpu.memory_space<semaphore_mem>>) {add = true}
      %mul3A_143 = arith.constant 8 : i32
      %mul3A_144 = arith.muli %scan3A_70, %mul3A_143 : i32
      %add3A_145 = arith.constant 0 : i32
      %add3A_146 = arith.addi %mul3A_144, %add3A_145 : i32
      %dma_wait3A = arith.constant 0 : i32
      %dma_wait3A_147 = tpu.memref_slice %arg4[%add3A_146, %dma_wait3A] : memref<200x128xi32, #tpu.memory_space<vmem>> -> memref<1x128xi32, #tpu.memory_space<vmem>>
      %dma_wait3A_148 = tpu.memref_squeeze %dma_wait3A_147 : memref<1x128xi32, #tpu.memory_space<vmem>> -> memref<128xi32, #tpu.memory_space<vmem>>
      %dma_wait3A_149 = arith.constant 0 : i32
      %dma_wait3A_150 = tpu.memref_slice %arg7[%dma_wait3A_149] : memref<1015808xf32, #tpu.memory_space<vmem_shared>> -> memref<1015808xf32, #tpu.memory_space<vmem_shared>>
      tpu.wait_indirect_dma semaphore(%arg8 : memref<!tpu.dma_semaphore, #tpu.memory_space<semaphore_mem>>) src(%arg6 : memref<128xf32, #tpu.memory_space<vmem>>) dst(%dma_wait3A_150 : memref<1015808xf32, #tpu.memory_space<vmem_shared>>)
      %mul3A_151 = arith.constant 8 : i32
      %mul3A_152 = arith.muli %scan3A_70, %mul3A_151 : i32
      %add3A_153 = arith.constant 1 : i32
      %add3A_154 = arith.addi %mul3A_152, %add3A_153 : i32
      %dma_wait3A_155 = arith.constant 0 : i32
      %dma_wait3A_156 = tpu.memref_slice %arg4[%add3A_154, %dma_wait3A_155] : memref<200x128xi32, #tpu.memory_space<vmem>> -> memref<1x128xi32, #tpu.memory_space<vmem>>
      %dma_wait3A_157 = tpu.memref_squeeze %dma_wait3A_156 : memref<1x128xi32, #tpu.memory_space<vmem>> -> memref<128xi32, #tpu.memory_space<vmem>>
      %dma_wait3A_158 = arith.constant 0 : i32
      %dma_wait3A_159 = tpu.memref_slice %arg7[%dma_wait3A_158] : memref<1015808xf32, #tpu.memory_space<vmem_shared>> -> memref<1015808xf32, #tpu.memory_space<vmem_shared>>
      tpu.wait_indirect_dma semaphore(%arg8 : memref<!tpu.dma_semaphore, #tpu.memory_space<semaphore_mem>>) src(%arg6 : memref<128xf32, #tpu.memory_space<vmem>>) dst(%dma_wait3A_159 : memref<1015808xf32, #tpu.memory_space<vmem_shared>>)
      %mul3A_160 = arith.constant 8 : i32
      %mul3A_161 = arith.muli %scan3A_70, %mul3A_160 : i32
      %add3A_162 = arith.constant 2 : i32
      %add3A_163 = arith.addi %mul3A_161, %add3A_162 : i32
      %dma_wait3A_164 = arith.constant 0 : i32
      %dma_wait3A_165 = tpu.memref_slice %arg4[%add3A_163, %dma_wait3A_164] : memref<200x128xi32, #tpu.memory_space<vmem>> -> memref<1x128xi32, #tpu.memory_space<vmem>>
      %dma_wait3A_166 = tpu.memref_squeeze %dma_wait3A_165 : memref<1x128xi32, #tpu.memory_space<vmem>> -> memref<128xi32, #tpu.memory_space<vmem>>
      %dma_wait3A_167 = arith.constant 0 : i32
      %dma_wait3A_168 = tpu.memref_slice %arg7[%dma_wait3A_167] : memref<1015808xf32, #tpu.memory_space<vmem_shared>> -> memref<1015808xf32, #tpu.memory_space<vmem_shared>>
      tpu.wait_indirect_dma semaphore(%arg8 : memref<!tpu.dma_semaphore, #tpu.memory_space<semaphore_mem>>) src(%arg6 : memref<128xf32, #tpu.memory_space<vmem>>) dst(%dma_wait3A_168 : memref<1015808xf32, #tpu.memory_space<vmem_shared>>)
      %mul3A_169 = arith.constant 8 : i32
      %mul3A_170 = arith.muli %scan3A_70, %mul3A_169 : i32
      %add3A_171 = arith.constant 3 : i32
      %add3A_172 = arith.addi %mul3A_170, %add3A_171 : i32
      %dma_wait3A_173 = arith.constant 0 : i32
      %dma_wait3A_174 = tpu.memref_slice %arg4[%add3A_172, %dma_wait3A_173] : memref<200x128xi32, #tpu.memory_space<vmem>> -> memref<1x128xi32, #tpu.memory_space<vmem>>
      %dma_wait3A_175 = tpu.memref_squeeze %dma_wait3A_174 : memref<1x128xi32, #tpu.memory_space<vmem>> -> memref<128xi32, #tpu.memory_space<vmem>>
      %dma_wait3A_176 = arith.constant 0 : i32
      %dma_wait3A_177 = tpu.memref_slice %arg7[%dma_wait3A_176] : memref<1015808xf32, #tpu.memory_space<vmem_shared>> -> memref<1015808xf32, #tpu.memory_space<vmem_shared>>
      tpu.wait_indirect_dma semaphore(%arg8 : memref<!tpu.dma_semaphore, #tpu.memory_space<semaphore_mem>>) src(%arg6 : memref<128xf32, #tpu.memory_space<vmem>>) dst(%dma_wait3A_177 : memref<1015808xf32, #tpu.memory_space<vmem_shared>>)
      %mul3A_178 = arith.constant 8 : i32
      %mul3A_179 = arith.muli %scan3A_70, %mul3A_178 : i32
      %add3A_180 = arith.constant 4 : i32
      %add3A_181 = arith.addi %mul3A_179, %add3A_180 : i32
      %dma_wait3A_182 = arith.constant 0 : i32
      %dma_wait3A_183 = tpu.memref_slice %arg4[%add3A_181, %dma_wait3A_182] : memref<200x128xi32, #tpu.memory_space<vmem>> -> memref<1x128xi32, #tpu.memory_space<vmem>>
      %dma_wait3A_184 = tpu.memref_squeeze %dma_wait3A_183 : memref<1x128xi32, #tpu.memory_space<vmem>> -> memref<128xi32, #tpu.memory_space<vmem>>
      %dma_wait3A_185 = arith.constant 0 : i32
      %dma_wait3A_186 = tpu.memref_slice %arg7[%dma_wait3A_185] : memref<1015808xf32, #tpu.memory_space<vmem_shared>> -> memref<1015808xf32, #tpu.memory_space<vmem_shared>>
      tpu.wait_indirect_dma semaphore(%arg8 : memref<!tpu.dma_semaphore, #tpu.memory_space<semaphore_mem>>) src(%arg6 : memref<128xf32, #tpu.memory_space<vmem>>) dst(%dma_wait3A_186 : memref<1015808xf32, #tpu.memory_space<vmem_shared>>)
      %mul3A_187 = arith.constant 8 : i32
      %mul3A_188 = arith.muli %scan3A_70, %mul3A_187 : i32
      %add3A_189 = arith.constant 5 : i32
      %add3A_190 = arith.addi %mul3A_188, %add3A_189 : i32
      %dma_wait3A_191 = arith.constant 0 : i32
      %dma_wait3A_192 = tpu.memref_slice %arg4[%add3A_190, %dma_wait3A_191] : memref<200x128xi32, #tpu.memory_space<vmem>> -> memref<1x128xi32, #tpu.memory_space<vmem>>
      %dma_wait3A_193 = tpu.memref_squeeze %dma_wait3A_192 : memref<1x128xi32, #tpu.memory_space<vmem>> -> memref<128xi32, #tpu.memory_space<vmem>>
      %dma_wait3A_194 = arith.constant 0 : i32
      %dma_wait3A_195 = tpu.memref_slice %arg7[%dma_wait3A_194] : memref<1015808xf32, #tpu.memory_space<vmem_shared>> -> memref<1015808xf32, #tpu.memory_space<vmem_shared>>
      tpu.wait_indirect_dma semaphore(%arg8 : memref<!tpu.dma_semaphore, #tpu.memory_space<semaphore_mem>>) src(%arg6 : memref<128xf32, #tpu.memory_space<vmem>>) dst(%dma_wait3A_195 : memref<1015808xf32, #tpu.memory_space<vmem_shared>>)
      %mul3A_196 = arith.constant 8 : i32
      %mul3A_197 = arith.muli %scan3A_70, %mul3A_196 : i32
      %add3A_198 = arith.constant 6 : i32
      %add3A_199 = arith.addi %mul3A_197, %add3A_198 : i32
      %dma_wait3A_200 = arith.constant 0 : i32
      %dma_wait3A_201 = tpu.memref_slice %arg4[%add3A_199, %dma_wait3A_200] : memref<200x128xi32, #tpu.memory_space<vmem>> -> memref<1x128xi32, #tpu.memory_space<vmem>>
      %dma_wait3A_202 = tpu.memref_squeeze %dma_wait3A_201 : memref<1x128xi32, #tpu.memory_space<vmem>> -> memref<128xi32, #tpu.memory_space<vmem>>
      %dma_wait3A_203 = arith.constant 0 : i32
      %dma_wait3A_204 = tpu.memref_slice %arg7[%dma_wait3A_203] : memref<1015808xf32, #tpu.memory_space<vmem_shared>> -> memref<1015808xf32, #tpu.memory_space<vmem_shared>>
      tpu.wait_indirect_dma semaphore(%arg8 : memref<!tpu.dma_semaphore, #tpu.memory_space<semaphore_mem>>) src(%arg6 : memref<128xf32, #tpu.memory_space<vmem>>) dst(%dma_wait3A_204 : memref<1015808xf32, #tpu.memory_space<vmem_shared>>)
      %mul3A_205 = arith.constant 8 : i32
      %mul3A_206 = arith.muli %scan3A_70, %mul3A_205 : i32
      %add3A_207 = arith.constant 7 : i32
      %add3A_208 = arith.addi %mul3A_206, %add3A_207 : i32
      %dma_wait3A_209 = arith.constant 0 : i32
      %dma_wait3A_210 = tpu.memref_slice %arg4[%add3A_208, %dma_wait3A_209] : memref<200x128xi32, #tpu.memory_space<vmem>> -> memref<1x128xi32, #tpu.memory_space<vmem>>
      %dma_wait3A_211 = tpu.memref_squeeze %dma_wait3A_210 : memref<1x128xi32, #tpu.memory_space<vmem>> -> memref<128xi32, #tpu.memory_space<vmem>>
      %dma_wait3A_212 = arith.constant 0 : i32
      %dma_wait3A_213 = tpu.memref_slice %arg7[%dma_wait3A_212] : memref<1015808xf32, #tpu.memory_space<vmem_shared>> -> memref<1015808xf32, #tpu.memory_space<vmem_shared>>
      tpu.wait_indirect_dma semaphore(%arg8 : memref<!tpu.dma_semaphore, #tpu.memory_space<semaphore_mem>>) src(%arg6 : memref<128xf32, #tpu.memory_space<vmem>>) dst(%dma_wait3A_213 : memref<1015808xf32, #tpu.memory_space<vmem_shared>>)
      %scan3A_214 = arith.constant 0 : i32
      scf.yield %scan3A_214 : i32
    }
    %scan3A_68 = arith.constant 25 : i32
    %barrier3A_69 = arith.constant 0 : index
    tpu.barrier barrier_id(%barrier3A_69)
    "tpu.region"() ({
      %run_scoped3A = tpu.sem_alloc : memref<!tpu.dma_semaphore, #tpu.memory_space<semaphore_mem>>
      %dma_start3A = tpu.memref_slice %arg3[%mul3A_53] : memref<1015808xf32, #tpu.memory_space<hbm>> -> memref<63488xf32, #tpu.memory_space<hbm>>
      %dma_start3A_70 = tpu.memref_slice %arg7[%mul3A_53] : memref<1015808xf32, #tpu.memory_space<vmem_shared>> -> memref<63488xf32, #tpu.memory_space<vmem_shared>>
      tpu.enqueue_dma source(%dma_start3A_70 : memref<63488xf32, #tpu.memory_space<vmem_shared>>) target(%dma_start3A : memref<63488xf32, #tpu.memory_space<hbm>>) target_semaphore(%run_scoped3A : memref<!tpu.dma_semaphore, #tpu.memory_space<semaphore_mem>>)
      %dma_wait3A = tpu.memref_slice %arg3[%mul3A_53] : memref<1015808xf32, #tpu.memory_space<hbm>> -> memref<63488xf32, #tpu.memory_space<hbm>>
      %dma_wait3A_71 = tpu.memref_slice %arg7[%mul3A_53] : memref<1015808xf32, #tpu.memory_space<vmem_shared>> -> memref<63488xf32, #tpu.memory_space<vmem_shared>>
      tpu.wait_dma2 semaphore(%run_scoped3A : memref<!tpu.dma_semaphore, #tpu.memory_space<semaphore_mem>>) src(%dma_wait3A_71 : memref<63488xf32, #tpu.memory_space<vmem_shared>>) dst(%dma_wait3A : memref<63488xf32, #tpu.memory_space<hbm>>)
      tpu.yield
    }) : () -> ()
    return
  }
}

module attributes {stable_mosaic.version = 14 : i64} {
  func.func @_mv_body(%arg0: i32, %arg1: memref<64x32768xf32, #tpu.memory_space<vmem>>, %arg2: memref<256x128xf32, #tpu.memory_space<vmem>>, %arg3: memref<256x128xf32, #tpu.memory_space<vmem>>, %arg4: memref<64x1xf32, #tpu.memory_space<vmem>>, %arg5: memref<64x128xf32, #tpu.memory_space<vmem>>) attributes {dimension_semantics = [#tpu.dimension_semantics<arbitrary>], iteration_bounds = array<i64: 31>, scalar_prefetch = 0 : i64, scratch_operands = 1 : i64, tpu.core_type = #tpu.core_type<tc>, window_params = [{transform_indices = @transform_0, window_bounds = array<i64: 64, 32768>}, {transform_indices = @transform_1, window_bounds = array<i64: 256, 128>}, {transform_indices = @transform_2, window_bounds = array<i64: 256, 128>}, {pipeline_mode = #tpu.pipeline_mode<synchronous>, transform_indices = @transform_3, window_bounds = array<i64: 64, 1>}]} {
    %eq3A = arith.constant 0 : i32
    %eq3A_0 = arith.cmpi eq, %arg0, %eq3A : i32
    %convert_element_type3A = arith.extui %eq3A_0 : i1 to i32
    %cond3A = arith.constant 0 : i32
    %cond3A_1 = arith.cmpi ne, %convert_element_type3A, %cond3A : i32
    scf.if %cond3A_1 {
      %broadcast_in_dim3A = arith.constant 0.000000e+00 : f32
      %broadcast_in_dim3A_1298 = vector.broadcast %broadcast_in_dim3A : f32 to vector<64x128xf32>
      %swap3A_1299 = arith.constant 0 : index
      %swap3A_1300 = arith.constant 0 : index
      %swap3A_1301 = vector.load %arg5[%swap3A_1299, %swap3A_1300] : memref<64x128xf32, #tpu.memory_space<vmem>>, vector<64x128xf32>
      tpu.vector_store %arg5[%swap3A_1299, %swap3A_1300], %broadcast_in_dim3A_1298 {strides = array<i32>} : memref<64x128xf32, #tpu.memory_space<vmem>>, vector<64x128xf32>,
    } else {
    }
    %get3A = arith.constant 0 : index
    %get3A_2 = arith.constant 0 : index
    %get3A_3 = vector.load %arg2[%get3A, %get3A_2] : memref<256x128xf32, #tpu.memory_space<vmem>>, vector<256x128xf32>
    %get3A_4 = arith.constant 0 : index
    %get3A_5 = arith.constant 0 : index
    %get3A_6 = vector.load %arg3[%get3A_4, %get3A_5] : memref<256x128xf32, #tpu.memory_space<vmem>>, vector<256x128xf32>
    %add3A = arith.addf %get3A_3, %get3A_6 : vector<256x128xf32>
    %get3A_7 = arith.constant 0 : index
    %get3A_8 = arith.constant 0 : index
    %get3A_9 = vector.load %arg1[%get3A_7, %get3A_8] : memref<64x32768xf32, #tpu.memory_space<vmem>>, vector<64x32768xf32>
    %slice3A = vector.extract_strided_slice %get3A_9 {offsets = [0, 0], sizes = [64, 128], strides = [1, 1]} : vector<64x32768xf32> to vector<64x128xf32>
    %slice3A_10 = vector.extract_strided_slice %add3A {offsets = [0, 0], sizes = [1, 128], strides = [1, 1]} : vector<256x128xf32> to vector<1x128xf32>
    %mul3A = vector.broadcast %slice3A_10 : vector<1x128xf32> to vector<64x128xf32>
    %mul3A_11 = arith.mulf %slice3A, %mul3A : vector<64x128xf32>
    %slice3A_12 = vector.extract_strided_slice %get3A_9 {offsets = [0, 128], sizes = [64, 128], strides = [1, 1]} : vector<64x32768xf32> to vector<64x128xf32>
    %slice3A_13 = vector.extract_strided_slice %add3A {offsets = [1, 0], sizes = [1, 128], strides = [1, 1]} : vector<256x128xf32> to vector<1x128xf32>
    %mul3A_14 = vector.broadcast %slice3A_13 : vector<1x128xf32> to vector<64x128xf32>
    %mul3A_15 = arith.mulf %slice3A_12, %mul3A_14 : vector<64x128xf32>
    %add3A_16 = arith.addf %mul3A_11, %mul3A_15 : vector<64x128xf32>
    %slice3A_17 = vector.extract_strided_slice %get3A_9 {offsets = [0, 256], sizes = [64, 128], strides = [1, 1]} : vector<64x32768xf32> to vector<64x128xf32>
    %slice3A_18 = vector.extract_strided_slice %add3A {offsets = [2, 0], sizes = [1, 128], strides = [1, 1]} : vector<256x128xf32> to vector<1x128xf32>
    %mul3A_19 = vector.broadcast %slice3A_18 : vector<1x128xf32> to vector<64x128xf32>
    %mul3A_20 = arith.mulf %slice3A_17, %mul3A_19 : vector<64x128xf32>
    %add3A_21 = arith.addf %add3A_16, %mul3A_20 : vector<64x128xf32>
    %slice3A_22 = vector.extract_strided_slice %get3A_9 {offsets = [0, 384], sizes = [64, 128], strides = [1, 1]} : vector<64x32768xf32> to vector<64x128xf32>
    %slice3A_23 = vector.extract_strided_slice %add3A {offsets = [3, 0], sizes = [1, 128], strides = [1, 1]} : vector<256x128xf32> to vector<1x128xf32>
    %mul3A_24 = vector.broadcast %slice3A_23 : vector<1x128xf32> to vector<64x128xf32>
    %mul3A_25 = arith.mulf %slice3A_22, %mul3A_24 : vector<64x128xf32>
    %add3A_26 = arith.addf %add3A_21, %mul3A_25 : vector<64x128xf32>
    %slice3A_27 = vector.extract_strided_slice %get3A_9 {offsets = [0, 512], sizes = [64, 128], strides = [1, 1]} : vector<64x32768xf32> to vector<64x128xf32>
    %slice3A_28 = vector.extract_strided_slice %add3A {offsets = [4, 0], sizes = [1, 128], strides = [1, 1]} : vector<256x128xf32> to vector<1x128xf32>
    %mul3A_29 = vector.broadcast %slice3A_28 : vector<1x128xf32> to vector<64x128xf32>
    %mul3A_30 = arith.mulf %slice3A_27, %mul3A_29 : vector<64x128xf32>
    %add3A_31 = arith.addf %add3A_26, %mul3A_30 : vector<64x128xf32>
    %slice3A_32 = vector.extract_strided_slice %get3A_9 {offsets = [0, 640], sizes = [64, 128], strides = [1, 1]} : vector<64x32768xf32> to vector<64x128xf32>
    %slice3A_33 = vector.extract_strided_slice %add3A {offsets = [5, 0], sizes = [1, 128], strides = [1, 1]} : vector<256x128xf32> to vector<1x128xf32>
    %mul3A_34 = vector.broadcast %slice3A_33 : vector<1x128xf32> to vector<64x128xf32>
    %mul3A_35 = arith.mulf %slice3A_32, %mul3A_34 : vector<64x128xf32>
    %add3A_36 = arith.addf %add3A_31, %mul3A_35 : vector<64x128xf32>
    %slice3A_37 = vector.extract_strided_slice %get3A_9 {offsets = [0, 768], sizes = [64, 128], strides = [1, 1]} : vector<64x32768xf32> to vector<64x128xf32>
    %slice3A_38 = vector.extract_strided_slice %add3A {offsets = [6, 0], sizes = [1, 128], strides = [1, 1]} : vector<256x128xf32> to vector<1x128xf32>
    %mul3A_39 = vector.broadcast %slice3A_38 : vector<1x128xf32> to vector<64x128xf32>
    %mul3A_40 = arith.mulf %slice3A_37, %mul3A_39 : vector<64x128xf32>
    %add3A_41 = arith.addf %add3A_36, %mul3A_40 : vector<64x128xf32>
    %slice3A_42 = vector.extract_strided_slice %get3A_9 {offsets = [0, 896], sizes = [64, 128], strides = [1, 1]} : vector<64x32768xf32> to vector<64x128xf32>
    %slice3A_43 = vector.extract_strided_slice %add3A {offsets = [7, 0], sizes = [1, 128], strides = [1, 1]} : vector<256x128xf32> to vector<1x128xf32>
    %mul3A_44 = vector.broadcast %slice3A_43 : vector<1x128xf32> to vector<64x128xf32>
    %mul3A_45 = arith.mulf %slice3A_42, %mul3A_44 : vector<64x128xf32>
    %add3A_46 = arith.addf %add3A_41, %mul3A_45 : vector<64x128xf32>
    %slice3A_47 = vector.extract_strided_slice %get3A_9 {offsets = [0, 1024], sizes = [64, 128], strides = [1, 1]} : vector<64x32768xf32> to vector<64x128xf32>
    %slice3A_48 = vector.extract_strided_slice %add3A {offsets = [8, 0], sizes = [1, 128], strides = [1, 1]} : vector<256x128xf32> to vector<1x128xf32>
    %mul3A_49 = vector.broadcast %slice3A_48 : vector<1x128xf32> to vector<64x128xf32>
    %mul3A_50 = arith.mulf %slice3A_47, %mul3A_49 : vector<64x128xf32>
    %add3A_51 = arith.addf %add3A_46, %mul3A_50 : vector<64x128xf32>
    %slice3A_52 = vector.extract_strided_slice %get3A_9 {offsets = [0, 1152], sizes = [64, 128], strides = [1, 1]} : vector<64x32768xf32> to vector<64x128xf32>
    %slice3A_53 = vector.extract_strided_slice %add3A {offsets = [9, 0], sizes = [1, 128], strides = [1, 1]} : vector<256x128xf32> to vector<1x128xf32>
    %mul3A_54 = vector.broadcast %slice3A_53 : vector<1x128xf32> to vector<64x128xf32>
    %mul3A_55 = arith.mulf %slice3A_52, %mul3A_54 : vector<64x128xf32>
    %add3A_56 = arith.addf %add3A_51, %mul3A_55 : vector<64x128xf32>
    %slice3A_57 = vector.extract_strided_slice %get3A_9 {offsets = [0, 1280], sizes = [64, 128], strides = [1, 1]} : vector<64x32768xf32> to vector<64x128xf32>
    %slice3A_58 = vector.extract_strided_slice %add3A {offsets = [10, 0], sizes = [1, 128], strides = [1, 1]} : vector<256x128xf32> to vector<1x128xf32>
    %mul3A_59 = vector.broadcast %slice3A_58 : vector<1x128xf32> to vector<64x128xf32>
    %mul3A_60 = arith.mulf %slice3A_57, %mul3A_59 : vector<64x128xf32>
    %add3A_61 = arith.addf %add3A_56, %mul3A_60 : vector<64x128xf32>
    %slice3A_62 = vector.extract_strided_slice %get3A_9 {offsets = [0, 1408], sizes = [64, 128], strides = [1, 1]} : vector<64x32768xf32> to vector<64x128xf32>
    %slice3A_63 = vector.extract_strided_slice %add3A {offsets = [11, 0], sizes = [1, 128], strides = [1, 1]} : vector<256x128xf32> to vector<1x128xf32>
    %mul3A_64 = vector.broadcast %slice3A_63 : vector<1x128xf32> to vector<64x128xf32>
    %mul3A_65 = arith.mulf %slice3A_62, %mul3A_64 : vector<64x128xf32>
    %add3A_66 = arith.addf %add3A_61, %mul3A_65 : vector<64x128xf32>
    %slice3A_67 = vector.extract_strided_slice %get3A_9 {offsets = [0, 1536], sizes = [64, 128], strides = [1, 1]} : vector<64x32768xf32> to vector<64x128xf32>
    %slice3A_68 = vector.extract_strided_slice %add3A {offsets = [12, 0], sizes = [1, 128], strides = [1, 1]} : vector<256x128xf32> to vector<1x128xf32>
    %mul3A_69 = vector.broadcast %slice3A_68 : vector<1x128xf32> to vector<64x128xf32>
    %mul3A_70 = arith.mulf %slice3A_67, %mul3A_69 : vector<64x128xf32>
    %add3A_71 = arith.addf %add3A_66, %mul3A_70 : vector<64x128xf32>
    %slice3A_72 = vector.extract_strided_slice %get3A_9 {offsets = [0, 1664], sizes = [64, 128], strides = [1, 1]} : vector<64x32768xf32> to vector<64x128xf32>
    %slice3A_73 = vector.extract_strided_slice %add3A {offsets = [13, 0], sizes = [1, 128], strides = [1, 1]} : vector<256x128xf32> to vector<1x128xf32>
    %mul3A_74 = vector.broadcast %slice3A_73 : vector<1x128xf32> to vector<64x128xf32>
    %mul3A_75 = arith.mulf %slice3A_72, %mul3A_74 : vector<64x128xf32>
    %add3A_76 = arith.addf %add3A_71, %mul3A_75 : vector<64x128xf32>
    %slice3A_77 = vector.extract_strided_slice %get3A_9 {offsets = [0, 1792], sizes = [64, 128], strides = [1, 1]} : vector<64x32768xf32> to vector<64x128xf32>
    %slice3A_78 = vector.extract_strided_slice %add3A {offsets = [14, 0], sizes = [1, 128], strides = [1, 1]} : vector<256x128xf32> to vector<1x128xf32>
    %mul3A_79 = vector.broadcast %slice3A_78 : vector<1x128xf32> to vector<64x128xf32>
    %mul3A_80 = arith.mulf %slice3A_77, %mul3A_79 : vector<64x128xf32>
    %add3A_81 = arith.addf %add3A_76, %mul3A_80 : vector<64x128xf32>
    %slice3A_82 = vector.extract_strided_slice %get3A_9 {offsets = [0, 1920], sizes = [64, 128], strides = [1, 1]} : vector<64x32768xf32> to vector<64x128xf32>
    %slice3A_83 = vector.extract_strided_slice %add3A {offsets = [15, 0], sizes = [1, 128], strides = [1, 1]} : vector<256x128xf32> to vector<1x128xf32>
    %mul3A_84 = vector.broadcast %slice3A_83 : vector<1x128xf32> to vector<64x128xf32>
    %mul3A_85 = arith.mulf %slice3A_82, %mul3A_84 : vector<64x128xf32>
    %add3A_86 = arith.addf %add3A_81, %mul3A_85 : vector<64x128xf32>
    %slice3A_87 = vector.extract_strided_slice %get3A_9 {offsets = [0, 2048], sizes = [64, 128], strides = [1, 1]} : vector<64x32768xf32> to vector<64x128xf32>
    %slice3A_88 = vector.extract_strided_slice %add3A {offsets = [16, 0], sizes = [1, 128], strides = [1, 1]} : vector<256x128xf32> to vector<1x128xf32>
    %mul3A_89 = vector.broadcast %slice3A_88 : vector<1x128xf32> to vector<64x128xf32>
    %mul3A_90 = arith.mulf %slice3A_87, %mul3A_89 : vector<64x128xf32>
    %add3A_91 = arith.addf %add3A_86, %mul3A_90 : vector<64x128xf32>
    %slice3A_92 = vector.extract_strided_slice %get3A_9 {offsets = [0, 2176], sizes = [64, 128], strides = [1, 1]} : vector<64x32768xf32> to vector<64x128xf32>
    %slice3A_93 = vector.extract_strided_slice %add3A {offsets = [17, 0], sizes = [1, 128], strides = [1, 1]} : vector<256x128xf32> to vector<1x128xf32>
    %mul3A_94 = vector.broadcast %slice3A_93 : vector<1x128xf32> to vector<64x128xf32>
    %mul3A_95 = arith.mulf %slice3A_92, %mul3A_94 : vector<64x128xf32>
    %add3A_96 = arith.addf %add3A_91, %mul3A_95 : vector<64x128xf32>
    %slice3A_97 = vector.extract_strided_slice %get3A_9 {offsets = [0, 2304], sizes = [64, 128], strides = [1, 1]} : vector<64x32768xf32> to vector<64x128xf32>
    %slice3A_98 = vector.extract_strided_slice %add3A {offsets = [18, 0], sizes = [1, 128], strides = [1, 1]} : vector<256x128xf32> to vector<1x128xf32>
    %mul3A_99 = vector.broadcast %slice3A_98 : vector<1x128xf32> to vector<64x128xf32>
    %mul3A_100 = arith.mulf %slice3A_97, %mul3A_99 : vector<64x128xf32>
    %add3A_101 = arith.addf %add3A_96, %mul3A_100 : vector<64x128xf32>
    %slice3A_102 = vector.extract_strided_slice %get3A_9 {offsets = [0, 2432], sizes = [64, 128], strides = [1, 1]} : vector<64x32768xf32> to vector<64x128xf32>
    %slice3A_103 = vector.extract_strided_slice %add3A {offsets = [19, 0], sizes = [1, 128], strides = [1, 1]} : vector<256x128xf32> to vector<1x128xf32>
    %mul3A_104 = vector.broadcast %slice3A_103 : vector<1x128xf32> to vector<64x128xf32>
    %mul3A_105 = arith.mulf %slice3A_102, %mul3A_104 : vector<64x128xf32>
    %add3A_106 = arith.addf %add3A_101, %mul3A_105 : vector<64x128xf32>
    %slice3A_107 = vector.extract_strided_slice %get3A_9 {offsets = [0, 2560], sizes = [64, 128], strides = [1, 1]} : vector<64x32768xf32> to vector<64x128xf32>
    %slice3A_108 = vector.extract_strided_slice %add3A {offsets = [20, 0], sizes = [1, 128], strides = [1, 1]} : vector<256x128xf32> to vector<1x128xf32>
    %mul3A_109 = vector.broadcast %slice3A_108 : vector<1x128xf32> to vector<64x128xf32>
    %mul3A_110 = arith.mulf %slice3A_107, %mul3A_109 : vector<64x128xf32>
    %add3A_111 = arith.addf %add3A_106, %mul3A_110 : vector<64x128xf32>
    %slice3A_112 = vector.extract_strided_slice %get3A_9 {offsets = [0, 2688], sizes = [64, 128], strides = [1, 1]} : vector<64x32768xf32> to vector<64x128xf32>
    %slice3A_113 = vector.extract_strided_slice %add3A {offsets = [21, 0], sizes = [1, 128], strides = [1, 1]} : vector<256x128xf32> to vector<1x128xf32>
    %mul3A_114 = vector.broadcast %slice3A_113 : vector<1x128xf32> to vector<64x128xf32>
    %mul3A_115 = arith.mulf %slice3A_112, %mul3A_114 : vector<64x128xf32>
    %add3A_116 = arith.addf %add3A_111, %mul3A_115 : vector<64x128xf32>
    %slice3A_117 = vector.extract_strided_slice %get3A_9 {offsets = [0, 2816], sizes = [64, 128], strides = [1, 1]} : vector<64x32768xf32> to vector<64x128xf32>
    %slice3A_118 = vector.extract_strided_slice %add3A {offsets = [22, 0], sizes = [1, 128], strides = [1, 1]} : vector<256x128xf32> to vector<1x128xf32>
    %mul3A_119 = vector.broadcast %slice3A_118 : vector<1x128xf32> to vector<64x128xf32>
    %mul3A_120 = arith.mulf %slice3A_117, %mul3A_119 : vector<64x128xf32>
    %add3A_121 = arith.addf %add3A_116, %mul3A_120 : vector<64x128xf32>
    %slice3A_122 = vector.extract_strided_slice %get3A_9 {offsets = [0, 2944], sizes = [64, 128], strides = [1, 1]} : vector<64x32768xf32> to vector<64x128xf32>
    %slice3A_123 = vector.extract_strided_slice %add3A {offsets = [23, 0], sizes = [1, 128], strides = [1, 1]} : vector<256x128xf32> to vector<1x128xf32>
    %mul3A_124 = vector.broadcast %slice3A_123 : vector<1x128xf32> to vector<64x128xf32>
    %mul3A_125 = arith.mulf %slice3A_122, %mul3A_124 : vector<64x128xf32>
    %add3A_126 = arith.addf %add3A_121, %mul3A_125 : vector<64x128xf32>
    %slice3A_127 = vector.extract_strided_slice %get3A_9 {offsets = [0, 3072], sizes = [64, 128], strides = [1, 1]} : vector<64x32768xf32> to vector<64x128xf32>
    %slice3A_128 = vector.extract_strided_slice %add3A {offsets = [24, 0], sizes = [1, 128], strides = [1, 1]} : vector<256x128xf32> to vector<1x128xf32>
    %mul3A_129 = vector.broadcast %slice3A_128 : vector<1x128xf32> to vector<64x128xf32>
    %mul3A_130 = arith.mulf %slice3A_127, %mul3A_129 : vector<64x128xf32>
    %add3A_131 = arith.addf %add3A_126, %mul3A_130 : vector<64x128xf32>
    %slice3A_132 = vector.extract_strided_slice %get3A_9 {offsets = [0, 3200], sizes = [64, 128], strides = [1, 1]} : vector<64x32768xf32> to vector<64x128xf32>
    %slice3A_133 = vector.extract_strided_slice %add3A {offsets = [25, 0], sizes = [1, 128], strides = [1, 1]} : vector<256x128xf32> to vector<1x128xf32>
    %mul3A_134 = vector.broadcast %slice3A_133 : vector<1x128xf32> to vector<64x128xf32>
    %mul3A_135 = arith.mulf %slice3A_132, %mul3A_134 : vector<64x128xf32>
    %add3A_136 = arith.addf %add3A_131, %mul3A_135 : vector<64x128xf32>
    %slice3A_137 = vector.extract_strided_slice %get3A_9 {offsets = [0, 3328], sizes = [64, 128], strides = [1, 1]} : vector<64x32768xf32> to vector<64x128xf32>
    %slice3A_138 = vector.extract_strided_slice %add3A {offsets = [26, 0], sizes = [1, 128], strides = [1, 1]} : vector<256x128xf32> to vector<1x128xf32>
    %mul3A_139 = vector.broadcast %slice3A_138 : vector<1x128xf32> to vector<64x128xf32>
    %mul3A_140 = arith.mulf %slice3A_137, %mul3A_139 : vector<64x128xf32>
    %add3A_141 = arith.addf %add3A_136, %mul3A_140 : vector<64x128xf32>
    %slice3A_142 = vector.extract_strided_slice %get3A_9 {offsets = [0, 3456], sizes = [64, 128], strides = [1, 1]} : vector<64x32768xf32> to vector<64x128xf32>
    %slice3A_143 = vector.extract_strided_slice %add3A {offsets = [27, 0], sizes = [1, 128], strides = [1, 1]} : vector<256x128xf32> to vector<1x128xf32>
    %mul3A_144 = vector.broadcast %slice3A_143 : vector<1x128xf32> to vector<64x128xf32>
    %mul3A_145 = arith.mulf %slice3A_142, %mul3A_144 : vector<64x128xf32>
    %add3A_146 = arith.addf %add3A_141, %mul3A_145 : vector<64x128xf32>
    %slice3A_147 = vector.extract_strided_slice %get3A_9 {offsets = [0, 3584], sizes = [64, 128], strides = [1, 1]} : vector<64x32768xf32> to vector<64x128xf32>
    %slice3A_148 = vector.extract_strided_slice %add3A {offsets = [28, 0], sizes = [1, 128], strides = [1, 1]} : vector<256x128xf32> to vector<1x128xf32>
    %mul3A_149 = vector.broadcast %slice3A_148 : vector<1x128xf32> to vector<64x128xf32>
    %mul3A_150 = arith.mulf %slice3A_147, %mul3A_149 : vector<64x128xf32>
    %add3A_151 = arith.addf %add3A_146, %mul3A_150 : vector<64x128xf32>
    %slice3A_152 = vector.extract_strided_slice %get3A_9 {offsets = [0, 3712], sizes = [64, 128], strides = [1, 1]} : vector<64x32768xf32> to vector<64x128xf32>
    %slice3A_153 = vector.extract_strided_slice %add3A {offsets = [29, 0], sizes = [1, 128], strides = [1, 1]} : vector<256x128xf32> to vector<1x128xf32>
    %mul3A_154 = vector.broadcast %slice3A_153 : vector<1x128xf32> to vector<64x128xf32>
    %mul3A_155 = arith.mulf %slice3A_152, %mul3A_154 : vector<64x128xf32>
    %add3A_156 = arith.addf %add3A_151, %mul3A_155 : vector<64x128xf32>
    %slice3A_157 = vector.extract_strided_slice %get3A_9 {offsets = [0, 3840], sizes = [64, 128], strides = [1, 1]} : vector<64x32768xf32> to vector<64x128xf32>
    %slice3A_158 = vector.extract_strided_slice %add3A {offsets = [30, 0], sizes = [1, 128], strides = [1, 1]} : vector<256x128xf32> to vector<1x128xf32>
    %mul3A_159 = vector.broadcast %slice3A_158 : vector<1x128xf32> to vector<64x128xf32>
    %mul3A_160 = arith.mulf %slice3A_157, %mul3A_159 : vector<64x128xf32>
    %add3A_161 = arith.addf %add3A_156, %mul3A_160 : vector<64x128xf32>
    %slice3A_162 = vector.extract_strided_slice %get3A_9 {offsets = [0, 3968], sizes = [64, 128], strides = [1, 1]} : vector<64x32768xf32> to vector<64x128xf32>
    %slice3A_163 = vector.extract_strided_slice %add3A {offsets = [31, 0], sizes = [1, 128], strides = [1, 1]} : vector<256x128xf32> to vector<1x128xf32>
    %mul3A_164 = vector.broadcast %slice3A_163 : vector<1x128xf32> to vector<64x128xf32>
    %mul3A_165 = arith.mulf %slice3A_162, %mul3A_164 : vector<64x128xf32>
    %add3A_166 = arith.addf %add3A_161, %mul3A_165 : vector<64x128xf32>
    %slice3A_167 = vector.extract_strided_slice %get3A_9 {offsets = [0, 4096], sizes = [64, 128], strides = [1, 1]} : vector<64x32768xf32> to vector<64x128xf32>
    %slice3A_168 = vector.extract_strided_slice %add3A {offsets = [32, 0], sizes = [1, 128], strides = [1, 1]} : vector<256x128xf32> to vector<1x128xf32>
    %mul3A_169 = vector.broadcast %slice3A_168 : vector<1x128xf32> to vector<64x128xf32>
    %mul3A_170 = arith.mulf %slice3A_167, %mul3A_169 : vector<64x128xf32>
    %add3A_171 = arith.addf %add3A_166, %mul3A_170 : vector<64x128xf32>
    %slice3A_172 = vector.extract_strided_slice %get3A_9 {offsets = [0, 4224], sizes = [64, 128], strides = [1, 1]} : vector<64x32768xf32> to vector<64x128xf32>
    %slice3A_173 = vector.extract_strided_slice %add3A {offsets = [33, 0], sizes = [1, 128], strides = [1, 1]} : vector<256x128xf32> to vector<1x128xf32>
    %mul3A_174 = vector.broadcast %slice3A_173 : vector<1x128xf32> to vector<64x128xf32>
    %mul3A_175 = arith.mulf %slice3A_172, %mul3A_174 : vector<64x128xf32>
    %add3A_176 = arith.addf %add3A_171, %mul3A_175 : vector<64x128xf32>
    %slice3A_177 = vector.extract_strided_slice %get3A_9 {offsets = [0, 4352], sizes = [64, 128], strides = [1, 1]} : vector<64x32768xf32> to vector<64x128xf32>
    %slice3A_178 = vector.extract_strided_slice %add3A {offsets = [34, 0], sizes = [1, 128], strides = [1, 1]} : vector<256x128xf32> to vector<1x128xf32>
    %mul3A_179 = vector.broadcast %slice3A_178 : vector<1x128xf32> to vector<64x128xf32>
    %mul3A_180 = arith.mulf %slice3A_177, %mul3A_179 : vector<64x128xf32>
    %add3A_181 = arith.addf %add3A_176, %mul3A_180 : vector<64x128xf32>
    %slice3A_182 = vector.extract_strided_slice %get3A_9 {offsets = [0, 4480], sizes = [64, 128], strides = [1, 1]} : vector<64x32768xf32> to vector<64x128xf32>
    %slice3A_183 = vector.extract_strided_slice %add3A {offsets = [35, 0], sizes = [1, 128], strides = [1, 1]} : vector<256x128xf32> to vector<1x128xf32>
    %mul3A_184 = vector.broadcast %slice3A_183 : vector<1x128xf32> to vector<64x128xf32>
    %mul3A_185 = arith.mulf %slice3A_182, %mul3A_184 : vector<64x128xf32>
    %add3A_186 = arith.addf %add3A_181, %mul3A_185 : vector<64x128xf32>
    %slice3A_187 = vector.extract_strided_slice %get3A_9 {offsets = [0, 4608], sizes = [64, 128], strides = [1, 1]} : vector<64x32768xf32> to vector<64x128xf32>
    %slice3A_188 = vector.extract_strided_slice %add3A {offsets = [36, 0], sizes = [1, 128], strides = [1, 1]} : vector<256x128xf32> to vector<1x128xf32>
    %mul3A_189 = vector.broadcast %slice3A_188 : vector<1x128xf32> to vector<64x128xf32>
    %mul3A_190 = arith.mulf %slice3A_187, %mul3A_189 : vector<64x128xf32>
    %add3A_191 = arith.addf %add3A_186, %mul3A_190 : vector<64x128xf32>
    %slice3A_192 = vector.extract_strided_slice %get3A_9 {offsets = [0, 4736], sizes = [64, 128], strides = [1, 1]} : vector<64x32768xf32> to vector<64x128xf32>
    %slice3A_193 = vector.extract_strided_slice %add3A {offsets = [37, 0], sizes = [1, 128], strides = [1, 1]} : vector<256x128xf32> to vector<1x128xf32>
    %mul3A_194 = vector.broadcast %slice3A_193 : vector<1x128xf32> to vector<64x128xf32>
    %mul3A_195 = arith.mulf %slice3A_192, %mul3A_194 : vector<64x128xf32>
    %add3A_196 = arith.addf %add3A_191, %mul3A_195 : vector<64x128xf32>
    %slice3A_197 = vector.extract_strided_slice %get3A_9 {offsets = [0, 4864], sizes = [64, 128], strides = [1, 1]} : vector<64x32768xf32> to vector<64x128xf32>
    %slice3A_198 = vector.extract_strided_slice %add3A {offsets = [38, 0], sizes = [1, 128], strides = [1, 1]} : vector<256x128xf32> to vector<1x128xf32>
    %mul3A_199 = vector.broadcast %slice3A_198 : vector<1x128xf32> to vector<64x128xf32>
    %mul3A_200 = arith.mulf %slice3A_197, %mul3A_199 : vector<64x128xf32>
    %add3A_201 = arith.addf %add3A_196, %mul3A_200 : vector<64x128xf32>
    %slice3A_202 = vector.extract_strided_slice %get3A_9 {offsets = [0, 4992], sizes = [64, 128], strides = [1, 1]} : vector<64x32768xf32> to vector<64x128xf32>
    %slice3A_203 = vector.extract_strided_slice %add3A {offsets = [39, 0], sizes = [1, 128], strides = [1, 1]} : vector<256x128xf32> to vector<1x128xf32>
    %mul3A_204 = vector.broadcast %slice3A_203 : vector<1x128xf32> to vector<64x128xf32>
    %mul3A_205 = arith.mulf %slice3A_202, %mul3A_204 : vector<64x128xf32>
    %add3A_206 = arith.addf %add3A_201, %mul3A_205 : vector<64x128xf32>
    %slice3A_207 = vector.extract_strided_slice %get3A_9 {offsets = [0, 5120], sizes = [64, 128], strides = [1, 1]} : vector<64x32768xf32> to vector<64x128xf32>
    %slice3A_208 = vector.extract_strided_slice %add3A {offsets = [40, 0], sizes = [1, 128], strides = [1, 1]} : vector<256x128xf32> to vector<1x128xf32>
    %mul3A_209 = vector.broadcast %slice3A_208 : vector<1x128xf32> to vector<64x128xf32>
    %mul3A_210 = arith.mulf %slice3A_207, %mul3A_209 : vector<64x128xf32>
    %add3A_211 = arith.addf %add3A_206, %mul3A_210 : vector<64x128xf32>
    %slice3A_212 = vector.extract_strided_slice %get3A_9 {offsets = [0, 5248], sizes = [64, 128], strides = [1, 1]} : vector<64x32768xf32> to vector<64x128xf32>
    %slice3A_213 = vector.extract_strided_slice %add3A {offsets = [41, 0], sizes = [1, 128], strides = [1, 1]} : vector<256x128xf32> to vector<1x128xf32>
    %mul3A_214 = vector.broadcast %slice3A_213 : vector<1x128xf32> to vector<64x128xf32>
    %mul3A_215 = arith.mulf %slice3A_212, %mul3A_214 : vector<64x128xf32>
    %add3A_216 = arith.addf %add3A_211, %mul3A_215 : vector<64x128xf32>
    %slice3A_217 = vector.extract_strided_slice %get3A_9 {offsets = [0, 5376], sizes = [64, 128], strides = [1, 1]} : vector<64x32768xf32> to vector<64x128xf32>
    %slice3A_218 = vector.extract_strided_slice %add3A {offsets = [42, 0], sizes = [1, 128], strides = [1, 1]} : vector<256x128xf32> to vector<1x128xf32>
    %mul3A_219 = vector.broadcast %slice3A_218 : vector<1x128xf32> to vector<64x128xf32>
    %mul3A_220 = arith.mulf %slice3A_217, %mul3A_219 : vector<64x128xf32>
    %add3A_221 = arith.addf %add3A_216, %mul3A_220 : vector<64x128xf32>
    %slice3A_222 = vector.extract_strided_slice %get3A_9 {offsets = [0, 5504], sizes = [64, 128], strides = [1, 1]} : vector<64x32768xf32> to vector<64x128xf32>
    %slice3A_223 = vector.extract_strided_slice %add3A {offsets = [43, 0], sizes = [1, 128], strides = [1, 1]} : vector<256x128xf32> to vector<1x128xf32>
    %mul3A_224 = vector.broadcast %slice3A_223 : vector<1x128xf32> to vector<64x128xf32>
    %mul3A_225 = arith.mulf %slice3A_222, %mul3A_224 : vector<64x128xf32>
    %add3A_226 = arith.addf %add3A_221, %mul3A_225 : vector<64x128xf32>
    %slice3A_227 = vector.extract_strided_slice %get3A_9 {offsets = [0, 5632], sizes = [64, 128], strides = [1, 1]} : vector<64x32768xf32> to vector<64x128xf32>
    %slice3A_228 = vector.extract_strided_slice %add3A {offsets = [44, 0], sizes = [1, 128], strides = [1, 1]} : vector<256x128xf32> to vector<1x128xf32>
    %mul3A_229 = vector.broadcast %slice3A_228 : vector<1x128xf32> to vector<64x128xf32>
    %mul3A_230 = arith.mulf %slice3A_227, %mul3A_229 : vector<64x128xf32>
    %add3A_231 = arith.addf %add3A_226, %mul3A_230 : vector<64x128xf32>
    %slice3A_232 = vector.extract_strided_slice %get3A_9 {offsets = [0, 5760], sizes = [64, 128], strides = [1, 1]} : vector<64x32768xf32> to vector<64x128xf32>
    %slice3A_233 = vector.extract_strided_slice %add3A {offsets = [45, 0], sizes = [1, 128], strides = [1, 1]} : vector<256x128xf32> to vector<1x128xf32>
    %mul3A_234 = vector.broadcast %slice3A_233 : vector<1x128xf32> to vector<64x128xf32>
    %mul3A_235 = arith.mulf %slice3A_232, %mul3A_234 : vector<64x128xf32>
    %add3A_236 = arith.addf %add3A_231, %mul3A_235 : vector<64x128xf32>
    %slice3A_237 = vector.extract_strided_slice %get3A_9 {offsets = [0, 5888], sizes = [64, 128], strides = [1, 1]} : vector<64x32768xf32> to vector<64x128xf32>
    %slice3A_238 = vector.extract_strided_slice %add3A {offsets = [46, 0], sizes = [1, 128], strides = [1, 1]} : vector<256x128xf32> to vector<1x128xf32>
    %mul3A_239 = vector.broadcast %slice3A_238 : vector<1x128xf32> to vector<64x128xf32>
    %mul3A_240 = arith.mulf %slice3A_237, %mul3A_239 : vector<64x128xf32>
    %add3A_241 = arith.addf %add3A_236, %mul3A_240 : vector<64x128xf32>
    %slice3A_242 = vector.extract_strided_slice %get3A_9 {offsets = [0, 6016], sizes = [64, 128], strides = [1, 1]} : vector<64x32768xf32> to vector<64x128xf32>
    %slice3A_243 = vector.extract_strided_slice %add3A {offsets = [47, 0], sizes = [1, 128], strides = [1, 1]} : vector<256x128xf32> to vector<1x128xf32>
    %mul3A_244 = vector.broadcast %slice3A_243 : vector<1x128xf32> to vector<64x128xf32>
    %mul3A_245 = arith.mulf %slice3A_242, %mul3A_244 : vector<64x128xf32>
    %add3A_246 = arith.addf %add3A_241, %mul3A_245 : vector<64x128xf32>
    %slice3A_247 = vector.extract_strided_slice %get3A_9 {offsets = [0, 6144], sizes = [64, 128], strides = [1, 1]} : vector<64x32768xf32> to vector<64x128xf32>
    %slice3A_248 = vector.extract_strided_slice %add3A {offsets = [48, 0], sizes = [1, 128], strides = [1, 1]} : vector<256x128xf32> to vector<1x128xf32>
    %mul3A_249 = vector.broadcast %slice3A_248 : vector<1x128xf32> to vector<64x128xf32>
    %mul3A_250 = arith.mulf %slice3A_247, %mul3A_249 : vector<64x128xf32>
    %add3A_251 = arith.addf %add3A_246, %mul3A_250 : vector<64x128xf32>
    %slice3A_252 = vector.extract_strided_slice %get3A_9 {offsets = [0, 6272], sizes = [64, 128], strides = [1, 1]} : vector<64x32768xf32> to vector<64x128xf32>
    %slice3A_253 = vector.extract_strided_slice %add3A {offsets = [49, 0], sizes = [1, 128], strides = [1, 1]} : vector<256x128xf32> to vector<1x128xf32>
    %mul3A_254 = vector.broadcast %slice3A_253 : vector<1x128xf32> to vector<64x128xf32>
    %mul3A_255 = arith.mulf %slice3A_252, %mul3A_254 : vector<64x128xf32>
    %add3A_256 = arith.addf %add3A_251, %mul3A_255 : vector<64x128xf32>
    %slice3A_257 = vector.extract_strided_slice %get3A_9 {offsets = [0, 6400], sizes = [64, 128], strides = [1, 1]} : vector<64x32768xf32> to vector<64x128xf32>
    %slice3A_258 = vector.extract_strided_slice %add3A {offsets = [50, 0], sizes = [1, 128], strides = [1, 1]} : vector<256x128xf32> to vector<1x128xf32>
    %mul3A_259 = vector.broadcast %slice3A_258 : vector<1x128xf32> to vector<64x128xf32>
    %mul3A_260 = arith.mulf %slice3A_257, %mul3A_259 : vector<64x128xf32>
    %add3A_261 = arith.addf %add3A_256, %mul3A_260 : vector<64x128xf32>
    %slice3A_262 = vector.extract_strided_slice %get3A_9 {offsets = [0, 6528], sizes = [64, 128], strides = [1, 1]} : vector<64x32768xf32> to vector<64x128xf32>
    %slice3A_263 = vector.extract_strided_slice %add3A {offsets = [51, 0], sizes = [1, 128], strides = [1, 1]} : vector<256x128xf32> to vector<1x128xf32>
    %mul3A_264 = vector.broadcast %slice3A_263 : vector<1x128xf32> to vector<64x128xf32>
    %mul3A_265 = arith.mulf %slice3A_262, %mul3A_264 : vector<64x128xf32>
    %add3A_266 = arith.addf %add3A_261, %mul3A_265 : vector<64x128xf32>
    %slice3A_267 = vector.extract_strided_slice %get3A_9 {offsets = [0, 6656], sizes = [64, 128], strides = [1, 1]} : vector<64x32768xf32> to vector<64x128xf32>
    %slice3A_268 = vector.extract_strided_slice %add3A {offsets = [52, 0], sizes = [1, 128], strides = [1, 1]} : vector<256x128xf32> to vector<1x128xf32>
    %mul3A_269 = vector.broadcast %slice3A_268 : vector<1x128xf32> to vector<64x128xf32>
    %mul3A_270 = arith.mulf %slice3A_267, %mul3A_269 : vector<64x128xf32>
    %add3A_271 = arith.addf %add3A_266, %mul3A_270 : vector<64x128xf32>
    %slice3A_272 = vector.extract_strided_slice %get3A_9 {offsets = [0, 6784], sizes = [64, 128], strides = [1, 1]} : vector<64x32768xf32> to vector<64x128xf32>
    %slice3A_273 = vector.extract_strided_slice %add3A {offsets = [53, 0], sizes = [1, 128], strides = [1, 1]} : vector<256x128xf32> to vector<1x128xf32>
    %mul3A_274 = vector.broadcast %slice3A_273 : vector<1x128xf32> to vector<64x128xf32>
    %mul3A_275 = arith.mulf %slice3A_272, %mul3A_274 : vector<64x128xf32>
    %add3A_276 = arith.addf %add3A_271, %mul3A_275 : vector<64x128xf32>
    %slice3A_277 = vector.extract_strided_slice %get3A_9 {offsets = [0, 6912], sizes = [64, 128], strides = [1, 1]} : vector<64x32768xf32> to vector<64x128xf32>
    %slice3A_278 = vector.extract_strided_slice %add3A {offsets = [54, 0], sizes = [1, 128], strides = [1, 1]} : vector<256x128xf32> to vector<1x128xf32>
    %mul3A_279 = vector.broadcast %slice3A_278 : vector<1x128xf32> to vector<64x128xf32>
    %mul3A_280 = arith.mulf %slice3A_277, %mul3A_279 : vector<64x128xf32>
    %add3A_281 = arith.addf %add3A_276, %mul3A_280 : vector<64x128xf32>
    %slice3A_282 = vector.extract_strided_slice %get3A_9 {offsets = [0, 7040], sizes = [64, 128], strides = [1, 1]} : vector<64x32768xf32> to vector<64x128xf32>
    %slice3A_283 = vector.extract_strided_slice %add3A {offsets = [55, 0], sizes = [1, 128], strides = [1, 1]} : vector<256x128xf32> to vector<1x128xf32>
    %mul3A_284 = vector.broadcast %slice3A_283 : vector<1x128xf32> to vector<64x128xf32>
    %mul3A_285 = arith.mulf %slice3A_282, %mul3A_284 : vector<64x128xf32>
    %add3A_286 = arith.addf %add3A_281, %mul3A_285 : vector<64x128xf32>
    %slice3A_287 = vector.extract_strided_slice %get3A_9 {offsets = [0, 7168], sizes = [64, 128], strides = [1, 1]} : vector<64x32768xf32> to vector<64x128xf32>
    %slice3A_288 = vector.extract_strided_slice %add3A {offsets = [56, 0], sizes = [1, 128], strides = [1, 1]} : vector<256x128xf32> to vector<1x128xf32>
    %mul3A_289 = vector.broadcast %slice3A_288 : vector<1x128xf32> to vector<64x128xf32>
    %mul3A_290 = arith.mulf %slice3A_287, %mul3A_289 : vector<64x128xf32>
    %add3A_291 = arith.addf %add3A_286, %mul3A_290 : vector<64x128xf32>
    %slice3A_292 = vector.extract_strided_slice %get3A_9 {offsets = [0, 7296], sizes = [64, 128], strides = [1, 1]} : vector<64x32768xf32> to vector<64x128xf32>
    %slice3A_293 = vector.extract_strided_slice %add3A {offsets = [57, 0], sizes = [1, 128], strides = [1, 1]} : vector<256x128xf32> to vector<1x128xf32>
    %mul3A_294 = vector.broadcast %slice3A_293 : vector<1x128xf32> to vector<64x128xf32>
    %mul3A_295 = arith.mulf %slice3A_292, %mul3A_294 : vector<64x128xf32>
    %add3A_296 = arith.addf %add3A_291, %mul3A_295 : vector<64x128xf32>
    %slice3A_297 = vector.extract_strided_slice %get3A_9 {offsets = [0, 7424], sizes = [64, 128], strides = [1, 1]} : vector<64x32768xf32> to vector<64x128xf32>
    %slice3A_298 = vector.extract_strided_slice %add3A {offsets = [58, 0], sizes = [1, 128], strides = [1, 1]} : vector<256x128xf32> to vector<1x128xf32>
    %mul3A_299 = vector.broadcast %slice3A_298 : vector<1x128xf32> to vector<64x128xf32>
    %mul3A_300 = arith.mulf %slice3A_297, %mul3A_299 : vector<64x128xf32>
    %add3A_301 = arith.addf %add3A_296, %mul3A_300 : vector<64x128xf32>
    %slice3A_302 = vector.extract_strided_slice %get3A_9 {offsets = [0, 7552], sizes = [64, 128], strides = [1, 1]} : vector<64x32768xf32> to vector<64x128xf32>
    %slice3A_303 = vector.extract_strided_slice %add3A {offsets = [59, 0], sizes = [1, 128], strides = [1, 1]} : vector<256x128xf32> to vector<1x128xf32>
    %mul3A_304 = vector.broadcast %slice3A_303 : vector<1x128xf32> to vector<64x128xf32>
    %mul3A_305 = arith.mulf %slice3A_302, %mul3A_304 : vector<64x128xf32>
    %add3A_306 = arith.addf %add3A_301, %mul3A_305 : vector<64x128xf32>
    %slice3A_307 = vector.extract_strided_slice %get3A_9 {offsets = [0, 7680], sizes = [64, 128], strides = [1, 1]} : vector<64x32768xf32> to vector<64x128xf32>
    %slice3A_308 = vector.extract_strided_slice %add3A {offsets = [60, 0], sizes = [1, 128], strides = [1, 1]} : vector<256x128xf32> to vector<1x128xf32>
    %mul3A_309 = vector.broadcast %slice3A_308 : vector<1x128xf32> to vector<64x128xf32>
    %mul3A_310 = arith.mulf %slice3A_307, %mul3A_309 : vector<64x128xf32>
    %add3A_311 = arith.addf %add3A_306, %mul3A_310 : vector<64x128xf32>
    %slice3A_312 = vector.extract_strided_slice %get3A_9 {offsets = [0, 7808], sizes = [64, 128], strides = [1, 1]} : vector<64x32768xf32> to vector<64x128xf32>
    %slice3A_313 = vector.extract_strided_slice %add3A {offsets = [61, 0], sizes = [1, 128], strides = [1, 1]} : vector<256x128xf32> to vector<1x128xf32>
    %mul3A_314 = vector.broadcast %slice3A_313 : vector<1x128xf32> to vector<64x128xf32>
    %mul3A_315 = arith.mulf %slice3A_312, %mul3A_314 : vector<64x128xf32>
    %add3A_316 = arith.addf %add3A_311, %mul3A_315 : vector<64x128xf32>
    %slice3A_317 = vector.extract_strided_slice %get3A_9 {offsets = [0, 7936], sizes = [64, 128], strides = [1, 1]} : vector<64x32768xf32> to vector<64x128xf32>
    %slice3A_318 = vector.extract_strided_slice %add3A {offsets = [62, 0], sizes = [1, 128], strides = [1, 1]} : vector<256x128xf32> to vector<1x128xf32>
    %mul3A_319 = vector.broadcast %slice3A_318 : vector<1x128xf32> to vector<64x128xf32>
    %mul3A_320 = arith.mulf %slice3A_317, %mul3A_319 : vector<64x128xf32>
    %add3A_321 = arith.addf %add3A_316, %mul3A_320 : vector<64x128xf32>
    %slice3A_322 = vector.extract_strided_slice %get3A_9 {offsets = [0, 8064], sizes = [64, 128], strides = [1, 1]} : vector<64x32768xf32> to vector<64x128xf32>
    %slice3A_323 = vector.extract_strided_slice %add3A {offsets = [63, 0], sizes = [1, 128], strides = [1, 1]} : vector<256x128xf32> to vector<1x128xf32>
    %mul3A_324 = vector.broadcast %slice3A_323 : vector<1x128xf32> to vector<64x128xf32>
    %mul3A_325 = arith.mulf %slice3A_322, %mul3A_324 : vector<64x128xf32>
    %add3A_326 = arith.addf %add3A_321, %mul3A_325 : vector<64x128xf32>
    %slice3A_327 = vector.extract_strided_slice %get3A_9 {offsets = [0, 8192], sizes = [64, 128], strides = [1, 1]} : vector<64x32768xf32> to vector<64x128xf32>
    %slice3A_328 = vector.extract_strided_slice %add3A {offsets = [64, 0], sizes = [1, 128], strides = [1, 1]} : vector<256x128xf32> to vector<1x128xf32>
    %mul3A_329 = vector.broadcast %slice3A_328 : vector<1x128xf32> to vector<64x128xf32>
    %mul3A_330 = arith.mulf %slice3A_327, %mul3A_329 : vector<64x128xf32>
    %add3A_331 = arith.addf %add3A_326, %mul3A_330 : vector<64x128xf32>
    %slice3A_332 = vector.extract_strided_slice %get3A_9 {offsets = [0, 8320], sizes = [64, 128], strides = [1, 1]} : vector<64x32768xf32> to vector<64x128xf32>
    %slice3A_333 = vector.extract_strided_slice %add3A {offsets = [65, 0], sizes = [1, 128], strides = [1, 1]} : vector<256x128xf32> to vector<1x128xf32>
    %mul3A_334 = vector.broadcast %slice3A_333 : vector<1x128xf32> to vector<64x128xf32>
    %mul3A_335 = arith.mulf %slice3A_332, %mul3A_334 : vector<64x128xf32>
    %add3A_336 = arith.addf %add3A_331, %mul3A_335 : vector<64x128xf32>
    %slice3A_337 = vector.extract_strided_slice %get3A_9 {offsets = [0, 8448], sizes = [64, 128], strides = [1, 1]} : vector<64x32768xf32> to vector<64x128xf32>
    %slice3A_338 = vector.extract_strided_slice %add3A {offsets = [66, 0], sizes = [1, 128], strides = [1, 1]} : vector<256x128xf32> to vector<1x128xf32>
    %mul3A_339 = vector.broadcast %slice3A_338 : vector<1x128xf32> to vector<64x128xf32>
    %mul3A_340 = arith.mulf %slice3A_337, %mul3A_339 : vector<64x128xf32>
    %add3A_341 = arith.addf %add3A_336, %mul3A_340 : vector<64x128xf32>
    %slice3A_342 = vector.extract_strided_slice %get3A_9 {offsets = [0, 8576], sizes = [64, 128], strides = [1, 1]} : vector<64x32768xf32> to vector<64x128xf32>
    %slice3A_343 = vector.extract_strided_slice %add3A {offsets = [67, 0], sizes = [1, 128], strides = [1, 1]} : vector<256x128xf32> to vector<1x128xf32>
    %mul3A_344 = vector.broadcast %slice3A_343 : vector<1x128xf32> to vector<64x128xf32>
    %mul3A_345 = arith.mulf %slice3A_342, %mul3A_344 : vector<64x128xf32>
    %add3A_346 = arith.addf %add3A_341, %mul3A_345 : vector<64x128xf32>
    %slice3A_347 = vector.extract_strided_slice %get3A_9 {offsets = [0, 8704], sizes = [64, 128], strides = [1, 1]} : vector<64x32768xf32> to vector<64x128xf32>
    %slice3A_348 = vector.extract_strided_slice %add3A {offsets = [68, 0], sizes = [1, 128], strides = [1, 1]} : vector<256x128xf32> to vector<1x128xf32>
    %mul3A_349 = vector.broadcast %slice3A_348 : vector<1x128xf32> to vector<64x128xf32>
    %mul3A_350 = arith.mulf %slice3A_347, %mul3A_349 : vector<64x128xf32>
    %add3A_351 = arith.addf %add3A_346, %mul3A_350 : vector<64x128xf32>
    %slice3A_352 = vector.extract_strided_slice %get3A_9 {offsets = [0, 8832], sizes = [64, 128], strides = [1, 1]} : vector<64x32768xf32> to vector<64x128xf32>
    %slice3A_353 = vector.extract_strided_slice %add3A {offsets = [69, 0], sizes = [1, 128], strides = [1, 1]} : vector<256x128xf32> to vector<1x128xf32>
    %mul3A_354 = vector.broadcast %slice3A_353 : vector<1x128xf32> to vector<64x128xf32>
    %mul3A_355 = arith.mulf %slice3A_352, %mul3A_354 : vector<64x128xf32>
    %add3A_356 = arith.addf %add3A_351, %mul3A_355 : vector<64x128xf32>
    %slice3A_357 = vector.extract_strided_slice %get3A_9 {offsets = [0, 8960], sizes = [64, 128], strides = [1, 1]} : vector<64x32768xf32> to vector<64x128xf32>
    %slice3A_358 = vector.extract_strided_slice %add3A {offsets = [70, 0], sizes = [1, 128], strides = [1, 1]} : vector<256x128xf32> to vector<1x128xf32>
    %mul3A_359 = vector.broadcast %slice3A_358 : vector<1x128xf32> to vector<64x128xf32>
    %mul3A_360 = arith.mulf %slice3A_357, %mul3A_359 : vector<64x128xf32>
    %add3A_361 = arith.addf %add3A_356, %mul3A_360 : vector<64x128xf32>
    %slice3A_362 = vector.extract_strided_slice %get3A_9 {offsets = [0, 9088], sizes = [64, 128], strides = [1, 1]} : vector<64x32768xf32> to vector<64x128xf32>
    %slice3A_363 = vector.extract_strided_slice %add3A {offsets = [71, 0], sizes = [1, 128], strides = [1, 1]} : vector<256x128xf32> to vector<1x128xf32>
    %mul3A_364 = vector.broadcast %slice3A_363 : vector<1x128xf32> to vector<64x128xf32>
    %mul3A_365 = arith.mulf %slice3A_362, %mul3A_364 : vector<64x128xf32>
    %add3A_366 = arith.addf %add3A_361, %mul3A_365 : vector<64x128xf32>
    %slice3A_367 = vector.extract_strided_slice %get3A_9 {offsets = [0, 9216], sizes = [64, 128], strides = [1, 1]} : vector<64x32768xf32> to vector<64x128xf32>
    %slice3A_368 = vector.extract_strided_slice %add3A {offsets = [72, 0], sizes = [1, 128], strides = [1, 1]} : vector<256x128xf32> to vector<1x128xf32>
    %mul3A_369 = vector.broadcast %slice3A_368 : vector<1x128xf32> to vector<64x128xf32>
    %mul3A_370 = arith.mulf %slice3A_367, %mul3A_369 : vector<64x128xf32>
    %add3A_371 = arith.addf %add3A_366, %mul3A_370 : vector<64x128xf32>
    %slice3A_372 = vector.extract_strided_slice %get3A_9 {offsets = [0, 9344], sizes = [64, 128], strides = [1, 1]} : vector<64x32768xf32> to vector<64x128xf32>
    %slice3A_373 = vector.extract_strided_slice %add3A {offsets = [73, 0], sizes = [1, 128], strides = [1, 1]} : vector<256x128xf32> to vector<1x128xf32>
    %mul3A_374 = vector.broadcast %slice3A_373 : vector<1x128xf32> to vector<64x128xf32>
    %mul3A_375 = arith.mulf %slice3A_372, %mul3A_374 : vector<64x128xf32>
    %add3A_376 = arith.addf %add3A_371, %mul3A_375 : vector<64x128xf32>
    %slice3A_377 = vector.extract_strided_slice %get3A_9 {offsets = [0, 9472], sizes = [64, 128], strides = [1, 1]} : vector<64x32768xf32> to vector<64x128xf32>
    %slice3A_378 = vector.extract_strided_slice %add3A {offsets = [74, 0], sizes = [1, 128], strides = [1, 1]} : vector<256x128xf32> to vector<1x128xf32>
    %mul3A_379 = vector.broadcast %slice3A_378 : vector<1x128xf32> to vector<64x128xf32>
    %mul3A_380 = arith.mulf %slice3A_377, %mul3A_379 : vector<64x128xf32>
    %add3A_381 = arith.addf %add3A_376, %mul3A_380 : vector<64x128xf32>
    %slice3A_382 = vector.extract_strided_slice %get3A_9 {offsets = [0, 9600], sizes = [64, 128], strides = [1, 1]} : vector<64x32768xf32> to vector<64x128xf32>
    %slice3A_383 = vector.extract_strided_slice %add3A {offsets = [75, 0], sizes = [1, 128], strides = [1, 1]} : vector<256x128xf32> to vector<1x128xf32>
    %mul3A_384 = vector.broadcast %slice3A_383 : vector<1x128xf32> to vector<64x128xf32>
    %mul3A_385 = arith.mulf %slice3A_382, %mul3A_384 : vector<64x128xf32>
    %add3A_386 = arith.addf %add3A_381, %mul3A_385 : vector<64x128xf32>
    %slice3A_387 = vector.extract_strided_slice %get3A_9 {offsets = [0, 9728], sizes = [64, 128], strides = [1, 1]} : vector<64x32768xf32> to vector<64x128xf32>
    %slice3A_388 = vector.extract_strided_slice %add3A {offsets = [76, 0], sizes = [1, 128], strides = [1, 1]} : vector<256x128xf32> to vector<1x128xf32>
    %mul3A_389 = vector.broadcast %slice3A_388 : vector<1x128xf32> to vector<64x128xf32>
    %mul3A_390 = arith.mulf %slice3A_387, %mul3A_389 : vector<64x128xf32>
    %add3A_391 = arith.addf %add3A_386, %mul3A_390 : vector<64x128xf32>
    %slice3A_392 = vector.extract_strided_slice %get3A_9 {offsets = [0, 9856], sizes = [64, 128], strides = [1, 1]} : vector<64x32768xf32> to vector<64x128xf32>
    %slice3A_393 = vector.extract_strided_slice %add3A {offsets = [77, 0], sizes = [1, 128], strides = [1, 1]} : vector<256x128xf32> to vector<1x128xf32>
    %mul3A_394 = vector.broadcast %slice3A_393 : vector<1x128xf32> to vector<64x128xf32>
    %mul3A_395 = arith.mulf %slice3A_392, %mul3A_394 : vector<64x128xf32>
    %add3A_396 = arith.addf %add3A_391, %mul3A_395 : vector<64x128xf32>
    %slice3A_397 = vector.extract_strided_slice %get3A_9 {offsets = [0, 9984], sizes = [64, 128], strides = [1, 1]} : vector<64x32768xf32> to vector<64x128xf32>
    %slice3A_398 = vector.extract_strided_slice %add3A {offsets = [78, 0], sizes = [1, 128], strides = [1, 1]} : vector<256x128xf32> to vector<1x128xf32>
    %mul3A_399 = vector.broadcast %slice3A_398 : vector<1x128xf32> to vector<64x128xf32>
    %mul3A_400 = arith.mulf %slice3A_397, %mul3A_399 : vector<64x128xf32>
    %add3A_401 = arith.addf %add3A_396, %mul3A_400 : vector<64x128xf32>
    %slice3A_402 = vector.extract_strided_slice %get3A_9 {offsets = [0, 10112], sizes = [64, 128], strides = [1, 1]} : vector<64x32768xf32> to vector<64x128xf32>
    %slice3A_403 = vector.extract_strided_slice %add3A {offsets = [79, 0], sizes = [1, 128], strides = [1, 1]} : vector<256x128xf32> to vector<1x128xf32>
    %mul3A_404 = vector.broadcast %slice3A_403 : vector<1x128xf32> to vector<64x128xf32>
    %mul3A_405 = arith.mulf %slice3A_402, %mul3A_404 : vector<64x128xf32>
    %add3A_406 = arith.addf %add3A_401, %mul3A_405 : vector<64x128xf32>
    %slice3A_407 = vector.extract_strided_slice %get3A_9 {offsets = [0, 10240], sizes = [64, 128], strides = [1, 1]} : vector<64x32768xf32> to vector<64x128xf32>
    %slice3A_408 = vector.extract_strided_slice %add3A {offsets = [80, 0], sizes = [1, 128], strides = [1, 1]} : vector<256x128xf32> to vector<1x128xf32>
    %mul3A_409 = vector.broadcast %slice3A_408 : vector<1x128xf32> to vector<64x128xf32>
    %mul3A_410 = arith.mulf %slice3A_407, %mul3A_409 : vector<64x128xf32>
    %add3A_411 = arith.addf %add3A_406, %mul3A_410 : vector<64x128xf32>
    %slice3A_412 = vector.extract_strided_slice %get3A_9 {offsets = [0, 10368], sizes = [64, 128], strides = [1, 1]} : vector<64x32768xf32> to vector<64x128xf32>
    %slice3A_413 = vector.extract_strided_slice %add3A {offsets = [81, 0], sizes = [1, 128], strides = [1, 1]} : vector<256x128xf32> to vector<1x128xf32>
    %mul3A_414 = vector.broadcast %slice3A_413 : vector<1x128xf32> to vector<64x128xf32>
    %mul3A_415 = arith.mulf %slice3A_412, %mul3A_414 : vector<64x128xf32>
    %add3A_416 = arith.addf %add3A_411, %mul3A_415 : vector<64x128xf32>
    %slice3A_417 = vector.extract_strided_slice %get3A_9 {offsets = [0, 10496], sizes = [64, 128], strides = [1, 1]} : vector<64x32768xf32> to vector<64x128xf32>
    %slice3A_418 = vector.extract_strided_slice %add3A {offsets = [82, 0], sizes = [1, 128], strides = [1, 1]} : vector<256x128xf32> to vector<1x128xf32>
    %mul3A_419 = vector.broadcast %slice3A_418 : vector<1x128xf32> to vector<64x128xf32>
    %mul3A_420 = arith.mulf %slice3A_417, %mul3A_419 : vector<64x128xf32>
    %add3A_421 = arith.addf %add3A_416, %mul3A_420 : vector<64x128xf32>
    %slice3A_422 = vector.extract_strided_slice %get3A_9 {offsets = [0, 10624], sizes = [64, 128], strides = [1, 1]} : vector<64x32768xf32> to vector<64x128xf32>
    %slice3A_423 = vector.extract_strided_slice %add3A {offsets = [83, 0], sizes = [1, 128], strides = [1, 1]} : vector<256x128xf32> to vector<1x128xf32>
    %mul3A_424 = vector.broadcast %slice3A_423 : vector<1x128xf32> to vector<64x128xf32>
    %mul3A_425 = arith.mulf %slice3A_422, %mul3A_424 : vector<64x128xf32>
    %add3A_426 = arith.addf %add3A_421, %mul3A_425 : vector<64x128xf32>
    %slice3A_427 = vector.extract_strided_slice %get3A_9 {offsets = [0, 10752], sizes = [64, 128], strides = [1, 1]} : vector<64x32768xf32> to vector<64x128xf32>
    %slice3A_428 = vector.extract_strided_slice %add3A {offsets = [84, 0], sizes = [1, 128], strides = [1, 1]} : vector<256x128xf32> to vector<1x128xf32>
    %mul3A_429 = vector.broadcast %slice3A_428 : vector<1x128xf32> to vector<64x128xf32>
    %mul3A_430 = arith.mulf %slice3A_427, %mul3A_429 : vector<64x128xf32>
    %add3A_431 = arith.addf %add3A_426, %mul3A_430 : vector<64x128xf32>
    %slice3A_432 = vector.extract_strided_slice %get3A_9 {offsets = [0, 10880], sizes = [64, 128], strides = [1, 1]} : vector<64x32768xf32> to vector<64x128xf32>
    %slice3A_433 = vector.extract_strided_slice %add3A {offsets = [85, 0], sizes = [1, 128], strides = [1, 1]} : vector<256x128xf32> to vector<1x128xf32>
    %mul3A_434 = vector.broadcast %slice3A_433 : vector<1x128xf32> to vector<64x128xf32>
    %mul3A_435 = arith.mulf %slice3A_432, %mul3A_434 : vector<64x128xf32>
    %add3A_436 = arith.addf %add3A_431, %mul3A_435 : vector<64x128xf32>
    %slice3A_437 = vector.extract_strided_slice %get3A_9 {offsets = [0, 11008], sizes = [64, 128], strides = [1, 1]} : vector<64x32768xf32> to vector<64x128xf32>
    %slice3A_438 = vector.extract_strided_slice %add3A {offsets = [86, 0], sizes = [1, 128], strides = [1, 1]} : vector<256x128xf32> to vector<1x128xf32>
    %mul3A_439 = vector.broadcast %slice3A_438 : vector<1x128xf32> to vector<64x128xf32>
    %mul3A_440 = arith.mulf %slice3A_437, %mul3A_439 : vector<64x128xf32>
    %add3A_441 = arith.addf %add3A_436, %mul3A_440 : vector<64x128xf32>
    %slice3A_442 = vector.extract_strided_slice %get3A_9 {offsets = [0, 11136], sizes = [64, 128], strides = [1, 1]} : vector<64x32768xf32> to vector<64x128xf32>
    %slice3A_443 = vector.extract_strided_slice %add3A {offsets = [87, 0], sizes = [1, 128], strides = [1, 1]} : vector<256x128xf32> to vector<1x128xf32>
    %mul3A_444 = vector.broadcast %slice3A_443 : vector<1x128xf32> to vector<64x128xf32>
    %mul3A_445 = arith.mulf %slice3A_442, %mul3A_444 : vector<64x128xf32>
    %add3A_446 = arith.addf %add3A_441, %mul3A_445 : vector<64x128xf32>
    %slice3A_447 = vector.extract_strided_slice %get3A_9 {offsets = [0, 11264], sizes = [64, 128], strides = [1, 1]} : vector<64x32768xf32> to vector<64x128xf32>
    %slice3A_448 = vector.extract_strided_slice %add3A {offsets = [88, 0], sizes = [1, 128], strides = [1, 1]} : vector<256x128xf32> to vector<1x128xf32>
    %mul3A_449 = vector.broadcast %slice3A_448 : vector<1x128xf32> to vector<64x128xf32>
    %mul3A_450 = arith.mulf %slice3A_447, %mul3A_449 : vector<64x128xf32>
    %add3A_451 = arith.addf %add3A_446, %mul3A_450 : vector<64x128xf32>
    %slice3A_452 = vector.extract_strided_slice %get3A_9 {offsets = [0, 11392], sizes = [64, 128], strides = [1, 1]} : vector<64x32768xf32> to vector<64x128xf32>
    %slice3A_453 = vector.extract_strided_slice %add3A {offsets = [89, 0], sizes = [1, 128], strides = [1, 1]} : vector<256x128xf32> to vector<1x128xf32>
    %mul3A_454 = vector.broadcast %slice3A_453 : vector<1x128xf32> to vector<64x128xf32>
    %mul3A_455 = arith.mulf %slice3A_452, %mul3A_454 : vector<64x128xf32>
    %add3A_456 = arith.addf %add3A_451, %mul3A_455 : vector<64x128xf32>
    %slice3A_457 = vector.extract_strided_slice %get3A_9 {offsets = [0, 11520], sizes = [64, 128], strides = [1, 1]} : vector<64x32768xf32> to vector<64x128xf32>
    %slice3A_458 = vector.extract_strided_slice %add3A {offsets = [90, 0], sizes = [1, 128], strides = [1, 1]} : vector<256x128xf32> to vector<1x128xf32>
    %mul3A_459 = vector.broadcast %slice3A_458 : vector<1x128xf32> to vector<64x128xf32>
    %mul3A_460 = arith.mulf %slice3A_457, %mul3A_459 : vector<64x128xf32>
    %add3A_461 = arith.addf %add3A_456, %mul3A_460 : vector<64x128xf32>
    %slice3A_462 = vector.extract_strided_slice %get3A_9 {offsets = [0, 11648], sizes = [64, 128], strides = [1, 1]} : vector<64x32768xf32> to vector<64x128xf32>
    %slice3A_463 = vector.extract_strided_slice %add3A {offsets = [91, 0], sizes = [1, 128], strides = [1, 1]} : vector<256x128xf32> to vector<1x128xf32>
    %mul3A_464 = vector.broadcast %slice3A_463 : vector<1x128xf32> to vector<64x128xf32>
    %mul3A_465 = arith.mulf %slice3A_462, %mul3A_464 : vector<64x128xf32>
    %add3A_466 = arith.addf %add3A_461, %mul3A_465 : vector<64x128xf32>
    %slice3A_467 = vector.extract_strided_slice %get3A_9 {offsets = [0, 11776], sizes = [64, 128], strides = [1, 1]} : vector<64x32768xf32> to vector<64x128xf32>
    %slice3A_468 = vector.extract_strided_slice %add3A {offsets = [92, 0], sizes = [1, 128], strides = [1, 1]} : vector<256x128xf32> to vector<1x128xf32>
    %mul3A_469 = vector.broadcast %slice3A_468 : vector<1x128xf32> to vector<64x128xf32>
    %mul3A_470 = arith.mulf %slice3A_467, %mul3A_469 : vector<64x128xf32>
    %add3A_471 = arith.addf %add3A_466, %mul3A_470 : vector<64x128xf32>
    %slice3A_472 = vector.extract_strided_slice %get3A_9 {offsets = [0, 11904], sizes = [64, 128], strides = [1, 1]} : vector<64x32768xf32> to vector<64x128xf32>
    %slice3A_473 = vector.extract_strided_slice %add3A {offsets = [93, 0], sizes = [1, 128], strides = [1, 1]} : vector<256x128xf32> to vector<1x128xf32>
    %mul3A_474 = vector.broadcast %slice3A_473 : vector<1x128xf32> to vector<64x128xf32>
    %mul3A_475 = arith.mulf %slice3A_472, %mul3A_474 : vector<64x128xf32>
    %add3A_476 = arith.addf %add3A_471, %mul3A_475 : vector<64x128xf32>
    %slice3A_477 = vector.extract_strided_slice %get3A_9 {offsets = [0, 12032], sizes = [64, 128], strides = [1, 1]} : vector<64x32768xf32> to vector<64x128xf32>
    %slice3A_478 = vector.extract_strided_slice %add3A {offsets = [94, 0], sizes = [1, 128], strides = [1, 1]} : vector<256x128xf32> to vector<1x128xf32>
    %mul3A_479 = vector.broadcast %slice3A_478 : vector<1x128xf32> to vector<64x128xf32>
    %mul3A_480 = arith.mulf %slice3A_477, %mul3A_479 : vector<64x128xf32>
    %add3A_481 = arith.addf %add3A_476, %mul3A_480 : vector<64x128xf32>
    %slice3A_482 = vector.extract_strided_slice %get3A_9 {offsets = [0, 12160], sizes = [64, 128], strides = [1, 1]} : vector<64x32768xf32> to vector<64x128xf32>
    %slice3A_483 = vector.extract_strided_slice %add3A {offsets = [95, 0], sizes = [1, 128], strides = [1, 1]} : vector<256x128xf32> to vector<1x128xf32>
    %mul3A_484 = vector.broadcast %slice3A_483 : vector<1x128xf32> to vector<64x128xf32>
    %mul3A_485 = arith.mulf %slice3A_482, %mul3A_484 : vector<64x128xf32>
    %add3A_486 = arith.addf %add3A_481, %mul3A_485 : vector<64x128xf32>
    %slice3A_487 = vector.extract_strided_slice %get3A_9 {offsets = [0, 12288], sizes = [64, 128], strides = [1, 1]} : vector<64x32768xf32> to vector<64x128xf32>
    %slice3A_488 = vector.extract_strided_slice %add3A {offsets = [96, 0], sizes = [1, 128], strides = [1, 1]} : vector<256x128xf32> to vector<1x128xf32>
    %mul3A_489 = vector.broadcast %slice3A_488 : vector<1x128xf32> to vector<64x128xf32>
    %mul3A_490 = arith.mulf %slice3A_487, %mul3A_489 : vector<64x128xf32>
    %add3A_491 = arith.addf %add3A_486, %mul3A_490 : vector<64x128xf32>
    %slice3A_492 = vector.extract_strided_slice %get3A_9 {offsets = [0, 12416], sizes = [64, 128], strides = [1, 1]} : vector<64x32768xf32> to vector<64x128xf32>
    %slice3A_493 = vector.extract_strided_slice %add3A {offsets = [97, 0], sizes = [1, 128], strides = [1, 1]} : vector<256x128xf32> to vector<1x128xf32>
    %mul3A_494 = vector.broadcast %slice3A_493 : vector<1x128xf32> to vector<64x128xf32>
    %mul3A_495 = arith.mulf %slice3A_492, %mul3A_494 : vector<64x128xf32>
    %add3A_496 = arith.addf %add3A_491, %mul3A_495 : vector<64x128xf32>
    %slice3A_497 = vector.extract_strided_slice %get3A_9 {offsets = [0, 12544], sizes = [64, 128], strides = [1, 1]} : vector<64x32768xf32> to vector<64x128xf32>
    %slice3A_498 = vector.extract_strided_slice %add3A {offsets = [98, 0], sizes = [1, 128], strides = [1, 1]} : vector<256x128xf32> to vector<1x128xf32>
    %mul3A_499 = vector.broadcast %slice3A_498 : vector<1x128xf32> to vector<64x128xf32>
    %mul3A_500 = arith.mulf %slice3A_497, %mul3A_499 : vector<64x128xf32>
    %add3A_501 = arith.addf %add3A_496, %mul3A_500 : vector<64x128xf32>
    %slice3A_502 = vector.extract_strided_slice %get3A_9 {offsets = [0, 12672], sizes = [64, 128], strides = [1, 1]} : vector<64x32768xf32> to vector<64x128xf32>
    %slice3A_503 = vector.extract_strided_slice %add3A {offsets = [99, 0], sizes = [1, 128], strides = [1, 1]} : vector<256x128xf32> to vector<1x128xf32>
    %mul3A_504 = vector.broadcast %slice3A_503 : vector<1x128xf32> to vector<64x128xf32>
    %mul3A_505 = arith.mulf %slice3A_502, %mul3A_504 : vector<64x128xf32>
    %add3A_506 = arith.addf %add3A_501, %mul3A_505 : vector<64x128xf32>
    %slice3A_507 = vector.extract_strided_slice %get3A_9 {offsets = [0, 12800], sizes = [64, 128], strides = [1, 1]} : vector<64x32768xf32> to vector<64x128xf32>
    %slice3A_508 = vector.extract_strided_slice %add3A {offsets = [100, 0], sizes = [1, 128], strides = [1, 1]} : vector<256x128xf32> to vector<1x128xf32>
    %mul3A_509 = vector.broadcast %slice3A_508 : vector<1x128xf32> to vector<64x128xf32>
    %mul3A_510 = arith.mulf %slice3A_507, %mul3A_509 : vector<64x128xf32>
    %add3A_511 = arith.addf %add3A_506, %mul3A_510 : vector<64x128xf32>
    %slice3A_512 = vector.extract_strided_slice %get3A_9 {offsets = [0, 12928], sizes = [64, 128], strides = [1, 1]} : vector<64x32768xf32> to vector<64x128xf32>
    %slice3A_513 = vector.extract_strided_slice %add3A {offsets = [101, 0], sizes = [1, 128], strides = [1, 1]} : vector<256x128xf32> to vector<1x128xf32>
    %mul3A_514 = vector.broadcast %slice3A_513 : vector<1x128xf32> to vector<64x128xf32>
    %mul3A_515 = arith.mulf %slice3A_512, %mul3A_514 : vector<64x128xf32>
    %add3A_516 = arith.addf %add3A_511, %mul3A_515 : vector<64x128xf32>
    %slice3A_517 = vector.extract_strided_slice %get3A_9 {offsets = [0, 13056], sizes = [64, 128], strides = [1, 1]} : vector<64x32768xf32> to vector<64x128xf32>
    %slice3A_518 = vector.extract_strided_slice %add3A {offsets = [102, 0], sizes = [1, 128], strides = [1, 1]} : vector<256x128xf32> to vector<1x128xf32>
    %mul3A_519 = vector.broadcast %slice3A_518 : vector<1x128xf32> to vector<64x128xf32>
    %mul3A_520 = arith.mulf %slice3A_517, %mul3A_519 : vector<64x128xf32>
    %add3A_521 = arith.addf %add3A_516, %mul3A_520 : vector<64x128xf32>
    %slice3A_522 = vector.extract_strided_slice %get3A_9 {offsets = [0, 13184], sizes = [64, 128], strides = [1, 1]} : vector<64x32768xf32> to vector<64x128xf32>
    %slice3A_523 = vector.extract_strided_slice %add3A {offsets = [103, 0], sizes = [1, 128], strides = [1, 1]} : vector<256x128xf32> to vector<1x128xf32>
    %mul3A_524 = vector.broadcast %slice3A_523 : vector<1x128xf32> to vector<64x128xf32>
    %mul3A_525 = arith.mulf %slice3A_522, %mul3A_524 : vector<64x128xf32>
    %add3A_526 = arith.addf %add3A_521, %mul3A_525 : vector<64x128xf32>
    %slice3A_527 = vector.extract_strided_slice %get3A_9 {offsets = [0, 13312], sizes = [64, 128], strides = [1, 1]} : vector<64x32768xf32> to vector<64x128xf32>
    %slice3A_528 = vector.extract_strided_slice %add3A {offsets = [104, 0], sizes = [1, 128], strides = [1, 1]} : vector<256x128xf32> to vector<1x128xf32>
    %mul3A_529 = vector.broadcast %slice3A_528 : vector<1x128xf32> to vector<64x128xf32>
    %mul3A_530 = arith.mulf %slice3A_527, %mul3A_529 : vector<64x128xf32>
    %add3A_531 = arith.addf %add3A_526, %mul3A_530 : vector<64x128xf32>
    %slice3A_532 = vector.extract_strided_slice %get3A_9 {offsets = [0, 13440], sizes = [64, 128], strides = [1, 1]} : vector<64x32768xf32> to vector<64x128xf32>
    %slice3A_533 = vector.extract_strided_slice %add3A {offsets = [105, 0], sizes = [1, 128], strides = [1, 1]} : vector<256x128xf32> to vector<1x128xf32>
    %mul3A_534 = vector.broadcast %slice3A_533 : vector<1x128xf32> to vector<64x128xf32>
    %mul3A_535 = arith.mulf %slice3A_532, %mul3A_534 : vector<64x128xf32>
    %add3A_536 = arith.addf %add3A_531, %mul3A_535 : vector<64x128xf32>
    %slice3A_537 = vector.extract_strided_slice %get3A_9 {offsets = [0, 13568], sizes = [64, 128], strides = [1, 1]} : vector<64x32768xf32> to vector<64x128xf32>
    %slice3A_538 = vector.extract_strided_slice %add3A {offsets = [106, 0], sizes = [1, 128], strides = [1, 1]} : vector<256x128xf32> to vector<1x128xf32>
    %mul3A_539 = vector.broadcast %slice3A_538 : vector<1x128xf32> to vector<64x128xf32>
    %mul3A_540 = arith.mulf %slice3A_537, %mul3A_539 : vector<64x128xf32>
    %add3A_541 = arith.addf %add3A_536, %mul3A_540 : vector<64x128xf32>
    %slice3A_542 = vector.extract_strided_slice %get3A_9 {offsets = [0, 13696], sizes = [64, 128], strides = [1, 1]} : vector<64x32768xf32> to vector<64x128xf32>
    %slice3A_543 = vector.extract_strided_slice %add3A {offsets = [107, 0], sizes = [1, 128], strides = [1, 1]} : vector<256x128xf32> to vector<1x128xf32>
    %mul3A_544 = vector.broadcast %slice3A_543 : vector<1x128xf32> to vector<64x128xf32>
    %mul3A_545 = arith.mulf %slice3A_542, %mul3A_544 : vector<64x128xf32>
    %add3A_546 = arith.addf %add3A_541, %mul3A_545 : vector<64x128xf32>
    %slice3A_547 = vector.extract_strided_slice %get3A_9 {offsets = [0, 13824], sizes = [64, 128], strides = [1, 1]} : vector<64x32768xf32> to vector<64x128xf32>
    %slice3A_548 = vector.extract_strided_slice %add3A {offsets = [108, 0], sizes = [1, 128], strides = [1, 1]} : vector<256x128xf32> to vector<1x128xf32>
    %mul3A_549 = vector.broadcast %slice3A_548 : vector<1x128xf32> to vector<64x128xf32>
    %mul3A_550 = arith.mulf %slice3A_547, %mul3A_549 : vector<64x128xf32>
    %add3A_551 = arith.addf %add3A_546, %mul3A_550 : vector<64x128xf32>
    %slice3A_552 = vector.extract_strided_slice %get3A_9 {offsets = [0, 13952], sizes = [64, 128], strides = [1, 1]} : vector<64x32768xf32> to vector<64x128xf32>
    %slice3A_553 = vector.extract_strided_slice %add3A {offsets = [109, 0], sizes = [1, 128], strides = [1, 1]} : vector<256x128xf32> to vector<1x128xf32>
    %mul3A_554 = vector.broadcast %slice3A_553 : vector<1x128xf32> to vector<64x128xf32>
    %mul3A_555 = arith.mulf %slice3A_552, %mul3A_554 : vector<64x128xf32>
    %add3A_556 = arith.addf %add3A_551, %mul3A_555 : vector<64x128xf32>
    %slice3A_557 = vector.extract_strided_slice %get3A_9 {offsets = [0, 14080], sizes = [64, 128], strides = [1, 1]} : vector<64x32768xf32> to vector<64x128xf32>
    %slice3A_558 = vector.extract_strided_slice %add3A {offsets = [110, 0], sizes = [1, 128], strides = [1, 1]} : vector<256x128xf32> to vector<1x128xf32>
    %mul3A_559 = vector.broadcast %slice3A_558 : vector<1x128xf32> to vector<64x128xf32>
    %mul3A_560 = arith.mulf %slice3A_557, %mul3A_559 : vector<64x128xf32>
    %add3A_561 = arith.addf %add3A_556, %mul3A_560 : vector<64x128xf32>
    %slice3A_562 = vector.extract_strided_slice %get3A_9 {offsets = [0, 14208], sizes = [64, 128], strides = [1, 1]} : vector<64x32768xf32> to vector<64x128xf32>
    %slice3A_563 = vector.extract_strided_slice %add3A {offsets = [111, 0], sizes = [1, 128], strides = [1, 1]} : vector<256x128xf32> to vector<1x128xf32>
    %mul3A_564 = vector.broadcast %slice3A_563 : vector<1x128xf32> to vector<64x128xf32>
    %mul3A_565 = arith.mulf %slice3A_562, %mul3A_564 : vector<64x128xf32>
    %add3A_566 = arith.addf %add3A_561, %mul3A_565 : vector<64x128xf32>
    %slice3A_567 = vector.extract_strided_slice %get3A_9 {offsets = [0, 14336], sizes = [64, 128], strides = [1, 1]} : vector<64x32768xf32> to vector<64x128xf32>
    %slice3A_568 = vector.extract_strided_slice %add3A {offsets = [112, 0], sizes = [1, 128], strides = [1, 1]} : vector<256x128xf32> to vector<1x128xf32>
    %mul3A_569 = vector.broadcast %slice3A_568 : vector<1x128xf32> to vector<64x128xf32>
    %mul3A_570 = arith.mulf %slice3A_567, %mul3A_569 : vector<64x128xf32>
    %add3A_571 = arith.addf %add3A_566, %mul3A_570 : vector<64x128xf32>
    %slice3A_572 = vector.extract_strided_slice %get3A_9 {offsets = [0, 14464], sizes = [64, 128], strides = [1, 1]} : vector<64x32768xf32> to vector<64x128xf32>
    %slice3A_573 = vector.extract_strided_slice %add3A {offsets = [113, 0], sizes = [1, 128], strides = [1, 1]} : vector<256x128xf32> to vector<1x128xf32>
    %mul3A_574 = vector.broadcast %slice3A_573 : vector<1x128xf32> to vector<64x128xf32>
    %mul3A_575 = arith.mulf %slice3A_572, %mul3A_574 : vector<64x128xf32>
    %add3A_576 = arith.addf %add3A_571, %mul3A_575 : vector<64x128xf32>
    %slice3A_577 = vector.extract_strided_slice %get3A_9 {offsets = [0, 14592], sizes = [64, 128], strides = [1, 1]} : vector<64x32768xf32> to vector<64x128xf32>
    %slice3A_578 = vector.extract_strided_slice %add3A {offsets = [114, 0], sizes = [1, 128], strides = [1, 1]} : vector<256x128xf32> to vector<1x128xf32>
    %mul3A_579 = vector.broadcast %slice3A_578 : vector<1x128xf32> to vector<64x128xf32>
    %mul3A_580 = arith.mulf %slice3A_577, %mul3A_579 : vector<64x128xf32>
    %add3A_581 = arith.addf %add3A_576, %mul3A_580 : vector<64x128xf32>
    %slice3A_582 = vector.extract_strided_slice %get3A_9 {offsets = [0, 14720], sizes = [64, 128], strides = [1, 1]} : vector<64x32768xf32> to vector<64x128xf32>
    %slice3A_583 = vector.extract_strided_slice %add3A {offsets = [115, 0], sizes = [1, 128], strides = [1, 1]} : vector<256x128xf32> to vector<1x128xf32>
    %mul3A_584 = vector.broadcast %slice3A_583 : vector<1x128xf32> to vector<64x128xf32>
    %mul3A_585 = arith.mulf %slice3A_582, %mul3A_584 : vector<64x128xf32>
    %add3A_586 = arith.addf %add3A_581, %mul3A_585 : vector<64x128xf32>
    %slice3A_587 = vector.extract_strided_slice %get3A_9 {offsets = [0, 14848], sizes = [64, 128], strides = [1, 1]} : vector<64x32768xf32> to vector<64x128xf32>
    %slice3A_588 = vector.extract_strided_slice %add3A {offsets = [116, 0], sizes = [1, 128], strides = [1, 1]} : vector<256x128xf32> to vector<1x128xf32>
    %mul3A_589 = vector.broadcast %slice3A_588 : vector<1x128xf32> to vector<64x128xf32>
    %mul3A_590 = arith.mulf %slice3A_587, %mul3A_589 : vector<64x128xf32>
    %add3A_591 = arith.addf %add3A_586, %mul3A_590 : vector<64x128xf32>
    %slice3A_592 = vector.extract_strided_slice %get3A_9 {offsets = [0, 14976], sizes = [64, 128], strides = [1, 1]} : vector<64x32768xf32> to vector<64x128xf32>
    %slice3A_593 = vector.extract_strided_slice %add3A {offsets = [117, 0], sizes = [1, 128], strides = [1, 1]} : vector<256x128xf32> to vector<1x128xf32>
    %mul3A_594 = vector.broadcast %slice3A_593 : vector<1x128xf32> to vector<64x128xf32>
    %mul3A_595 = arith.mulf %slice3A_592, %mul3A_594 : vector<64x128xf32>
    %add3A_596 = arith.addf %add3A_591, %mul3A_595 : vector<64x128xf32>
    %slice3A_597 = vector.extract_strided_slice %get3A_9 {offsets = [0, 15104], sizes = [64, 128], strides = [1, 1]} : vector<64x32768xf32> to vector<64x128xf32>
    %slice3A_598 = vector.extract_strided_slice %add3A {offsets = [118, 0], sizes = [1, 128], strides = [1, 1]} : vector<256x128xf32> to vector<1x128xf32>
    %mul3A_599 = vector.broadcast %slice3A_598 : vector<1x128xf32> to vector<64x128xf32>
    %mul3A_600 = arith.mulf %slice3A_597, %mul3A_599 : vector<64x128xf32>
    %add3A_601 = arith.addf %add3A_596, %mul3A_600 : vector<64x128xf32>
    %slice3A_602 = vector.extract_strided_slice %get3A_9 {offsets = [0, 15232], sizes = [64, 128], strides = [1, 1]} : vector<64x32768xf32> to vector<64x128xf32>
    %slice3A_603 = vector.extract_strided_slice %add3A {offsets = [119, 0], sizes = [1, 128], strides = [1, 1]} : vector<256x128xf32> to vector<1x128xf32>
    %mul3A_604 = vector.broadcast %slice3A_603 : vector<1x128xf32> to vector<64x128xf32>
    %mul3A_605 = arith.mulf %slice3A_602, %mul3A_604 : vector<64x128xf32>
    %add3A_606 = arith.addf %add3A_601, %mul3A_605 : vector<64x128xf32>
    %slice3A_607 = vector.extract_strided_slice %get3A_9 {offsets = [0, 15360], sizes = [64, 128], strides = [1, 1]} : vector<64x32768xf32> to vector<64x128xf32>
    %slice3A_608 = vector.extract_strided_slice %add3A {offsets = [120, 0], sizes = [1, 128], strides = [1, 1]} : vector<256x128xf32> to vector<1x128xf32>
    %mul3A_609 = vector.broadcast %slice3A_608 : vector<1x128xf32> to vector<64x128xf32>
    %mul3A_610 = arith.mulf %slice3A_607, %mul3A_609 : vector<64x128xf32>
    %add3A_611 = arith.addf %add3A_606, %mul3A_610 : vector<64x128xf32>
    %slice3A_612 = vector.extract_strided_slice %get3A_9 {offsets = [0, 15488], sizes = [64, 128], strides = [1, 1]} : vector<64x32768xf32> to vector<64x128xf32>
    %slice3A_613 = vector.extract_strided_slice %add3A {offsets = [121, 0], sizes = [1, 128], strides = [1, 1]} : vector<256x128xf32> to vector<1x128xf32>
    %mul3A_614 = vector.broadcast %slice3A_613 : vector<1x128xf32> to vector<64x128xf32>
    %mul3A_615 = arith.mulf %slice3A_612, %mul3A_614 : vector<64x128xf32>
    %add3A_616 = arith.addf %add3A_611, %mul3A_615 : vector<64x128xf32>
    %slice3A_617 = vector.extract_strided_slice %get3A_9 {offsets = [0, 15616], sizes = [64, 128], strides = [1, 1]} : vector<64x32768xf32> to vector<64x128xf32>
    %slice3A_618 = vector.extract_strided_slice %add3A {offsets = [122, 0], sizes = [1, 128], strides = [1, 1]} : vector<256x128xf32> to vector<1x128xf32>
    %mul3A_619 = vector.broadcast %slice3A_618 : vector<1x128xf32> to vector<64x128xf32>
    %mul3A_620 = arith.mulf %slice3A_617, %mul3A_619 : vector<64x128xf32>
    %add3A_621 = arith.addf %add3A_616, %mul3A_620 : vector<64x128xf32>
    %slice3A_622 = vector.extract_strided_slice %get3A_9 {offsets = [0, 15744], sizes = [64, 128], strides = [1, 1]} : vector<64x32768xf32> to vector<64x128xf32>
    %slice3A_623 = vector.extract_strided_slice %add3A {offsets = [123, 0], sizes = [1, 128], strides = [1, 1]} : vector<256x128xf32> to vector<1x128xf32>
    %mul3A_624 = vector.broadcast %slice3A_623 : vector<1x128xf32> to vector<64x128xf32>
    %mul3A_625 = arith.mulf %slice3A_622, %mul3A_624 : vector<64x128xf32>
    %add3A_626 = arith.addf %add3A_621, %mul3A_625 : vector<64x128xf32>
    %slice3A_627 = vector.extract_strided_slice %get3A_9 {offsets = [0, 15872], sizes = [64, 128], strides = [1, 1]} : vector<64x32768xf32> to vector<64x128xf32>
    %slice3A_628 = vector.extract_strided_slice %add3A {offsets = [124, 0], sizes = [1, 128], strides = [1, 1]} : vector<256x128xf32> to vector<1x128xf32>
    %mul3A_629 = vector.broadcast %slice3A_628 : vector<1x128xf32> to vector<64x128xf32>
    %mul3A_630 = arith.mulf %slice3A_627, %mul3A_629 : vector<64x128xf32>
    %add3A_631 = arith.addf %add3A_626, %mul3A_630 : vector<64x128xf32>
    %slice3A_632 = vector.extract_strided_slice %get3A_9 {offsets = [0, 16000], sizes = [64, 128], strides = [1, 1]} : vector<64x32768xf32> to vector<64x128xf32>
    %slice3A_633 = vector.extract_strided_slice %add3A {offsets = [125, 0], sizes = [1, 128], strides = [1, 1]} : vector<256x128xf32> to vector<1x128xf32>
    %mul3A_634 = vector.broadcast %slice3A_633 : vector<1x128xf32> to vector<64x128xf32>
    %mul3A_635 = arith.mulf %slice3A_632, %mul3A_634 : vector<64x128xf32>
    %add3A_636 = arith.addf %add3A_631, %mul3A_635 : vector<64x128xf32>
    %slice3A_637 = vector.extract_strided_slice %get3A_9 {offsets = [0, 16128], sizes = [64, 128], strides = [1, 1]} : vector<64x32768xf32> to vector<64x128xf32>
    %slice3A_638 = vector.extract_strided_slice %add3A {offsets = [126, 0], sizes = [1, 128], strides = [1, 1]} : vector<256x128xf32> to vector<1x128xf32>
    %mul3A_639 = vector.broadcast %slice3A_638 : vector<1x128xf32> to vector<64x128xf32>
    %mul3A_640 = arith.mulf %slice3A_637, %mul3A_639 : vector<64x128xf32>
    %add3A_641 = arith.addf %add3A_636, %mul3A_640 : vector<64x128xf32>
    %slice3A_642 = vector.extract_strided_slice %get3A_9 {offsets = [0, 16256], sizes = [64, 128], strides = [1, 1]} : vector<64x32768xf32> to vector<64x128xf32>
    %slice3A_643 = vector.extract_strided_slice %add3A {offsets = [127, 0], sizes = [1, 128], strides = [1, 1]} : vector<256x128xf32> to vector<1x128xf32>
    %mul3A_644 = vector.broadcast %slice3A_643 : vector<1x128xf32> to vector<64x128xf32>
    %mul3A_645 = arith.mulf %slice3A_642, %mul3A_644 : vector<64x128xf32>
    %add3A_646 = arith.addf %add3A_641, %mul3A_645 : vector<64x128xf32>
    %slice3A_647 = vector.extract_strided_slice %get3A_9 {offsets = [0, 16384], sizes = [64, 128], strides = [1, 1]} : vector<64x32768xf32> to vector<64x128xf32>
    %slice3A_648 = vector.extract_strided_slice %add3A {offsets = [128, 0], sizes = [1, 128], strides = [1, 1]} : vector<256x128xf32> to vector<1x128xf32>
    %mul3A_649 = vector.broadcast %slice3A_648 : vector<1x128xf32> to vector<64x128xf32>
    %mul3A_650 = arith.mulf %slice3A_647, %mul3A_649 : vector<64x128xf32>
    %add3A_651 = arith.addf %add3A_646, %mul3A_650 : vector<64x128xf32>
    %slice3A_652 = vector.extract_strided_slice %get3A_9 {offsets = [0, 16512], sizes = [64, 128], strides = [1, 1]} : vector<64x32768xf32> to vector<64x128xf32>
    %slice3A_653 = vector.extract_strided_slice %add3A {offsets = [129, 0], sizes = [1, 128], strides = [1, 1]} : vector<256x128xf32> to vector<1x128xf32>
    %mul3A_654 = vector.broadcast %slice3A_653 : vector<1x128xf32> to vector<64x128xf32>
    %mul3A_655 = arith.mulf %slice3A_652, %mul3A_654 : vector<64x128xf32>
    %add3A_656 = arith.addf %add3A_651, %mul3A_655 : vector<64x128xf32>
    %slice3A_657 = vector.extract_strided_slice %get3A_9 {offsets = [0, 16640], sizes = [64, 128], strides = [1, 1]} : vector<64x32768xf32> to vector<64x128xf32>
    %slice3A_658 = vector.extract_strided_slice %add3A {offsets = [130, 0], sizes = [1, 128], strides = [1, 1]} : vector<256x128xf32> to vector<1x128xf32>
    %mul3A_659 = vector.broadcast %slice3A_658 : vector<1x128xf32> to vector<64x128xf32>
    %mul3A_660 = arith.mulf %slice3A_657, %mul3A_659 : vector<64x128xf32>
    %add3A_661 = arith.addf %add3A_656, %mul3A_660 : vector<64x128xf32>
    %slice3A_662 = vector.extract_strided_slice %get3A_9 {offsets = [0, 16768], sizes = [64, 128], strides = [1, 1]} : vector<64x32768xf32> to vector<64x128xf32>
    %slice3A_663 = vector.extract_strided_slice %add3A {offsets = [131, 0], sizes = [1, 128], strides = [1, 1]} : vector<256x128xf32> to vector<1x128xf32>
    %mul3A_664 = vector.broadcast %slice3A_663 : vector<1x128xf32> to vector<64x128xf32>
    %mul3A_665 = arith.mulf %slice3A_662, %mul3A_664 : vector<64x128xf32>
    %add3A_666 = arith.addf %add3A_661, %mul3A_665 : vector<64x128xf32>
    %slice3A_667 = vector.extract_strided_slice %get3A_9 {offsets = [0, 16896], sizes = [64, 128], strides = [1, 1]} : vector<64x32768xf32> to vector<64x128xf32>
    %slice3A_668 = vector.extract_strided_slice %add3A {offsets = [132, 0], sizes = [1, 128], strides = [1, 1]} : vector<256x128xf32> to vector<1x128xf32>
    %mul3A_669 = vector.broadcast %slice3A_668 : vector<1x128xf32> to vector<64x128xf32>
    %mul3A_670 = arith.mulf %slice3A_667, %mul3A_669 : vector<64x128xf32>
    %add3A_671 = arith.addf %add3A_666, %mul3A_670 : vector<64x128xf32>
    %slice3A_672 = vector.extract_strided_slice %get3A_9 {offsets = [0, 17024], sizes = [64, 128], strides = [1, 1]} : vector<64x32768xf32> to vector<64x128xf32>
    %slice3A_673 = vector.extract_strided_slice %add3A {offsets = [133, 0], sizes = [1, 128], strides = [1, 1]} : vector<256x128xf32> to vector<1x128xf32>
    %mul3A_674 = vector.broadcast %slice3A_673 : vector<1x128xf32> to vector<64x128xf32>
    %mul3A_675 = arith.mulf %slice3A_672, %mul3A_674 : vector<64x128xf32>
    %add3A_676 = arith.addf %add3A_671, %mul3A_675 : vector<64x128xf32>
    %slice3A_677 = vector.extract_strided_slice %get3A_9 {offsets = [0, 17152], sizes = [64, 128], strides = [1, 1]} : vector<64x32768xf32> to vector<64x128xf32>
    %slice3A_678 = vector.extract_strided_slice %add3A {offsets = [134, 0], sizes = [1, 128], strides = [1, 1]} : vector<256x128xf32> to vector<1x128xf32>
    %mul3A_679 = vector.broadcast %slice3A_678 : vector<1x128xf32> to vector<64x128xf32>
    %mul3A_680 = arith.mulf %slice3A_677, %mul3A_679 : vector<64x128xf32>
    %add3A_681 = arith.addf %add3A_676, %mul3A_680 : vector<64x128xf32>
    %slice3A_682 = vector.extract_strided_slice %get3A_9 {offsets = [0, 17280], sizes = [64, 128], strides = [1, 1]} : vector<64x32768xf32> to vector<64x128xf32>
    %slice3A_683 = vector.extract_strided_slice %add3A {offsets = [135, 0], sizes = [1, 128], strides = [1, 1]} : vector<256x128xf32> to vector<1x128xf32>
    %mul3A_684 = vector.broadcast %slice3A_683 : vector<1x128xf32> to vector<64x128xf32>
    %mul3A_685 = arith.mulf %slice3A_682, %mul3A_684 : vector<64x128xf32>
    %add3A_686 = arith.addf %add3A_681, %mul3A_685 : vector<64x128xf32>
    %slice3A_687 = vector.extract_strided_slice %get3A_9 {offsets = [0, 17408], sizes = [64, 128], strides = [1, 1]} : vector<64x32768xf32> to vector<64x128xf32>
    %slice3A_688 = vector.extract_strided_slice %add3A {offsets = [136, 0], sizes = [1, 128], strides = [1, 1]} : vector<256x128xf32> to vector<1x128xf32>
    %mul3A_689 = vector.broadcast %slice3A_688 : vector<1x128xf32> to vector<64x128xf32>
    %mul3A_690 = arith.mulf %slice3A_687, %mul3A_689 : vector<64x128xf32>
    %add3A_691 = arith.addf %add3A_686, %mul3A_690 : vector<64x128xf32>
    %slice3A_692 = vector.extract_strided_slice %get3A_9 {offsets = [0, 17536], sizes = [64, 128], strides = [1, 1]} : vector<64x32768xf32> to vector<64x128xf32>
    %slice3A_693 = vector.extract_strided_slice %add3A {offsets = [137, 0], sizes = [1, 128], strides = [1, 1]} : vector<256x128xf32> to vector<1x128xf32>
    %mul3A_694 = vector.broadcast %slice3A_693 : vector<1x128xf32> to vector<64x128xf32>
    %mul3A_695 = arith.mulf %slice3A_692, %mul3A_694 : vector<64x128xf32>
    %add3A_696 = arith.addf %add3A_691, %mul3A_695 : vector<64x128xf32>
    %slice3A_697 = vector.extract_strided_slice %get3A_9 {offsets = [0, 17664], sizes = [64, 128], strides = [1, 1]} : vector<64x32768xf32> to vector<64x128xf32>
    %slice3A_698 = vector.extract_strided_slice %add3A {offsets = [138, 0], sizes = [1, 128], strides = [1, 1]} : vector<256x128xf32> to vector<1x128xf32>
    %mul3A_699 = vector.broadcast %slice3A_698 : vector<1x128xf32> to vector<64x128xf32>
    %mul3A_700 = arith.mulf %slice3A_697, %mul3A_699 : vector<64x128xf32>
    %add3A_701 = arith.addf %add3A_696, %mul3A_700 : vector<64x128xf32>
    %slice3A_702 = vector.extract_strided_slice %get3A_9 {offsets = [0, 17792], sizes = [64, 128], strides = [1, 1]} : vector<64x32768xf32> to vector<64x128xf32>
    %slice3A_703 = vector.extract_strided_slice %add3A {offsets = [139, 0], sizes = [1, 128], strides = [1, 1]} : vector<256x128xf32> to vector<1x128xf32>
    %mul3A_704 = vector.broadcast %slice3A_703 : vector<1x128xf32> to vector<64x128xf32>
    %mul3A_705 = arith.mulf %slice3A_702, %mul3A_704 : vector<64x128xf32>
    %add3A_706 = arith.addf %add3A_701, %mul3A_705 : vector<64x128xf32>
    %slice3A_707 = vector.extract_strided_slice %get3A_9 {offsets = [0, 17920], sizes = [64, 128], strides = [1, 1]} : vector<64x32768xf32> to vector<64x128xf32>
    %slice3A_708 = vector.extract_strided_slice %add3A {offsets = [140, 0], sizes = [1, 128], strides = [1, 1]} : vector<256x128xf32> to vector<1x128xf32>
    %mul3A_709 = vector.broadcast %slice3A_708 : vector<1x128xf32> to vector<64x128xf32>
    %mul3A_710 = arith.mulf %slice3A_707, %mul3A_709 : vector<64x128xf32>
    %add3A_711 = arith.addf %add3A_706, %mul3A_710 : vector<64x128xf32>
    %slice3A_712 = vector.extract_strided_slice %get3A_9 {offsets = [0, 18048], sizes = [64, 128], strides = [1, 1]} : vector<64x32768xf32> to vector<64x128xf32>
    %slice3A_713 = vector.extract_strided_slice %add3A {offsets = [141, 0], sizes = [1, 128], strides = [1, 1]} : vector<256x128xf32> to vector<1x128xf32>
    %mul3A_714 = vector.broadcast %slice3A_713 : vector<1x128xf32> to vector<64x128xf32>
    %mul3A_715 = arith.mulf %slice3A_712, %mul3A_714 : vector<64x128xf32>
    %add3A_716 = arith.addf %add3A_711, %mul3A_715 : vector<64x128xf32>
    %slice3A_717 = vector.extract_strided_slice %get3A_9 {offsets = [0, 18176], sizes = [64, 128], strides = [1, 1]} : vector<64x32768xf32> to vector<64x128xf32>
    %slice3A_718 = vector.extract_strided_slice %add3A {offsets = [142, 0], sizes = [1, 128], strides = [1, 1]} : vector<256x128xf32> to vector<1x128xf32>
    %mul3A_719 = vector.broadcast %slice3A_718 : vector<1x128xf32> to vector<64x128xf32>
    %mul3A_720 = arith.mulf %slice3A_717, %mul3A_719 : vector<64x128xf32>
    %add3A_721 = arith.addf %add3A_716, %mul3A_720 : vector<64x128xf32>
    %slice3A_722 = vector.extract_strided_slice %get3A_9 {offsets = [0, 18304], sizes = [64, 128], strides = [1, 1]} : vector<64x32768xf32> to vector<64x128xf32>
    %slice3A_723 = vector.extract_strided_slice %add3A {offsets = [143, 0], sizes = [1, 128], strides = [1, 1]} : vector<256x128xf32> to vector<1x128xf32>
    %mul3A_724 = vector.broadcast %slice3A_723 : vector<1x128xf32> to vector<64x128xf32>
    %mul3A_725 = arith.mulf %slice3A_722, %mul3A_724 : vector<64x128xf32>
    %add3A_726 = arith.addf %add3A_721, %mul3A_725 : vector<64x128xf32>
    %slice3A_727 = vector.extract_strided_slice %get3A_9 {offsets = [0, 18432], sizes = [64, 128], strides = [1, 1]} : vector<64x32768xf32> to vector<64x128xf32>
    %slice3A_728 = vector.extract_strided_slice %add3A {offsets = [144, 0], sizes = [1, 128], strides = [1, 1]} : vector<256x128xf32> to vector<1x128xf32>
    %mul3A_729 = vector.broadcast %slice3A_728 : vector<1x128xf32> to vector<64x128xf32>
    %mul3A_730 = arith.mulf %slice3A_727, %mul3A_729 : vector<64x128xf32>
    %add3A_731 = arith.addf %add3A_726, %mul3A_730 : vector<64x128xf32>
    %slice3A_732 = vector.extract_strided_slice %get3A_9 {offsets = [0, 18560], sizes = [64, 128], strides = [1, 1]} : vector<64x32768xf32> to vector<64x128xf32>
    %slice3A_733 = vector.extract_strided_slice %add3A {offsets = [145, 0], sizes = [1, 128], strides = [1, 1]} : vector<256x128xf32> to vector<1x128xf32>
    %mul3A_734 = vector.broadcast %slice3A_733 : vector<1x128xf32> to vector<64x128xf32>
    %mul3A_735 = arith.mulf %slice3A_732, %mul3A_734 : vector<64x128xf32>
    %add3A_736 = arith.addf %add3A_731, %mul3A_735 : vector<64x128xf32>
    %slice3A_737 = vector.extract_strided_slice %get3A_9 {offsets = [0, 18688], sizes = [64, 128], strides = [1, 1]} : vector<64x32768xf32> to vector<64x128xf32>
    %slice3A_738 = vector.extract_strided_slice %add3A {offsets = [146, 0], sizes = [1, 128], strides = [1, 1]} : vector<256x128xf32> to vector<1x128xf32>
    %mul3A_739 = vector.broadcast %slice3A_738 : vector<1x128xf32> to vector<64x128xf32>
    %mul3A_740 = arith.mulf %slice3A_737, %mul3A_739 : vector<64x128xf32>
    %add3A_741 = arith.addf %add3A_736, %mul3A_740 : vector<64x128xf32>
    %slice3A_742 = vector.extract_strided_slice %get3A_9 {offsets = [0, 18816], sizes = [64, 128], strides = [1, 1]} : vector<64x32768xf32> to vector<64x128xf32>
    %slice3A_743 = vector.extract_strided_slice %add3A {offsets = [147, 0], sizes = [1, 128], strides = [1, 1]} : vector<256x128xf32> to vector<1x128xf32>
    %mul3A_744 = vector.broadcast %slice3A_743 : vector<1x128xf32> to vector<64x128xf32>
    %mul3A_745 = arith.mulf %slice3A_742, %mul3A_744 : vector<64x128xf32>
    %add3A_746 = arith.addf %add3A_741, %mul3A_745 : vector<64x128xf32>
    %slice3A_747 = vector.extract_strided_slice %get3A_9 {offsets = [0, 18944], sizes = [64, 128], strides = [1, 1]} : vector<64x32768xf32> to vector<64x128xf32>
    %slice3A_748 = vector.extract_strided_slice %add3A {offsets = [148, 0], sizes = [1, 128], strides = [1, 1]} : vector<256x128xf32> to vector<1x128xf32>
    %mul3A_749 = vector.broadcast %slice3A_748 : vector<1x128xf32> to vector<64x128xf32>
    %mul3A_750 = arith.mulf %slice3A_747, %mul3A_749 : vector<64x128xf32>
    %add3A_751 = arith.addf %add3A_746, %mul3A_750 : vector<64x128xf32>
    %slice3A_752 = vector.extract_strided_slice %get3A_9 {offsets = [0, 19072], sizes = [64, 128], strides = [1, 1]} : vector<64x32768xf32> to vector<64x128xf32>
    %slice3A_753 = vector.extract_strided_slice %add3A {offsets = [149, 0], sizes = [1, 128], strides = [1, 1]} : vector<256x128xf32> to vector<1x128xf32>
    %mul3A_754 = vector.broadcast %slice3A_753 : vector<1x128xf32> to vector<64x128xf32>
    %mul3A_755 = arith.mulf %slice3A_752, %mul3A_754 : vector<64x128xf32>
    %add3A_756 = arith.addf %add3A_751, %mul3A_755 : vector<64x128xf32>
    %slice3A_757 = vector.extract_strided_slice %get3A_9 {offsets = [0, 19200], sizes = [64, 128], strides = [1, 1]} : vector<64x32768xf32> to vector<64x128xf32>
    %slice3A_758 = vector.extract_strided_slice %add3A {offsets = [150, 0], sizes = [1, 128], strides = [1, 1]} : vector<256x128xf32> to vector<1x128xf32>
    %mul3A_759 = vector.broadcast %slice3A_758 : vector<1x128xf32> to vector<64x128xf32>
    %mul3A_760 = arith.mulf %slice3A_757, %mul3A_759 : vector<64x128xf32>
    %add3A_761 = arith.addf %add3A_756, %mul3A_760 : vector<64x128xf32>
    %slice3A_762 = vector.extract_strided_slice %get3A_9 {offsets = [0, 19328], sizes = [64, 128], strides = [1, 1]} : vector<64x32768xf32> to vector<64x128xf32>
    %slice3A_763 = vector.extract_strided_slice %add3A {offsets = [151, 0], sizes = [1, 128], strides = [1, 1]} : vector<256x128xf32> to vector<1x128xf32>
    %mul3A_764 = vector.broadcast %slice3A_763 : vector<1x128xf32> to vector<64x128xf32>
    %mul3A_765 = arith.mulf %slice3A_762, %mul3A_764 : vector<64x128xf32>
    %add3A_766 = arith.addf %add3A_761, %mul3A_765 : vector<64x128xf32>
    %slice3A_767 = vector.extract_strided_slice %get3A_9 {offsets = [0, 19456], sizes = [64, 128], strides = [1, 1]} : vector<64x32768xf32> to vector<64x128xf32>
    %slice3A_768 = vector.extract_strided_slice %add3A {offsets = [152, 0], sizes = [1, 128], strides = [1, 1]} : vector<256x128xf32> to vector<1x128xf32>
    %mul3A_769 = vector.broadcast %slice3A_768 : vector<1x128xf32> to vector<64x128xf32>
    %mul3A_770 = arith.mulf %slice3A_767, %mul3A_769 : vector<64x128xf32>
    %add3A_771 = arith.addf %add3A_766, %mul3A_770 : vector<64x128xf32>
    %slice3A_772 = vector.extract_strided_slice %get3A_9 {offsets = [0, 19584], sizes = [64, 128], strides = [1, 1]} : vector<64x32768xf32> to vector<64x128xf32>
    %slice3A_773 = vector.extract_strided_slice %add3A {offsets = [153, 0], sizes = [1, 128], strides = [1, 1]} : vector<256x128xf32> to vector<1x128xf32>
    %mul3A_774 = vector.broadcast %slice3A_773 : vector<1x128xf32> to vector<64x128xf32>
    %mul3A_775 = arith.mulf %slice3A_772, %mul3A_774 : vector<64x128xf32>
    %add3A_776 = arith.addf %add3A_771, %mul3A_775 : vector<64x128xf32>
    %slice3A_777 = vector.extract_strided_slice %get3A_9 {offsets = [0, 19712], sizes = [64, 128], strides = [1, 1]} : vector<64x32768xf32> to vector<64x128xf32>
    %slice3A_778 = vector.extract_strided_slice %add3A {offsets = [154, 0], sizes = [1, 128], strides = [1, 1]} : vector<256x128xf32> to vector<1x128xf32>
    %mul3A_779 = vector.broadcast %slice3A_778 : vector<1x128xf32> to vector<64x128xf32>
    %mul3A_780 = arith.mulf %slice3A_777, %mul3A_779 : vector<64x128xf32>
    %add3A_781 = arith.addf %add3A_776, %mul3A_780 : vector<64x128xf32>
    %slice3A_782 = vector.extract_strided_slice %get3A_9 {offsets = [0, 19840], sizes = [64, 128], strides = [1, 1]} : vector<64x32768xf32> to vector<64x128xf32>
    %slice3A_783 = vector.extract_strided_slice %add3A {offsets = [155, 0], sizes = [1, 128], strides = [1, 1]} : vector<256x128xf32> to vector<1x128xf32>
    %mul3A_784 = vector.broadcast %slice3A_783 : vector<1x128xf32> to vector<64x128xf32>
    %mul3A_785 = arith.mulf %slice3A_782, %mul3A_784 : vector<64x128xf32>
    %add3A_786 = arith.addf %add3A_781, %mul3A_785 : vector<64x128xf32>
    %slice3A_787 = vector.extract_strided_slice %get3A_9 {offsets = [0, 19968], sizes = [64, 128], strides = [1, 1]} : vector<64x32768xf32> to vector<64x128xf32>
    %slice3A_788 = vector.extract_strided_slice %add3A {offsets = [156, 0], sizes = [1, 128], strides = [1, 1]} : vector<256x128xf32> to vector<1x128xf32>
    %mul3A_789 = vector.broadcast %slice3A_788 : vector<1x128xf32> to vector<64x128xf32>
    %mul3A_790 = arith.mulf %slice3A_787, %mul3A_789 : vector<64x128xf32>
    %add3A_791 = arith.addf %add3A_786, %mul3A_790 : vector<64x128xf32>
    %slice3A_792 = vector.extract_strided_slice %get3A_9 {offsets = [0, 20096], sizes = [64, 128], strides = [1, 1]} : vector<64x32768xf32> to vector<64x128xf32>
    %slice3A_793 = vector.extract_strided_slice %add3A {offsets = [157, 0], sizes = [1, 128], strides = [1, 1]} : vector<256x128xf32> to vector<1x128xf32>
    %mul3A_794 = vector.broadcast %slice3A_793 : vector<1x128xf32> to vector<64x128xf32>
    %mul3A_795 = arith.mulf %slice3A_792, %mul3A_794 : vector<64x128xf32>
    %add3A_796 = arith.addf %add3A_791, %mul3A_795 : vector<64x128xf32>
    %slice3A_797 = vector.extract_strided_slice %get3A_9 {offsets = [0, 20224], sizes = [64, 128], strides = [1, 1]} : vector<64x32768xf32> to vector<64x128xf32>
    %slice3A_798 = vector.extract_strided_slice %add3A {offsets = [158, 0], sizes = [1, 128], strides = [1, 1]} : vector<256x128xf32> to vector<1x128xf32>
    %mul3A_799 = vector.broadcast %slice3A_798 : vector<1x128xf32> to vector<64x128xf32>
    %mul3A_800 = arith.mulf %slice3A_797, %mul3A_799 : vector<64x128xf32>
    %add3A_801 = arith.addf %add3A_796, %mul3A_800 : vector<64x128xf32>
    %slice3A_802 = vector.extract_strided_slice %get3A_9 {offsets = [0, 20352], sizes = [64, 128], strides = [1, 1]} : vector<64x32768xf32> to vector<64x128xf32>
    %slice3A_803 = vector.extract_strided_slice %add3A {offsets = [159, 0], sizes = [1, 128], strides = [1, 1]} : vector<256x128xf32> to vector<1x128xf32>
    %mul3A_804 = vector.broadcast %slice3A_803 : vector<1x128xf32> to vector<64x128xf32>
    %mul3A_805 = arith.mulf %slice3A_802, %mul3A_804 : vector<64x128xf32>
    %add3A_806 = arith.addf %add3A_801, %mul3A_805 : vector<64x128xf32>
    %slice3A_807 = vector.extract_strided_slice %get3A_9 {offsets = [0, 20480], sizes = [64, 128], strides = [1, 1]} : vector<64x32768xf32> to vector<64x128xf32>
    %slice3A_808 = vector.extract_strided_slice %add3A {offsets = [160, 0], sizes = [1, 128], strides = [1, 1]} : vector<256x128xf32> to vector<1x128xf32>
    %mul3A_809 = vector.broadcast %slice3A_808 : vector<1x128xf32> to vector<64x128xf32>
    %mul3A_810 = arith.mulf %slice3A_807, %mul3A_809 : vector<64x128xf32>
    %add3A_811 = arith.addf %add3A_806, %mul3A_810 : vector<64x128xf32>
    %slice3A_812 = vector.extract_strided_slice %get3A_9 {offsets = [0, 20608], sizes = [64, 128], strides = [1, 1]} : vector<64x32768xf32> to vector<64x128xf32>
    %slice3A_813 = vector.extract_strided_slice %add3A {offsets = [161, 0], sizes = [1, 128], strides = [1, 1]} : vector<256x128xf32> to vector<1x128xf32>
    %mul3A_814 = vector.broadcast %slice3A_813 : vector<1x128xf32> to vector<64x128xf32>
    %mul3A_815 = arith.mulf %slice3A_812, %mul3A_814 : vector<64x128xf32>
    %add3A_816 = arith.addf %add3A_811, %mul3A_815 : vector<64x128xf32>
    %slice3A_817 = vector.extract_strided_slice %get3A_9 {offsets = [0, 20736], sizes = [64, 128], strides = [1, 1]} : vector<64x32768xf32> to vector<64x128xf32>
    %slice3A_818 = vector.extract_strided_slice %add3A {offsets = [162, 0], sizes = [1, 128], strides = [1, 1]} : vector<256x128xf32> to vector<1x128xf32>
    %mul3A_819 = vector.broadcast %slice3A_818 : vector<1x128xf32> to vector<64x128xf32>
    %mul3A_820 = arith.mulf %slice3A_817, %mul3A_819 : vector<64x128xf32>
    %add3A_821 = arith.addf %add3A_816, %mul3A_820 : vector<64x128xf32>
    %slice3A_822 = vector.extract_strided_slice %get3A_9 {offsets = [0, 20864], sizes = [64, 128], strides = [1, 1]} : vector<64x32768xf32> to vector<64x128xf32>
    %slice3A_823 = vector.extract_strided_slice %add3A {offsets = [163, 0], sizes = [1, 128], strides = [1, 1]} : vector<256x128xf32> to vector<1x128xf32>
    %mul3A_824 = vector.broadcast %slice3A_823 : vector<1x128xf32> to vector<64x128xf32>
    %mul3A_825 = arith.mulf %slice3A_822, %mul3A_824 : vector<64x128xf32>
    %add3A_826 = arith.addf %add3A_821, %mul3A_825 : vector<64x128xf32>
    %slice3A_827 = vector.extract_strided_slice %get3A_9 {offsets = [0, 20992], sizes = [64, 128], strides = [1, 1]} : vector<64x32768xf32> to vector<64x128xf32>
    %slice3A_828 = vector.extract_strided_slice %add3A {offsets = [164, 0], sizes = [1, 128], strides = [1, 1]} : vector<256x128xf32> to vector<1x128xf32>
    %mul3A_829 = vector.broadcast %slice3A_828 : vector<1x128xf32> to vector<64x128xf32>
    %mul3A_830 = arith.mulf %slice3A_827, %mul3A_829 : vector<64x128xf32>
    %add3A_831 = arith.addf %add3A_826, %mul3A_830 : vector<64x128xf32>
    %slice3A_832 = vector.extract_strided_slice %get3A_9 {offsets = [0, 21120], sizes = [64, 128], strides = [1, 1]} : vector<64x32768xf32> to vector<64x128xf32>
    %slice3A_833 = vector.extract_strided_slice %add3A {offsets = [165, 0], sizes = [1, 128], strides = [1, 1]} : vector<256x128xf32> to vector<1x128xf32>
    %mul3A_834 = vector.broadcast %slice3A_833 : vector<1x128xf32> to vector<64x128xf32>
    %mul3A_835 = arith.mulf %slice3A_832, %mul3A_834 : vector<64x128xf32>
    %add3A_836 = arith.addf %add3A_831, %mul3A_835 : vector<64x128xf32>
    %slice3A_837 = vector.extract_strided_slice %get3A_9 {offsets = [0, 21248], sizes = [64, 128], strides = [1, 1]} : vector<64x32768xf32> to vector<64x128xf32>
    %slice3A_838 = vector.extract_strided_slice %add3A {offsets = [166, 0], sizes = [1, 128], strides = [1, 1]} : vector<256x128xf32> to vector<1x128xf32>
    %mul3A_839 = vector.broadcast %slice3A_838 : vector<1x128xf32> to vector<64x128xf32>
    %mul3A_840 = arith.mulf %slice3A_837, %mul3A_839 : vector<64x128xf32>
    %add3A_841 = arith.addf %add3A_836, %mul3A_840 : vector<64x128xf32>
    %slice3A_842 = vector.extract_strided_slice %get3A_9 {offsets = [0, 21376], sizes = [64, 128], strides = [1, 1]} : vector<64x32768xf32> to vector<64x128xf32>
    %slice3A_843 = vector.extract_strided_slice %add3A {offsets = [167, 0], sizes = [1, 128], strides = [1, 1]} : vector<256x128xf32> to vector<1x128xf32>
    %mul3A_844 = vector.broadcast %slice3A_843 : vector<1x128xf32> to vector<64x128xf32>
    %mul3A_845 = arith.mulf %slice3A_842, %mul3A_844 : vector<64x128xf32>
    %add3A_846 = arith.addf %add3A_841, %mul3A_845 : vector<64x128xf32>
    %slice3A_847 = vector.extract_strided_slice %get3A_9 {offsets = [0, 21504], sizes = [64, 128], strides = [1, 1]} : vector<64x32768xf32> to vector<64x128xf32>
    %slice3A_848 = vector.extract_strided_slice %add3A {offsets = [168, 0], sizes = [1, 128], strides = [1, 1]} : vector<256x128xf32> to vector<1x128xf32>
    %mul3A_849 = vector.broadcast %slice3A_848 : vector<1x128xf32> to vector<64x128xf32>
    %mul3A_850 = arith.mulf %slice3A_847, %mul3A_849 : vector<64x128xf32>
    %add3A_851 = arith.addf %add3A_846, %mul3A_850 : vector<64x128xf32>
    %slice3A_852 = vector.extract_strided_slice %get3A_9 {offsets = [0, 21632], sizes = [64, 128], strides = [1, 1]} : vector<64x32768xf32> to vector<64x128xf32>
    %slice3A_853 = vector.extract_strided_slice %add3A {offsets = [169, 0], sizes = [1, 128], strides = [1, 1]} : vector<256x128xf32> to vector<1x128xf32>
    %mul3A_854 = vector.broadcast %slice3A_853 : vector<1x128xf32> to vector<64x128xf32>
    %mul3A_855 = arith.mulf %slice3A_852, %mul3A_854 : vector<64x128xf32>
    %add3A_856 = arith.addf %add3A_851, %mul3A_855 : vector<64x128xf32>
    %slice3A_857 = vector.extract_strided_slice %get3A_9 {offsets = [0, 21760], sizes = [64, 128], strides = [1, 1]} : vector<64x32768xf32> to vector<64x128xf32>
    %slice3A_858 = vector.extract_strided_slice %add3A {offsets = [170, 0], sizes = [1, 128], strides = [1, 1]} : vector<256x128xf32> to vector<1x128xf32>
    %mul3A_859 = vector.broadcast %slice3A_858 : vector<1x128xf32> to vector<64x128xf32>
    %mul3A_860 = arith.mulf %slice3A_857, %mul3A_859 : vector<64x128xf32>
    %add3A_861 = arith.addf %add3A_856, %mul3A_860 : vector<64x128xf32>
    %slice3A_862 = vector.extract_strided_slice %get3A_9 {offsets = [0, 21888], sizes = [64, 128], strides = [1, 1]} : vector<64x32768xf32> to vector<64x128xf32>
    %slice3A_863 = vector.extract_strided_slice %add3A {offsets = [171, 0], sizes = [1, 128], strides = [1, 1]} : vector<256x128xf32> to vector<1x128xf32>
    %mul3A_864 = vector.broadcast %slice3A_863 : vector<1x128xf32> to vector<64x128xf32>
    %mul3A_865 = arith.mulf %slice3A_862, %mul3A_864 : vector<64x128xf32>
    %add3A_866 = arith.addf %add3A_861, %mul3A_865 : vector<64x128xf32>
    %slice3A_867 = vector.extract_strided_slice %get3A_9 {offsets = [0, 22016], sizes = [64, 128], strides = [1, 1]} : vector<64x32768xf32> to vector<64x128xf32>
    %slice3A_868 = vector.extract_strided_slice %add3A {offsets = [172, 0], sizes = [1, 128], strides = [1, 1]} : vector<256x128xf32> to vector<1x128xf32>
    %mul3A_869 = vector.broadcast %slice3A_868 : vector<1x128xf32> to vector<64x128xf32>
    %mul3A_870 = arith.mulf %slice3A_867, %mul3A_869 : vector<64x128xf32>
    %add3A_871 = arith.addf %add3A_866, %mul3A_870 : vector<64x128xf32>
    %slice3A_872 = vector.extract_strided_slice %get3A_9 {offsets = [0, 22144], sizes = [64, 128], strides = [1, 1]} : vector<64x32768xf32> to vector<64x128xf32>
    %slice3A_873 = vector.extract_strided_slice %add3A {offsets = [173, 0], sizes = [1, 128], strides = [1, 1]} : vector<256x128xf32> to vector<1x128xf32>
    %mul3A_874 = vector.broadcast %slice3A_873 : vector<1x128xf32> to vector<64x128xf32>
    %mul3A_875 = arith.mulf %slice3A_872, %mul3A_874 : vector<64x128xf32>
    %add3A_876 = arith.addf %add3A_871, %mul3A_875 : vector<64x128xf32>
    %slice3A_877 = vector.extract_strided_slice %get3A_9 {offsets = [0, 22272], sizes = [64, 128], strides = [1, 1]} : vector<64x32768xf32> to vector<64x128xf32>
    %slice3A_878 = vector.extract_strided_slice %add3A {offsets = [174, 0], sizes = [1, 128], strides = [1, 1]} : vector<256x128xf32> to vector<1x128xf32>
    %mul3A_879 = vector.broadcast %slice3A_878 : vector<1x128xf32> to vector<64x128xf32>
    %mul3A_880 = arith.mulf %slice3A_877, %mul3A_879 : vector<64x128xf32>
    %add3A_881 = arith.addf %add3A_876, %mul3A_880 : vector<64x128xf32>
    %slice3A_882 = vector.extract_strided_slice %get3A_9 {offsets = [0, 22400], sizes = [64, 128], strides = [1, 1]} : vector<64x32768xf32> to vector<64x128xf32>
    %slice3A_883 = vector.extract_strided_slice %add3A {offsets = [175, 0], sizes = [1, 128], strides = [1, 1]} : vector<256x128xf32> to vector<1x128xf32>
    %mul3A_884 = vector.broadcast %slice3A_883 : vector<1x128xf32> to vector<64x128xf32>
    %mul3A_885 = arith.mulf %slice3A_882, %mul3A_884 : vector<64x128xf32>
    %add3A_886 = arith.addf %add3A_881, %mul3A_885 : vector<64x128xf32>
    %slice3A_887 = vector.extract_strided_slice %get3A_9 {offsets = [0, 22528], sizes = [64, 128], strides = [1, 1]} : vector<64x32768xf32> to vector<64x128xf32>
    %slice3A_888 = vector.extract_strided_slice %add3A {offsets = [176, 0], sizes = [1, 128], strides = [1, 1]} : vector<256x128xf32> to vector<1x128xf32>
    %mul3A_889 = vector.broadcast %slice3A_888 : vector<1x128xf32> to vector<64x128xf32>
    %mul3A_890 = arith.mulf %slice3A_887, %mul3A_889 : vector<64x128xf32>
    %add3A_891 = arith.addf %add3A_886, %mul3A_890 : vector<64x128xf32>
    %slice3A_892 = vector.extract_strided_slice %get3A_9 {offsets = [0, 22656], sizes = [64, 128], strides = [1, 1]} : vector<64x32768xf32> to vector<64x128xf32>
    %slice3A_893 = vector.extract_strided_slice %add3A {offsets = [177, 0], sizes = [1, 128], strides = [1, 1]} : vector<256x128xf32> to vector<1x128xf32>
    %mul3A_894 = vector.broadcast %slice3A_893 : vector<1x128xf32> to vector<64x128xf32>
    %mul3A_895 = arith.mulf %slice3A_892, %mul3A_894 : vector<64x128xf32>
    %add3A_896 = arith.addf %add3A_891, %mul3A_895 : vector<64x128xf32>
    %slice3A_897 = vector.extract_strided_slice %get3A_9 {offsets = [0, 22784], sizes = [64, 128], strides = [1, 1]} : vector<64x32768xf32> to vector<64x128xf32>
    %slice3A_898 = vector.extract_strided_slice %add3A {offsets = [178, 0], sizes = [1, 128], strides = [1, 1]} : vector<256x128xf32> to vector<1x128xf32>
    %mul3A_899 = vector.broadcast %slice3A_898 : vector<1x128xf32> to vector<64x128xf32>
    %mul3A_900 = arith.mulf %slice3A_897, %mul3A_899 : vector<64x128xf32>
    %add3A_901 = arith.addf %add3A_896, %mul3A_900 : vector<64x128xf32>
    %slice3A_902 = vector.extract_strided_slice %get3A_9 {offsets = [0, 22912], sizes = [64, 128], strides = [1, 1]} : vector<64x32768xf32> to vector<64x128xf32>
    %slice3A_903 = vector.extract_strided_slice %add3A {offsets = [179, 0], sizes = [1, 128], strides = [1, 1]} : vector<256x128xf32> to vector<1x128xf32>
    %mul3A_904 = vector.broadcast %slice3A_903 : vector<1x128xf32> to vector<64x128xf32>
    %mul3A_905 = arith.mulf %slice3A_902, %mul3A_904 : vector<64x128xf32>
    %add3A_906 = arith.addf %add3A_901, %mul3A_905 : vector<64x128xf32>
    %slice3A_907 = vector.extract_strided_slice %get3A_9 {offsets = [0, 23040], sizes = [64, 128], strides = [1, 1]} : vector<64x32768xf32> to vector<64x128xf32>
    %slice3A_908 = vector.extract_strided_slice %add3A {offsets = [180, 0], sizes = [1, 128], strides = [1, 1]} : vector<256x128xf32> to vector<1x128xf32>
    %mul3A_909 = vector.broadcast %slice3A_908 : vector<1x128xf32> to vector<64x128xf32>
    %mul3A_910 = arith.mulf %slice3A_907, %mul3A_909 : vector<64x128xf32>
    %add3A_911 = arith.addf %add3A_906, %mul3A_910 : vector<64x128xf32>
    %slice3A_912 = vector.extract_strided_slice %get3A_9 {offsets = [0, 23168], sizes = [64, 128], strides = [1, 1]} : vector<64x32768xf32> to vector<64x128xf32>
    %slice3A_913 = vector.extract_strided_slice %add3A {offsets = [181, 0], sizes = [1, 128], strides = [1, 1]} : vector<256x128xf32> to vector<1x128xf32>
    %mul3A_914 = vector.broadcast %slice3A_913 : vector<1x128xf32> to vector<64x128xf32>
    %mul3A_915 = arith.mulf %slice3A_912, %mul3A_914 : vector<64x128xf32>
    %add3A_916 = arith.addf %add3A_911, %mul3A_915 : vector<64x128xf32>
    %slice3A_917 = vector.extract_strided_slice %get3A_9 {offsets = [0, 23296], sizes = [64, 128], strides = [1, 1]} : vector<64x32768xf32> to vector<64x128xf32>
    %slice3A_918 = vector.extract_strided_slice %add3A {offsets = [182, 0], sizes = [1, 128], strides = [1, 1]} : vector<256x128xf32> to vector<1x128xf32>
    %mul3A_919 = vector.broadcast %slice3A_918 : vector<1x128xf32> to vector<64x128xf32>
    %mul3A_920 = arith.mulf %slice3A_917, %mul3A_919 : vector<64x128xf32>
    %add3A_921 = arith.addf %add3A_916, %mul3A_920 : vector<64x128xf32>
    %slice3A_922 = vector.extract_strided_slice %get3A_9 {offsets = [0, 23424], sizes = [64, 128], strides = [1, 1]} : vector<64x32768xf32> to vector<64x128xf32>
    %slice3A_923 = vector.extract_strided_slice %add3A {offsets = [183, 0], sizes = [1, 128], strides = [1, 1]} : vector<256x128xf32> to vector<1x128xf32>
    %mul3A_924 = vector.broadcast %slice3A_923 : vector<1x128xf32> to vector<64x128xf32>
    %mul3A_925 = arith.mulf %slice3A_922, %mul3A_924 : vector<64x128xf32>
    %add3A_926 = arith.addf %add3A_921, %mul3A_925 : vector<64x128xf32>
    %slice3A_927 = vector.extract_strided_slice %get3A_9 {offsets = [0, 23552], sizes = [64, 128], strides = [1, 1]} : vector<64x32768xf32> to vector<64x128xf32>
    %slice3A_928 = vector.extract_strided_slice %add3A {offsets = [184, 0], sizes = [1, 128], strides = [1, 1]} : vector<256x128xf32> to vector<1x128xf32>
    %mul3A_929 = vector.broadcast %slice3A_928 : vector<1x128xf32> to vector<64x128xf32>
    %mul3A_930 = arith.mulf %slice3A_927, %mul3A_929 : vector<64x128xf32>
    %add3A_931 = arith.addf %add3A_926, %mul3A_930 : vector<64x128xf32>
    %slice3A_932 = vector.extract_strided_slice %get3A_9 {offsets = [0, 23680], sizes = [64, 128], strides = [1, 1]} : vector<64x32768xf32> to vector<64x128xf32>
    %slice3A_933 = vector.extract_strided_slice %add3A {offsets = [185, 0], sizes = [1, 128], strides = [1, 1]} : vector<256x128xf32> to vector<1x128xf32>
    %mul3A_934 = vector.broadcast %slice3A_933 : vector<1x128xf32> to vector<64x128xf32>
    %mul3A_935 = arith.mulf %slice3A_932, %mul3A_934 : vector<64x128xf32>
    %add3A_936 = arith.addf %add3A_931, %mul3A_935 : vector<64x128xf32>
    %slice3A_937 = vector.extract_strided_slice %get3A_9 {offsets = [0, 23808], sizes = [64, 128], strides = [1, 1]} : vector<64x32768xf32> to vector<64x128xf32>
    %slice3A_938 = vector.extract_strided_slice %add3A {offsets = [186, 0], sizes = [1, 128], strides = [1, 1]} : vector<256x128xf32> to vector<1x128xf32>
    %mul3A_939 = vector.broadcast %slice3A_938 : vector<1x128xf32> to vector<64x128xf32>
    %mul3A_940 = arith.mulf %slice3A_937, %mul3A_939 : vector<64x128xf32>
    %add3A_941 = arith.addf %add3A_936, %mul3A_940 : vector<64x128xf32>
    %slice3A_942 = vector.extract_strided_slice %get3A_9 {offsets = [0, 23936], sizes = [64, 128], strides = [1, 1]} : vector<64x32768xf32> to vector<64x128xf32>
    %slice3A_943 = vector.extract_strided_slice %add3A {offsets = [187, 0], sizes = [1, 128], strides = [1, 1]} : vector<256x128xf32> to vector<1x128xf32>
    %mul3A_944 = vector.broadcast %slice3A_943 : vector<1x128xf32> to vector<64x128xf32>
    %mul3A_945 = arith.mulf %slice3A_942, %mul3A_944 : vector<64x128xf32>
    %add3A_946 = arith.addf %add3A_941, %mul3A_945 : vector<64x128xf32>
    %slice3A_947 = vector.extract_strided_slice %get3A_9 {offsets = [0, 24064], sizes = [64, 128], strides = [1, 1]} : vector<64x32768xf32> to vector<64x128xf32>
    %slice3A_948 = vector.extract_strided_slice %add3A {offsets = [188, 0], sizes = [1, 128], strides = [1, 1]} : vector<256x128xf32> to vector<1x128xf32>
    %mul3A_949 = vector.broadcast %slice3A_948 : vector<1x128xf32> to vector<64x128xf32>
    %mul3A_950 = arith.mulf %slice3A_947, %mul3A_949 : vector<64x128xf32>
    %add3A_951 = arith.addf %add3A_946, %mul3A_950 : vector<64x128xf32>
    %slice3A_952 = vector.extract_strided_slice %get3A_9 {offsets = [0, 24192], sizes = [64, 128], strides = [1, 1]} : vector<64x32768xf32> to vector<64x128xf32>
    %slice3A_953 = vector.extract_strided_slice %add3A {offsets = [189, 0], sizes = [1, 128], strides = [1, 1]} : vector<256x128xf32> to vector<1x128xf32>
    %mul3A_954 = vector.broadcast %slice3A_953 : vector<1x128xf32> to vector<64x128xf32>
    %mul3A_955 = arith.mulf %slice3A_952, %mul3A_954 : vector<64x128xf32>
    %add3A_956 = arith.addf %add3A_951, %mul3A_955 : vector<64x128xf32>
    %slice3A_957 = vector.extract_strided_slice %get3A_9 {offsets = [0, 24320], sizes = [64, 128], strides = [1, 1]} : vector<64x32768xf32> to vector<64x128xf32>
    %slice3A_958 = vector.extract_strided_slice %add3A {offsets = [190, 0], sizes = [1, 128], strides = [1, 1]} : vector<256x128xf32> to vector<1x128xf32>
    %mul3A_959 = vector.broadcast %slice3A_958 : vector<1x128xf32> to vector<64x128xf32>
    %mul3A_960 = arith.mulf %slice3A_957, %mul3A_959 : vector<64x128xf32>
    %add3A_961 = arith.addf %add3A_956, %mul3A_960 : vector<64x128xf32>
    %slice3A_962 = vector.extract_strided_slice %get3A_9 {offsets = [0, 24448], sizes = [64, 128], strides = [1, 1]} : vector<64x32768xf32> to vector<64x128xf32>
    %slice3A_963 = vector.extract_strided_slice %add3A {offsets = [191, 0], sizes = [1, 128], strides = [1, 1]} : vector<256x128xf32> to vector<1x128xf32>
    %mul3A_964 = vector.broadcast %slice3A_963 : vector<1x128xf32> to vector<64x128xf32>
    %mul3A_965 = arith.mulf %slice3A_962, %mul3A_964 : vector<64x128xf32>
    %add3A_966 = arith.addf %add3A_961, %mul3A_965 : vector<64x128xf32>
    %slice3A_967 = vector.extract_strided_slice %get3A_9 {offsets = [0, 24576], sizes = [64, 128], strides = [1, 1]} : vector<64x32768xf32> to vector<64x128xf32>
    %slice3A_968 = vector.extract_strided_slice %add3A {offsets = [192, 0], sizes = [1, 128], strides = [1, 1]} : vector<256x128xf32> to vector<1x128xf32>
    %mul3A_969 = vector.broadcast %slice3A_968 : vector<1x128xf32> to vector<64x128xf32>
    %mul3A_970 = arith.mulf %slice3A_967, %mul3A_969 : vector<64x128xf32>
    %add3A_971 = arith.addf %add3A_966, %mul3A_970 : vector<64x128xf32>
    %slice3A_972 = vector.extract_strided_slice %get3A_9 {offsets = [0, 24704], sizes = [64, 128], strides = [1, 1]} : vector<64x32768xf32> to vector<64x128xf32>
    %slice3A_973 = vector.extract_strided_slice %add3A {offsets = [193, 0], sizes = [1, 128], strides = [1, 1]} : vector<256x128xf32> to vector<1x128xf32>
    %mul3A_974 = vector.broadcast %slice3A_973 : vector<1x128xf32> to vector<64x128xf32>
    %mul3A_975 = arith.mulf %slice3A_972, %mul3A_974 : vector<64x128xf32>
    %add3A_976 = arith.addf %add3A_971, %mul3A_975 : vector<64x128xf32>
    %slice3A_977 = vector.extract_strided_slice %get3A_9 {offsets = [0, 24832], sizes = [64, 128], strides = [1, 1]} : vector<64x32768xf32> to vector<64x128xf32>
    %slice3A_978 = vector.extract_strided_slice %add3A {offsets = [194, 0], sizes = [1, 128], strides = [1, 1]} : vector<256x128xf32> to vector<1x128xf32>
    %mul3A_979 = vector.broadcast %slice3A_978 : vector<1x128xf32> to vector<64x128xf32>
    %mul3A_980 = arith.mulf %slice3A_977, %mul3A_979 : vector<64x128xf32>
    %add3A_981 = arith.addf %add3A_976, %mul3A_980 : vector<64x128xf32>
    %slice3A_982 = vector.extract_strided_slice %get3A_9 {offsets = [0, 24960], sizes = [64, 128], strides = [1, 1]} : vector<64x32768xf32> to vector<64x128xf32>
    %slice3A_983 = vector.extract_strided_slice %add3A {offsets = [195, 0], sizes = [1, 128], strides = [1, 1]} : vector<256x128xf32> to vector<1x128xf32>
    %mul3A_984 = vector.broadcast %slice3A_983 : vector<1x128xf32> to vector<64x128xf32>
    %mul3A_985 = arith.mulf %slice3A_982, %mul3A_984 : vector<64x128xf32>
    %add3A_986 = arith.addf %add3A_981, %mul3A_985 : vector<64x128xf32>
    %slice3A_987 = vector.extract_strided_slice %get3A_9 {offsets = [0, 25088], sizes = [64, 128], strides = [1, 1]} : vector<64x32768xf32> to vector<64x128xf32>
    %slice3A_988 = vector.extract_strided_slice %add3A {offsets = [196, 0], sizes = [1, 128], strides = [1, 1]} : vector<256x128xf32> to vector<1x128xf32>
    %mul3A_989 = vector.broadcast %slice3A_988 : vector<1x128xf32> to vector<64x128xf32>
    %mul3A_990 = arith.mulf %slice3A_987, %mul3A_989 : vector<64x128xf32>
    %add3A_991 = arith.addf %add3A_986, %mul3A_990 : vector<64x128xf32>
    %slice3A_992 = vector.extract_strided_slice %get3A_9 {offsets = [0, 25216], sizes = [64, 128], strides = [1, 1]} : vector<64x32768xf32> to vector<64x128xf32>
    %slice3A_993 = vector.extract_strided_slice %add3A {offsets = [197, 0], sizes = [1, 128], strides = [1, 1]} : vector<256x128xf32> to vector<1x128xf32>
    %mul3A_994 = vector.broadcast %slice3A_993 : vector<1x128xf32> to vector<64x128xf32>
    %mul3A_995 = arith.mulf %slice3A_992, %mul3A_994 : vector<64x128xf32>
    %add3A_996 = arith.addf %add3A_991, %mul3A_995 : vector<64x128xf32>
    %slice3A_997 = vector.extract_strided_slice %get3A_9 {offsets = [0, 25344], sizes = [64, 128], strides = [1, 1]} : vector<64x32768xf32> to vector<64x128xf32>
    %slice3A_998 = vector.extract_strided_slice %add3A {offsets = [198, 0], sizes = [1, 128], strides = [1, 1]} : vector<256x128xf32> to vector<1x128xf32>
    %mul3A_999 = vector.broadcast %slice3A_998 : vector<1x128xf32> to vector<64x128xf32>
    %mul3A_1000 = arith.mulf %slice3A_997, %mul3A_999 : vector<64x128xf32>
    %add3A_1001 = arith.addf %add3A_996, %mul3A_1000 : vector<64x128xf32>
    %slice3A_1002 = vector.extract_strided_slice %get3A_9 {offsets = [0, 25472], sizes = [64, 128], strides = [1, 1]} : vector<64x32768xf32> to vector<64x128xf32>
    %slice3A_1003 = vector.extract_strided_slice %add3A {offsets = [199, 0], sizes = [1, 128], strides = [1, 1]} : vector<256x128xf32> to vector<1x128xf32>
    %mul3A_1004 = vector.broadcast %slice3A_1003 : vector<1x128xf32> to vector<64x128xf32>
    %mul3A_1005 = arith.mulf %slice3A_1002, %mul3A_1004 : vector<64x128xf32>
    %add3A_1006 = arith.addf %add3A_1001, %mul3A_1005 : vector<64x128xf32>
    %slice3A_1007 = vector.extract_strided_slice %get3A_9 {offsets = [0, 25600], sizes = [64, 128], strides = [1, 1]} : vector<64x32768xf32> to vector<64x128xf32>
    %slice3A_1008 = vector.extract_strided_slice %add3A {offsets = [200, 0], sizes = [1, 128], strides = [1, 1]} : vector<256x128xf32> to vector<1x128xf32>
    %mul3A_1009 = vector.broadcast %slice3A_1008 : vector<1x128xf32> to vector<64x128xf32>
    %mul3A_1010 = arith.mulf %slice3A_1007, %mul3A_1009 : vector<64x128xf32>
    %add3A_1011 = arith.addf %add3A_1006, %mul3A_1010 : vector<64x128xf32>
    %slice3A_1012 = vector.extract_strided_slice %get3A_9 {offsets = [0, 25728], sizes = [64, 128], strides = [1, 1]} : vector<64x32768xf32> to vector<64x128xf32>
    %slice3A_1013 = vector.extract_strided_slice %add3A {offsets = [201, 0], sizes = [1, 128], strides = [1, 1]} : vector<256x128xf32> to vector<1x128xf32>
    %mul3A_1014 = vector.broadcast %slice3A_1013 : vector<1x128xf32> to vector<64x128xf32>
    %mul3A_1015 = arith.mulf %slice3A_1012, %mul3A_1014 : vector<64x128xf32>
    %add3A_1016 = arith.addf %add3A_1011, %mul3A_1015 : vector<64x128xf32>
    %slice3A_1017 = vector.extract_strided_slice %get3A_9 {offsets = [0, 25856], sizes = [64, 128], strides = [1, 1]} : vector<64x32768xf32> to vector<64x128xf32>
    %slice3A_1018 = vector.extract_strided_slice %add3A {offsets = [202, 0], sizes = [1, 128], strides = [1, 1]} : vector<256x128xf32> to vector<1x128xf32>
    %mul3A_1019 = vector.broadcast %slice3A_1018 : vector<1x128xf32> to vector<64x128xf32>
    %mul3A_1020 = arith.mulf %slice3A_1017, %mul3A_1019 : vector<64x128xf32>
    %add3A_1021 = arith.addf %add3A_1016, %mul3A_1020 : vector<64x128xf32>
    %slice3A_1022 = vector.extract_strided_slice %get3A_9 {offsets = [0, 25984], sizes = [64, 128], strides = [1, 1]} : vector<64x32768xf32> to vector<64x128xf32>
    %slice3A_1023 = vector.extract_strided_slice %add3A {offsets = [203, 0], sizes = [1, 128], strides = [1, 1]} : vector<256x128xf32> to vector<1x128xf32>
    %mul3A_1024 = vector.broadcast %slice3A_1023 : vector<1x128xf32> to vector<64x128xf32>
    %mul3A_1025 = arith.mulf %slice3A_1022, %mul3A_1024 : vector<64x128xf32>
    %add3A_1026 = arith.addf %add3A_1021, %mul3A_1025 : vector<64x128xf32>
    %slice3A_1027 = vector.extract_strided_slice %get3A_9 {offsets = [0, 26112], sizes = [64, 128], strides = [1, 1]} : vector<64x32768xf32> to vector<64x128xf32>
    %slice3A_1028 = vector.extract_strided_slice %add3A {offsets = [204, 0], sizes = [1, 128], strides = [1, 1]} : vector<256x128xf32> to vector<1x128xf32>
    %mul3A_1029 = vector.broadcast %slice3A_1028 : vector<1x128xf32> to vector<64x128xf32>
    %mul3A_1030 = arith.mulf %slice3A_1027, %mul3A_1029 : vector<64x128xf32>
    %add3A_1031 = arith.addf %add3A_1026, %mul3A_1030 : vector<64x128xf32>
    %slice3A_1032 = vector.extract_strided_slice %get3A_9 {offsets = [0, 26240], sizes = [64, 128], strides = [1, 1]} : vector<64x32768xf32> to vector<64x128xf32>
    %slice3A_1033 = vector.extract_strided_slice %add3A {offsets = [205, 0], sizes = [1, 128], strides = [1, 1]} : vector<256x128xf32> to vector<1x128xf32>
    %mul3A_1034 = vector.broadcast %slice3A_1033 : vector<1x128xf32> to vector<64x128xf32>
    %mul3A_1035 = arith.mulf %slice3A_1032, %mul3A_1034 : vector<64x128xf32>
    %add3A_1036 = arith.addf %add3A_1031, %mul3A_1035 : vector<64x128xf32>
    %slice3A_1037 = vector.extract_strided_slice %get3A_9 {offsets = [0, 26368], sizes = [64, 128], strides = [1, 1]} : vector<64x32768xf32> to vector<64x128xf32>
    %slice3A_1038 = vector.extract_strided_slice %add3A {offsets = [206, 0], sizes = [1, 128], strides = [1, 1]} : vector<256x128xf32> to vector<1x128xf32>
    %mul3A_1039 = vector.broadcast %slice3A_1038 : vector<1x128xf32> to vector<64x128xf32>
    %mul3A_1040 = arith.mulf %slice3A_1037, %mul3A_1039 : vector<64x128xf32>
    %add3A_1041 = arith.addf %add3A_1036, %mul3A_1040 : vector<64x128xf32>
    %slice3A_1042 = vector.extract_strided_slice %get3A_9 {offsets = [0, 26496], sizes = [64, 128], strides = [1, 1]} : vector<64x32768xf32> to vector<64x128xf32>
    %slice3A_1043 = vector.extract_strided_slice %add3A {offsets = [207, 0], sizes = [1, 128], strides = [1, 1]} : vector<256x128xf32> to vector<1x128xf32>
    %mul3A_1044 = vector.broadcast %slice3A_1043 : vector<1x128xf32> to vector<64x128xf32>
    %mul3A_1045 = arith.mulf %slice3A_1042, %mul3A_1044 : vector<64x128xf32>
    %add3A_1046 = arith.addf %add3A_1041, %mul3A_1045 : vector<64x128xf32>
    %slice3A_1047 = vector.extract_strided_slice %get3A_9 {offsets = [0, 26624], sizes = [64, 128], strides = [1, 1]} : vector<64x32768xf32> to vector<64x128xf32>
    %slice3A_1048 = vector.extract_strided_slice %add3A {offsets = [208, 0], sizes = [1, 128], strides = [1, 1]} : vector<256x128xf32> to vector<1x128xf32>
    %mul3A_1049 = vector.broadcast %slice3A_1048 : vector<1x128xf32> to vector<64x128xf32>
    %mul3A_1050 = arith.mulf %slice3A_1047, %mul3A_1049 : vector<64x128xf32>
    %add3A_1051 = arith.addf %add3A_1046, %mul3A_1050 : vector<64x128xf32>
    %slice3A_1052 = vector.extract_strided_slice %get3A_9 {offsets = [0, 26752], sizes = [64, 128], strides = [1, 1]} : vector<64x32768xf32> to vector<64x128xf32>
    %slice3A_1053 = vector.extract_strided_slice %add3A {offsets = [209, 0], sizes = [1, 128], strides = [1, 1]} : vector<256x128xf32> to vector<1x128xf32>
    %mul3A_1054 = vector.broadcast %slice3A_1053 : vector<1x128xf32> to vector<64x128xf32>
    %mul3A_1055 = arith.mulf %slice3A_1052, %mul3A_1054 : vector<64x128xf32>
    %add3A_1056 = arith.addf %add3A_1051, %mul3A_1055 : vector<64x128xf32>
    %slice3A_1057 = vector.extract_strided_slice %get3A_9 {offsets = [0, 26880], sizes = [64, 128], strides = [1, 1]} : vector<64x32768xf32> to vector<64x128xf32>
    %slice3A_1058 = vector.extract_strided_slice %add3A {offsets = [210, 0], sizes = [1, 128], strides = [1, 1]} : vector<256x128xf32> to vector<1x128xf32>
    %mul3A_1059 = vector.broadcast %slice3A_1058 : vector<1x128xf32> to vector<64x128xf32>
    %mul3A_1060 = arith.mulf %slice3A_1057, %mul3A_1059 : vector<64x128xf32>
    %add3A_1061 = arith.addf %add3A_1056, %mul3A_1060 : vector<64x128xf32>
    %slice3A_1062 = vector.extract_strided_slice %get3A_9 {offsets = [0, 27008], sizes = [64, 128], strides = [1, 1]} : vector<64x32768xf32> to vector<64x128xf32>
    %slice3A_1063 = vector.extract_strided_slice %add3A {offsets = [211, 0], sizes = [1, 128], strides = [1, 1]} : vector<256x128xf32> to vector<1x128xf32>
    %mul3A_1064 = vector.broadcast %slice3A_1063 : vector<1x128xf32> to vector<64x128xf32>
    %mul3A_1065 = arith.mulf %slice3A_1062, %mul3A_1064 : vector<64x128xf32>
    %add3A_1066 = arith.addf %add3A_1061, %mul3A_1065 : vector<64x128xf32>
    %slice3A_1067 = vector.extract_strided_slice %get3A_9 {offsets = [0, 27136], sizes = [64, 128], strides = [1, 1]} : vector<64x32768xf32> to vector<64x128xf32>
    %slice3A_1068 = vector.extract_strided_slice %add3A {offsets = [212, 0], sizes = [1, 128], strides = [1, 1]} : vector<256x128xf32> to vector<1x128xf32>
    %mul3A_1069 = vector.broadcast %slice3A_1068 : vector<1x128xf32> to vector<64x128xf32>
    %mul3A_1070 = arith.mulf %slice3A_1067, %mul3A_1069 : vector<64x128xf32>
    %add3A_1071 = arith.addf %add3A_1066, %mul3A_1070 : vector<64x128xf32>
    %slice3A_1072 = vector.extract_strided_slice %get3A_9 {offsets = [0, 27264], sizes = [64, 128], strides = [1, 1]} : vector<64x32768xf32> to vector<64x128xf32>
    %slice3A_1073 = vector.extract_strided_slice %add3A {offsets = [213, 0], sizes = [1, 128], strides = [1, 1]} : vector<256x128xf32> to vector<1x128xf32>
    %mul3A_1074 = vector.broadcast %slice3A_1073 : vector<1x128xf32> to vector<64x128xf32>
    %mul3A_1075 = arith.mulf %slice3A_1072, %mul3A_1074 : vector<64x128xf32>
    %add3A_1076 = arith.addf %add3A_1071, %mul3A_1075 : vector<64x128xf32>
    %slice3A_1077 = vector.extract_strided_slice %get3A_9 {offsets = [0, 27392], sizes = [64, 128], strides = [1, 1]} : vector<64x32768xf32> to vector<64x128xf32>
    %slice3A_1078 = vector.extract_strided_slice %add3A {offsets = [214, 0], sizes = [1, 128], strides = [1, 1]} : vector<256x128xf32> to vector<1x128xf32>
    %mul3A_1079 = vector.broadcast %slice3A_1078 : vector<1x128xf32> to vector<64x128xf32>
    %mul3A_1080 = arith.mulf %slice3A_1077, %mul3A_1079 : vector<64x128xf32>
    %add3A_1081 = arith.addf %add3A_1076, %mul3A_1080 : vector<64x128xf32>
    %slice3A_1082 = vector.extract_strided_slice %get3A_9 {offsets = [0, 27520], sizes = [64, 128], strides = [1, 1]} : vector<64x32768xf32> to vector<64x128xf32>
    %slice3A_1083 = vector.extract_strided_slice %add3A {offsets = [215, 0], sizes = [1, 128], strides = [1, 1]} : vector<256x128xf32> to vector<1x128xf32>
    %mul3A_1084 = vector.broadcast %slice3A_1083 : vector<1x128xf32> to vector<64x128xf32>
    %mul3A_1085 = arith.mulf %slice3A_1082, %mul3A_1084 : vector<64x128xf32>
    %add3A_1086 = arith.addf %add3A_1081, %mul3A_1085 : vector<64x128xf32>
    %slice3A_1087 = vector.extract_strided_slice %get3A_9 {offsets = [0, 27648], sizes = [64, 128], strides = [1, 1]} : vector<64x32768xf32> to vector<64x128xf32>
    %slice3A_1088 = vector.extract_strided_slice %add3A {offsets = [216, 0], sizes = [1, 128], strides = [1, 1]} : vector<256x128xf32> to vector<1x128xf32>
    %mul3A_1089 = vector.broadcast %slice3A_1088 : vector<1x128xf32> to vector<64x128xf32>
    %mul3A_1090 = arith.mulf %slice3A_1087, %mul3A_1089 : vector<64x128xf32>
    %add3A_1091 = arith.addf %add3A_1086, %mul3A_1090 : vector<64x128xf32>
    %slice3A_1092 = vector.extract_strided_slice %get3A_9 {offsets = [0, 27776], sizes = [64, 128], strides = [1, 1]} : vector<64x32768xf32> to vector<64x128xf32>
    %slice3A_1093 = vector.extract_strided_slice %add3A {offsets = [217, 0], sizes = [1, 128], strides = [1, 1]} : vector<256x128xf32> to vector<1x128xf32>
    %mul3A_1094 = vector.broadcast %slice3A_1093 : vector<1x128xf32> to vector<64x128xf32>
    %mul3A_1095 = arith.mulf %slice3A_1092, %mul3A_1094 : vector<64x128xf32>
    %add3A_1096 = arith.addf %add3A_1091, %mul3A_1095 : vector<64x128xf32>
    %slice3A_1097 = vector.extract_strided_slice %get3A_9 {offsets = [0, 27904], sizes = [64, 128], strides = [1, 1]} : vector<64x32768xf32> to vector<64x128xf32>
    %slice3A_1098 = vector.extract_strided_slice %add3A {offsets = [218, 0], sizes = [1, 128], strides = [1, 1]} : vector<256x128xf32> to vector<1x128xf32>
    %mul3A_1099 = vector.broadcast %slice3A_1098 : vector<1x128xf32> to vector<64x128xf32>
    %mul3A_1100 = arith.mulf %slice3A_1097, %mul3A_1099 : vector<64x128xf32>
    %add3A_1101 = arith.addf %add3A_1096, %mul3A_1100 : vector<64x128xf32>
    %slice3A_1102 = vector.extract_strided_slice %get3A_9 {offsets = [0, 28032], sizes = [64, 128], strides = [1, 1]} : vector<64x32768xf32> to vector<64x128xf32>
    %slice3A_1103 = vector.extract_strided_slice %add3A {offsets = [219, 0], sizes = [1, 128], strides = [1, 1]} : vector<256x128xf32> to vector<1x128xf32>
    %mul3A_1104 = vector.broadcast %slice3A_1103 : vector<1x128xf32> to vector<64x128xf32>
    %mul3A_1105 = arith.mulf %slice3A_1102, %mul3A_1104 : vector<64x128xf32>
    %add3A_1106 = arith.addf %add3A_1101, %mul3A_1105 : vector<64x128xf32>
    %slice3A_1107 = vector.extract_strided_slice %get3A_9 {offsets = [0, 28160], sizes = [64, 128], strides = [1, 1]} : vector<64x32768xf32> to vector<64x128xf32>
    %slice3A_1108 = vector.extract_strided_slice %add3A {offsets = [220, 0], sizes = [1, 128], strides = [1, 1]} : vector<256x128xf32> to vector<1x128xf32>
    %mul3A_1109 = vector.broadcast %slice3A_1108 : vector<1x128xf32> to vector<64x128xf32>
    %mul3A_1110 = arith.mulf %slice3A_1107, %mul3A_1109 : vector<64x128xf32>
    %add3A_1111 = arith.addf %add3A_1106, %mul3A_1110 : vector<64x128xf32>
    %slice3A_1112 = vector.extract_strided_slice %get3A_9 {offsets = [0, 28288], sizes = [64, 128], strides = [1, 1]} : vector<64x32768xf32> to vector<64x128xf32>
    %slice3A_1113 = vector.extract_strided_slice %add3A {offsets = [221, 0], sizes = [1, 128], strides = [1, 1]} : vector<256x128xf32> to vector<1x128xf32>
    %mul3A_1114 = vector.broadcast %slice3A_1113 : vector<1x128xf32> to vector<64x128xf32>
    %mul3A_1115 = arith.mulf %slice3A_1112, %mul3A_1114 : vector<64x128xf32>
    %add3A_1116 = arith.addf %add3A_1111, %mul3A_1115 : vector<64x128xf32>
    %slice3A_1117 = vector.extract_strided_slice %get3A_9 {offsets = [0, 28416], sizes = [64, 128], strides = [1, 1]} : vector<64x32768xf32> to vector<64x128xf32>
    %slice3A_1118 = vector.extract_strided_slice %add3A {offsets = [222, 0], sizes = [1, 128], strides = [1, 1]} : vector<256x128xf32> to vector<1x128xf32>
    %mul3A_1119 = vector.broadcast %slice3A_1118 : vector<1x128xf32> to vector<64x128xf32>
    %mul3A_1120 = arith.mulf %slice3A_1117, %mul3A_1119 : vector<64x128xf32>
    %add3A_1121 = arith.addf %add3A_1116, %mul3A_1120 : vector<64x128xf32>
    %slice3A_1122 = vector.extract_strided_slice %get3A_9 {offsets = [0, 28544], sizes = [64, 128], strides = [1, 1]} : vector<64x32768xf32> to vector<64x128xf32>
    %slice3A_1123 = vector.extract_strided_slice %add3A {offsets = [223, 0], sizes = [1, 128], strides = [1, 1]} : vector<256x128xf32> to vector<1x128xf32>
    %mul3A_1124 = vector.broadcast %slice3A_1123 : vector<1x128xf32> to vector<64x128xf32>
    %mul3A_1125 = arith.mulf %slice3A_1122, %mul3A_1124 : vector<64x128xf32>
    %add3A_1126 = arith.addf %add3A_1121, %mul3A_1125 : vector<64x128xf32>
    %slice3A_1127 = vector.extract_strided_slice %get3A_9 {offsets = [0, 28672], sizes = [64, 128], strides = [1, 1]} : vector<64x32768xf32> to vector<64x128xf32>
    %slice3A_1128 = vector.extract_strided_slice %add3A {offsets = [224, 0], sizes = [1, 128], strides = [1, 1]} : vector<256x128xf32> to vector<1x128xf32>
    %mul3A_1129 = vector.broadcast %slice3A_1128 : vector<1x128xf32> to vector<64x128xf32>
    %mul3A_1130 = arith.mulf %slice3A_1127, %mul3A_1129 : vector<64x128xf32>
    %add3A_1131 = arith.addf %add3A_1126, %mul3A_1130 : vector<64x128xf32>
    %slice3A_1132 = vector.extract_strided_slice %get3A_9 {offsets = [0, 28800], sizes = [64, 128], strides = [1, 1]} : vector<64x32768xf32> to vector<64x128xf32>
    %slice3A_1133 = vector.extract_strided_slice %add3A {offsets = [225, 0], sizes = [1, 128], strides = [1, 1]} : vector<256x128xf32> to vector<1x128xf32>
    %mul3A_1134 = vector.broadcast %slice3A_1133 : vector<1x128xf32> to vector<64x128xf32>
    %mul3A_1135 = arith.mulf %slice3A_1132, %mul3A_1134 : vector<64x128xf32>
    %add3A_1136 = arith.addf %add3A_1131, %mul3A_1135 : vector<64x128xf32>
    %slice3A_1137 = vector.extract_strided_slice %get3A_9 {offsets = [0, 28928], sizes = [64, 128], strides = [1, 1]} : vector<64x32768xf32> to vector<64x128xf32>
    %slice3A_1138 = vector.extract_strided_slice %add3A {offsets = [226, 0], sizes = [1, 128], strides = [1, 1]} : vector<256x128xf32> to vector<1x128xf32>
    %mul3A_1139 = vector.broadcast %slice3A_1138 : vector<1x128xf32> to vector<64x128xf32>
    %mul3A_1140 = arith.mulf %slice3A_1137, %mul3A_1139 : vector<64x128xf32>
    %add3A_1141 = arith.addf %add3A_1136, %mul3A_1140 : vector<64x128xf32>
    %slice3A_1142 = vector.extract_strided_slice %get3A_9 {offsets = [0, 29056], sizes = [64, 128], strides = [1, 1]} : vector<64x32768xf32> to vector<64x128xf32>
    %slice3A_1143 = vector.extract_strided_slice %add3A {offsets = [227, 0], sizes = [1, 128], strides = [1, 1]} : vector<256x128xf32> to vector<1x128xf32>
    %mul3A_1144 = vector.broadcast %slice3A_1143 : vector<1x128xf32> to vector<64x128xf32>
    %mul3A_1145 = arith.mulf %slice3A_1142, %mul3A_1144 : vector<64x128xf32>
    %add3A_1146 = arith.addf %add3A_1141, %mul3A_1145 : vector<64x128xf32>
    %slice3A_1147 = vector.extract_strided_slice %get3A_9 {offsets = [0, 29184], sizes = [64, 128], strides = [1, 1]} : vector<64x32768xf32> to vector<64x128xf32>
    %slice3A_1148 = vector.extract_strided_slice %add3A {offsets = [228, 0], sizes = [1, 128], strides = [1, 1]} : vector<256x128xf32> to vector<1x128xf32>
    %mul3A_1149 = vector.broadcast %slice3A_1148 : vector<1x128xf32> to vector<64x128xf32>
    %mul3A_1150 = arith.mulf %slice3A_1147, %mul3A_1149 : vector<64x128xf32>
    %add3A_1151 = arith.addf %add3A_1146, %mul3A_1150 : vector<64x128xf32>
    %slice3A_1152 = vector.extract_strided_slice %get3A_9 {offsets = [0, 29312], sizes = [64, 128], strides = [1, 1]} : vector<64x32768xf32> to vector<64x128xf32>
    %slice3A_1153 = vector.extract_strided_slice %add3A {offsets = [229, 0], sizes = [1, 128], strides = [1, 1]} : vector<256x128xf32> to vector<1x128xf32>
    %mul3A_1154 = vector.broadcast %slice3A_1153 : vector<1x128xf32> to vector<64x128xf32>
    %mul3A_1155 = arith.mulf %slice3A_1152, %mul3A_1154 : vector<64x128xf32>
    %add3A_1156 = arith.addf %add3A_1151, %mul3A_1155 : vector<64x128xf32>
    %slice3A_1157 = vector.extract_strided_slice %get3A_9 {offsets = [0, 29440], sizes = [64, 128], strides = [1, 1]} : vector<64x32768xf32> to vector<64x128xf32>
    %slice3A_1158 = vector.extract_strided_slice %add3A {offsets = [230, 0], sizes = [1, 128], strides = [1, 1]} : vector<256x128xf32> to vector<1x128xf32>
    %mul3A_1159 = vector.broadcast %slice3A_1158 : vector<1x128xf32> to vector<64x128xf32>
    %mul3A_1160 = arith.mulf %slice3A_1157, %mul3A_1159 : vector<64x128xf32>
    %add3A_1161 = arith.addf %add3A_1156, %mul3A_1160 : vector<64x128xf32>
    %slice3A_1162 = vector.extract_strided_slice %get3A_9 {offsets = [0, 29568], sizes = [64, 128], strides = [1, 1]} : vector<64x32768xf32> to vector<64x128xf32>
    %slice3A_1163 = vector.extract_strided_slice %add3A {offsets = [231, 0], sizes = [1, 128], strides = [1, 1]} : vector<256x128xf32> to vector<1x128xf32>
    %mul3A_1164 = vector.broadcast %slice3A_1163 : vector<1x128xf32> to vector<64x128xf32>
    %mul3A_1165 = arith.mulf %slice3A_1162, %mul3A_1164 : vector<64x128xf32>
    %add3A_1166 = arith.addf %add3A_1161, %mul3A_1165 : vector<64x128xf32>
    %slice3A_1167 = vector.extract_strided_slice %get3A_9 {offsets = [0, 29696], sizes = [64, 128], strides = [1, 1]} : vector<64x32768xf32> to vector<64x128xf32>
    %slice3A_1168 = vector.extract_strided_slice %add3A {offsets = [232, 0], sizes = [1, 128], strides = [1, 1]} : vector<256x128xf32> to vector<1x128xf32>
    %mul3A_1169 = vector.broadcast %slice3A_1168 : vector<1x128xf32> to vector<64x128xf32>
    %mul3A_1170 = arith.mulf %slice3A_1167, %mul3A_1169 : vector<64x128xf32>
    %add3A_1171 = arith.addf %add3A_1166, %mul3A_1170 : vector<64x128xf32>
    %slice3A_1172 = vector.extract_strided_slice %get3A_9 {offsets = [0, 29824], sizes = [64, 128], strides = [1, 1]} : vector<64x32768xf32> to vector<64x128xf32>
    %slice3A_1173 = vector.extract_strided_slice %add3A {offsets = [233, 0], sizes = [1, 128], strides = [1, 1]} : vector<256x128xf32> to vector<1x128xf32>
    %mul3A_1174 = vector.broadcast %slice3A_1173 : vector<1x128xf32> to vector<64x128xf32>
    %mul3A_1175 = arith.mulf %slice3A_1172, %mul3A_1174 : vector<64x128xf32>
    %add3A_1176 = arith.addf %add3A_1171, %mul3A_1175 : vector<64x128xf32>
    %slice3A_1177 = vector.extract_strided_slice %get3A_9 {offsets = [0, 29952], sizes = [64, 128], strides = [1, 1]} : vector<64x32768xf32> to vector<64x128xf32>
    %slice3A_1178 = vector.extract_strided_slice %add3A {offsets = [234, 0], sizes = [1, 128], strides = [1, 1]} : vector<256x128xf32> to vector<1x128xf32>
    %mul3A_1179 = vector.broadcast %slice3A_1178 : vector<1x128xf32> to vector<64x128xf32>
    %mul3A_1180 = arith.mulf %slice3A_1177, %mul3A_1179 : vector<64x128xf32>
    %add3A_1181 = arith.addf %add3A_1176, %mul3A_1180 : vector<64x128xf32>
    %slice3A_1182 = vector.extract_strided_slice %get3A_9 {offsets = [0, 30080], sizes = [64, 128], strides = [1, 1]} : vector<64x32768xf32> to vector<64x128xf32>
    %slice3A_1183 = vector.extract_strided_slice %add3A {offsets = [235, 0], sizes = [1, 128], strides = [1, 1]} : vector<256x128xf32> to vector<1x128xf32>
    %mul3A_1184 = vector.broadcast %slice3A_1183 : vector<1x128xf32> to vector<64x128xf32>
    %mul3A_1185 = arith.mulf %slice3A_1182, %mul3A_1184 : vector<64x128xf32>
    %add3A_1186 = arith.addf %add3A_1181, %mul3A_1185 : vector<64x128xf32>
    %slice3A_1187 = vector.extract_strided_slice %get3A_9 {offsets = [0, 30208], sizes = [64, 128], strides = [1, 1]} : vector<64x32768xf32> to vector<64x128xf32>
    %slice3A_1188 = vector.extract_strided_slice %add3A {offsets = [236, 0], sizes = [1, 128], strides = [1, 1]} : vector<256x128xf32> to vector<1x128xf32>
    %mul3A_1189 = vector.broadcast %slice3A_1188 : vector<1x128xf32> to vector<64x128xf32>
    %mul3A_1190 = arith.mulf %slice3A_1187, %mul3A_1189 : vector<64x128xf32>
    %add3A_1191 = arith.addf %add3A_1186, %mul3A_1190 : vector<64x128xf32>
    %slice3A_1192 = vector.extract_strided_slice %get3A_9 {offsets = [0, 30336], sizes = [64, 128], strides = [1, 1]} : vector<64x32768xf32> to vector<64x128xf32>
    %slice3A_1193 = vector.extract_strided_slice %add3A {offsets = [237, 0], sizes = [1, 128], strides = [1, 1]} : vector<256x128xf32> to vector<1x128xf32>
    %mul3A_1194 = vector.broadcast %slice3A_1193 : vector<1x128xf32> to vector<64x128xf32>
    %mul3A_1195 = arith.mulf %slice3A_1192, %mul3A_1194 : vector<64x128xf32>
    %add3A_1196 = arith.addf %add3A_1191, %mul3A_1195 : vector<64x128xf32>
    %slice3A_1197 = vector.extract_strided_slice %get3A_9 {offsets = [0, 30464], sizes = [64, 128], strides = [1, 1]} : vector<64x32768xf32> to vector<64x128xf32>
    %slice3A_1198 = vector.extract_strided_slice %add3A {offsets = [238, 0], sizes = [1, 128], strides = [1, 1]} : vector<256x128xf32> to vector<1x128xf32>
    %mul3A_1199 = vector.broadcast %slice3A_1198 : vector<1x128xf32> to vector<64x128xf32>
    %mul3A_1200 = arith.mulf %slice3A_1197, %mul3A_1199 : vector<64x128xf32>
    %add3A_1201 = arith.addf %add3A_1196, %mul3A_1200 : vector<64x128xf32>
    %slice3A_1202 = vector.extract_strided_slice %get3A_9 {offsets = [0, 30592], sizes = [64, 128], strides = [1, 1]} : vector<64x32768xf32> to vector<64x128xf32>
    %slice3A_1203 = vector.extract_strided_slice %add3A {offsets = [239, 0], sizes = [1, 128], strides = [1, 1]} : vector<256x128xf32> to vector<1x128xf32>
    %mul3A_1204 = vector.broadcast %slice3A_1203 : vector<1x128xf32> to vector<64x128xf32>
    %mul3A_1205 = arith.mulf %slice3A_1202, %mul3A_1204 : vector<64x128xf32>
    %add3A_1206 = arith.addf %add3A_1201, %mul3A_1205 : vector<64x128xf32>
    %slice3A_1207 = vector.extract_strided_slice %get3A_9 {offsets = [0, 30720], sizes = [64, 128], strides = [1, 1]} : vector<64x32768xf32> to vector<64x128xf32>
    %slice3A_1208 = vector.extract_strided_slice %add3A {offsets = [240, 0], sizes = [1, 128], strides = [1, 1]} : vector<256x128xf32> to vector<1x128xf32>
    %mul3A_1209 = vector.broadcast %slice3A_1208 : vector<1x128xf32> to vector<64x128xf32>
    %mul3A_1210 = arith.mulf %slice3A_1207, %mul3A_1209 : vector<64x128xf32>
    %add3A_1211 = arith.addf %add3A_1206, %mul3A_1210 : vector<64x128xf32>
    %slice3A_1212 = vector.extract_strided_slice %get3A_9 {offsets = [0, 30848], sizes = [64, 128], strides = [1, 1]} : vector<64x32768xf32> to vector<64x128xf32>
    %slice3A_1213 = vector.extract_strided_slice %add3A {offsets = [241, 0], sizes = [1, 128], strides = [1, 1]} : vector<256x128xf32> to vector<1x128xf32>
    %mul3A_1214 = vector.broadcast %slice3A_1213 : vector<1x128xf32> to vector<64x128xf32>
    %mul3A_1215 = arith.mulf %slice3A_1212, %mul3A_1214 : vector<64x128xf32>
    %add3A_1216 = arith.addf %add3A_1211, %mul3A_1215 : vector<64x128xf32>
    %slice3A_1217 = vector.extract_strided_slice %get3A_9 {offsets = [0, 30976], sizes = [64, 128], strides = [1, 1]} : vector<64x32768xf32> to vector<64x128xf32>
    %slice3A_1218 = vector.extract_strided_slice %add3A {offsets = [242, 0], sizes = [1, 128], strides = [1, 1]} : vector<256x128xf32> to vector<1x128xf32>
    %mul3A_1219 = vector.broadcast %slice3A_1218 : vector<1x128xf32> to vector<64x128xf32>
    %mul3A_1220 = arith.mulf %slice3A_1217, %mul3A_1219 : vector<64x128xf32>
    %add3A_1221 = arith.addf %add3A_1216, %mul3A_1220 : vector<64x128xf32>
    %slice3A_1222 = vector.extract_strided_slice %get3A_9 {offsets = [0, 31104], sizes = [64, 128], strides = [1, 1]} : vector<64x32768xf32> to vector<64x128xf32>
    %slice3A_1223 = vector.extract_strided_slice %add3A {offsets = [243, 0], sizes = [1, 128], strides = [1, 1]} : vector<256x128xf32> to vector<1x128xf32>
    %mul3A_1224 = vector.broadcast %slice3A_1223 : vector<1x128xf32> to vector<64x128xf32>
    %mul3A_1225 = arith.mulf %slice3A_1222, %mul3A_1224 : vector<64x128xf32>
    %add3A_1226 = arith.addf %add3A_1221, %mul3A_1225 : vector<64x128xf32>
    %slice3A_1227 = vector.extract_strided_slice %get3A_9 {offsets = [0, 31232], sizes = [64, 128], strides = [1, 1]} : vector<64x32768xf32> to vector<64x128xf32>
    %slice3A_1228 = vector.extract_strided_slice %add3A {offsets = [244, 0], sizes = [1, 128], strides = [1, 1]} : vector<256x128xf32> to vector<1x128xf32>
    %mul3A_1229 = vector.broadcast %slice3A_1228 : vector<1x128xf32> to vector<64x128xf32>
    %mul3A_1230 = arith.mulf %slice3A_1227, %mul3A_1229 : vector<64x128xf32>
    %add3A_1231 = arith.addf %add3A_1226, %mul3A_1230 : vector<64x128xf32>
    %slice3A_1232 = vector.extract_strided_slice %get3A_9 {offsets = [0, 31360], sizes = [64, 128], strides = [1, 1]} : vector<64x32768xf32> to vector<64x128xf32>
    %slice3A_1233 = vector.extract_strided_slice %add3A {offsets = [245, 0], sizes = [1, 128], strides = [1, 1]} : vector<256x128xf32> to vector<1x128xf32>
    %mul3A_1234 = vector.broadcast %slice3A_1233 : vector<1x128xf32> to vector<64x128xf32>
    %mul3A_1235 = arith.mulf %slice3A_1232, %mul3A_1234 : vector<64x128xf32>
    %add3A_1236 = arith.addf %add3A_1231, %mul3A_1235 : vector<64x128xf32>
    %slice3A_1237 = vector.extract_strided_slice %get3A_9 {offsets = [0, 31488], sizes = [64, 128], strides = [1, 1]} : vector<64x32768xf32> to vector<64x128xf32>
    %slice3A_1238 = vector.extract_strided_slice %add3A {offsets = [246, 0], sizes = [1, 128], strides = [1, 1]} : vector<256x128xf32> to vector<1x128xf32>
    %mul3A_1239 = vector.broadcast %slice3A_1238 : vector<1x128xf32> to vector<64x128xf32>
    %mul3A_1240 = arith.mulf %slice3A_1237, %mul3A_1239 : vector<64x128xf32>
    %add3A_1241 = arith.addf %add3A_1236, %mul3A_1240 : vector<64x128xf32>
    %slice3A_1242 = vector.extract_strided_slice %get3A_9 {offsets = [0, 31616], sizes = [64, 128], strides = [1, 1]} : vector<64x32768xf32> to vector<64x128xf32>
    %slice3A_1243 = vector.extract_strided_slice %add3A {offsets = [247, 0], sizes = [1, 128], strides = [1, 1]} : vector<256x128xf32> to vector<1x128xf32>
    %mul3A_1244 = vector.broadcast %slice3A_1243 : vector<1x128xf32> to vector<64x128xf32>
    %mul3A_1245 = arith.mulf %slice3A_1242, %mul3A_1244 : vector<64x128xf32>
    %add3A_1246 = arith.addf %add3A_1241, %mul3A_1245 : vector<64x128xf32>
    %slice3A_1247 = vector.extract_strided_slice %get3A_9 {offsets = [0, 31744], sizes = [64, 128], strides = [1, 1]} : vector<64x32768xf32> to vector<64x128xf32>
    %slice3A_1248 = vector.extract_strided_slice %add3A {offsets = [248, 0], sizes = [1, 128], strides = [1, 1]} : vector<256x128xf32> to vector<1x128xf32>
    %mul3A_1249 = vector.broadcast %slice3A_1248 : vector<1x128xf32> to vector<64x128xf32>
    %mul3A_1250 = arith.mulf %slice3A_1247, %mul3A_1249 : vector<64x128xf32>
    %add3A_1251 = arith.addf %add3A_1246, %mul3A_1250 : vector<64x128xf32>
    %slice3A_1252 = vector.extract_strided_slice %get3A_9 {offsets = [0, 31872], sizes = [64, 128], strides = [1, 1]} : vector<64x32768xf32> to vector<64x128xf32>
    %slice3A_1253 = vector.extract_strided_slice %add3A {offsets = [249, 0], sizes = [1, 128], strides = [1, 1]} : vector<256x128xf32> to vector<1x128xf32>
    %mul3A_1254 = vector.broadcast %slice3A_1253 : vector<1x128xf32> to vector<64x128xf32>
    %mul3A_1255 = arith.mulf %slice3A_1252, %mul3A_1254 : vector<64x128xf32>
    %add3A_1256 = arith.addf %add3A_1251, %mul3A_1255 : vector<64x128xf32>
    %slice3A_1257 = vector.extract_strided_slice %get3A_9 {offsets = [0, 32000], sizes = [64, 128], strides = [1, 1]} : vector<64x32768xf32> to vector<64x128xf32>
    %slice3A_1258 = vector.extract_strided_slice %add3A {offsets = [250, 0], sizes = [1, 128], strides = [1, 1]} : vector<256x128xf32> to vector<1x128xf32>
    %mul3A_1259 = vector.broadcast %slice3A_1258 : vector<1x128xf32> to vector<64x128xf32>
    %mul3A_1260 = arith.mulf %slice3A_1257, %mul3A_1259 : vector<64x128xf32>
    %add3A_1261 = arith.addf %add3A_1256, %mul3A_1260 : vector<64x128xf32>
    %slice3A_1262 = vector.extract_strided_slice %get3A_9 {offsets = [0, 32128], sizes = [64, 128], strides = [1, 1]} : vector<64x32768xf32> to vector<64x128xf32>
    %slice3A_1263 = vector.extract_strided_slice %add3A {offsets = [251, 0], sizes = [1, 128], strides = [1, 1]} : vector<256x128xf32> to vector<1x128xf32>
    %mul3A_1264 = vector.broadcast %slice3A_1263 : vector<1x128xf32> to vector<64x128xf32>
    %mul3A_1265 = arith.mulf %slice3A_1262, %mul3A_1264 : vector<64x128xf32>
    %add3A_1266 = arith.addf %add3A_1261, %mul3A_1265 : vector<64x128xf32>
    %slice3A_1267 = vector.extract_strided_slice %get3A_9 {offsets = [0, 32256], sizes = [64, 128], strides = [1, 1]} : vector<64x32768xf32> to vector<64x128xf32>
    %slice3A_1268 = vector.extract_strided_slice %add3A {offsets = [252, 0], sizes = [1, 128], strides = [1, 1]} : vector<256x128xf32> to vector<1x128xf32>
    %mul3A_1269 = vector.broadcast %slice3A_1268 : vector<1x128xf32> to vector<64x128xf32>
    %mul3A_1270 = arith.mulf %slice3A_1267, %mul3A_1269 : vector<64x128xf32>
    %add3A_1271 = arith.addf %add3A_1266, %mul3A_1270 : vector<64x128xf32>
    %slice3A_1272 = vector.extract_strided_slice %get3A_9 {offsets = [0, 32384], sizes = [64, 128], strides = [1, 1]} : vector<64x32768xf32> to vector<64x128xf32>
    %slice3A_1273 = vector.extract_strided_slice %add3A {offsets = [253, 0], sizes = [1, 128], strides = [1, 1]} : vector<256x128xf32> to vector<1x128xf32>
    %mul3A_1274 = vector.broadcast %slice3A_1273 : vector<1x128xf32> to vector<64x128xf32>
    %mul3A_1275 = arith.mulf %slice3A_1272, %mul3A_1274 : vector<64x128xf32>
    %add3A_1276 = arith.addf %add3A_1271, %mul3A_1275 : vector<64x128xf32>
    %slice3A_1277 = vector.extract_strided_slice %get3A_9 {offsets = [0, 32512], sizes = [64, 128], strides = [1, 1]} : vector<64x32768xf32> to vector<64x128xf32>
    %slice3A_1278 = vector.extract_strided_slice %add3A {offsets = [254, 0], sizes = [1, 128], strides = [1, 1]} : vector<256x128xf32> to vector<1x128xf32>
    %mul3A_1279 = vector.broadcast %slice3A_1278 : vector<1x128xf32> to vector<64x128xf32>
    %mul3A_1280 = arith.mulf %slice3A_1277, %mul3A_1279 : vector<64x128xf32>
    %add3A_1281 = arith.addf %add3A_1276, %mul3A_1280 : vector<64x128xf32>
    %slice3A_1282 = vector.extract_strided_slice %get3A_9 {offsets = [0, 32640], sizes = [64, 128], strides = [1, 1]} : vector<64x32768xf32> to vector<64x128xf32>
    %slice3A_1283 = vector.extract_strided_slice %add3A {offsets = [255, 0], sizes = [1, 128], strides = [1, 1]} : vector<256x128xf32> to vector<1x128xf32>
    %mul3A_1284 = vector.broadcast %slice3A_1283 : vector<1x128xf32> to vector<64x128xf32>
    %mul3A_1285 = arith.mulf %slice3A_1282, %mul3A_1284 : vector<64x128xf32>
    %add3A_1286 = arith.addf %add3A_1281, %mul3A_1285 : vector<64x128xf32>
    %get3A_1287 = arith.constant 0 : index
    %get3A_1288 = arith.constant 0 : index
    %get3A_1289 = vector.load %arg5[%get3A_1287, %get3A_1288] : memref<64x128xf32, #tpu.memory_space<vmem>>, vector<64x128xf32>
    %add3A_1290 = arith.addf %get3A_1289, %add3A_1286 : vector<64x128xf32>
    %swap3A = arith.constant 0 : index
    %swap3A_1291 = arith.constant 0 : index
    %swap3A_1292 = vector.load %arg5[%swap3A, %swap3A_1291] : memref<64x128xf32, #tpu.memory_space<vmem>>, vector<64x128xf32>
    tpu.vector_store %arg5[%swap3A, %swap3A_1291], %add3A_1290 {strides = array<i32>} : memref<64x128xf32, #tpu.memory_space<vmem>>, vector<64x128xf32>,
    %eq3A_1293 = arith.constant 30 : i32
    %eq3A_1294 = arith.cmpi eq, %arg0, %eq3A_1293 : i32
    %convert_element_type3A_1295 = arith.extui %eq3A_1294 : i1 to i32
    %cond3A_1296 = arith.constant 0 : i32
    %cond3A_1297 = arith.cmpi ne, %convert_element_type3A_1295, %cond3A_1296 : i32
    scf.if %cond3A_1297 {
      %get3A_1298 = arith.constant 0 : index
      %get3A_1299 = arith.constant 0 : index
      %get3A_1300 = vector.load %arg5[%get3A_1298, %get3A_1299] : memref<64x128xf32, #tpu.memory_space<vmem>>, vector<64x128xf32>
      %reduce_sum3A = arith.constant dense<0.000000e+00> : vector<64xf32>
      %reduce_sum3A_1301 = vector.multi_reduction <add>, %get3A_1300, %reduce_sum3A [1] : vector<64x128xf32> to vector<64xf32>
      %broadcast_in_dim3A = vector.shape_cast %reduce_sum3A_1301 : vector<64xf32> to vector<64x1xf32>
      %swap3A_1302 = arith.constant 0 : index
      %swap3A_1303 = arith.constant 0 : index
      %swap3A_1304 = vector.load %arg4[%swap3A_1302, %swap3A_1303] : memref<64x1xf32, #tpu.memory_space<vmem>>, vector<64x1xf32>
      tpu.vector_store %arg4[%swap3A_1302, %swap3A_1303], %broadcast_in_dim3A {strides = array<i32>} : memref<64x1xf32, #tpu.memory_space<vmem>>, vector<64x1xf32>,
    } else {
    }
    return
  }
  func.func @transform_0(%arg0: i32) -> (i32, i32) {
    %c0_i32 = arith.constant 0 : i32
    %c0_i32_0 = arith.constant 0 : i32
    return %c0_i32, %arg0 : i32, i32
  }
  func.func @transform_1(%arg0: i32) -> (i32, i32) {
    %c0_i32 = arith.constant 0 : i32
    %c0_i32_0 = arith.constant 0 : i32
    return %arg0, %c0_i32 : i32, i32
  }
  func.func @transform_2(%arg0: i32) -> (i32, i32) {
    %c0_i32 = arith.constant 0 : i32
    %c0_i32_0 = arith.constant 0 : i32
    return %arg0, %c0_i32 : i32, i32
  }
  func.func @transform_3(%arg0: i32) -> (i32, i32) {
    %c0_i32 = arith.constant 0 : i32
    %c0_i32_0 = arith.constant 0 : i32
    %c0_i32_1 = arith.constant 0 : i32
    return %c0_i32, %c0_i32_0 : i32, i32
  }
}

</mosaic_0001>

<sc_bundles>
// kernel: kernel.5.cloned.1.call-start
scs
__scs_entry_jumppad:
0x0: {  	(pc) =	sbr.rel $0x88, $3  }
0x1: {  	(tag) =	ssettag $0x0;
	lr =	simm.s32 $0x1  }
0x2: {  	[smem:$0x3F9F] =	sst lr;
	_ =	strace $0xD0000000  }
0x3: {  	_ = 	snop  }
0x4: {  	_ = 	snop  }
0x5: {  	_ = 	snop  }
0x6: {  	_ = 	snop  }
0x7: {  	_ = 	snop  }
__scs_overlays_trampoline_lowered:
0x8: {  	[smem:$0x3FAE] =	sst s0  }
0x9: {  	[smem:$0x3FAF] =	sst s1  }
0xa: {  	[smem:$0x3FB0] =	sst s2  }
0xb: {  	[smem:$0x3FB1] =	sst s3  }
0xc: {  	[smem:$0x3FB2] =	sst s4  }
0xd: {  	[smem:$0x3FB3] =	sst s5  }
0xe: {  	[smem:$0x3FB4] =	sst s6  }
0xf: {  	[smem:$0x3FB5] =	sst s7  }
0x10: {  	[smem:$0x3FB6] =	sst s8  }
0x11: {  	[smem:$0x3FB7] =	sst s9;
	s0 =	simm.s32 @!p0 $0x0  }
0x12: {  	s1 =	sld [smem:$0x3F9D];
	s0 =	simm.s32 @p0 $0x1  }
0x13: {  	[smem:$0x3FB8] =	sst s0;
	s0 =	simm.s32 @!p1 $0x0  }
0x14: {  	s2 =	sld [smem:$0x3F9C];
	s0 =	simm.s32 @p1 $0x1  }
0x15: {  	[smem:$0x3FB9] =	sst s0;
	s0 =	simm.s32 @!p2 $0x0  }
0x16: {  	s3 =	sld [smem:$0x3FDB];
	s0 =	simm.s32 @p2 $0x1  }
0x17: {  	s4 =	simm.s32 $0x1BF5;
	[smem:$0x3FBB] =	sst s0  }
0x18: {  	s0 =	sld [smem:$0x3F9E];
	_ =	swait.ge [sflag:s4], $0x0  }
0x19: {  	s7 =	sld [smem:$0x3F9F]  }
0x1a: {  	s8 =	sadd.s32 $0xFFFFE003, lr  }
0x1b: {  	s9 =	sadd.s32 $0xFFFFFEF7, lr;
	s5 =	simm.s32 $0xFFFFFFFF;
	p2 =	slt.u32 s8, $0xFFFFF086  }
0x1c: {  	p1 =	slt.u32 s9, $0xF7A;
	s5 =	simm.s32 @!p2 $0x0  }
0x1d: {  	s5 =	simm.s32 @p1 $0x1;
	p0 =	seq.s32 s7, s2  }
0x1e: {  	s7 =	smul.u32 @!p0 $0xF7A, s2;
	p2 =	seq.s32 @!p0 s5, $0x0  }
0x1f: {  	s9 =	smul.u32 $0xF7A, s1;
	s8 =	simm.s32 @!p0 $0x1BF5;
	p2 =	por !p2, p0  }
0x20: {  	[sflag:s8] =	ssyncset.s32 @!p0 $0xFFFFF086;
	s6 =	sadd.s32 @!p0 s3, s7;
	s7 =	simm.s32 @!p0 $0x108  }
0x21: {  	s3 =	sadd.s32 s3, s9;
	s6 =	sadd.s32 @!p0 $0x88, s6;
	s7 =	simm.s32 @p2 $0x1082  }
0x22: {  	[simem:s7], [sflag:s8] =	dma.local @!p0 [hbm:s6], $0xF7A  }
0x23: {  	s9 =	sor.u32 $0xD0000000, s2;
	s6 =	simm.s32 $0x108;
	_ =	swait.ge @!p0 [sflag:s8], $0x0  }
0x24: {  	s3 =	sadd.s32 $0x88, s3;
	s6 =	simm.s32 @!p1 $0x1082;
	[sflag:s4] =	ssyncset.s32 $0xFFFFF086  }
0x25: {  	[simem:s6], [sflag:s4] =	dma.local [hbm:s3], $0xF7A  }
0x26: {  	[smem:$0x3F9F] =	sst s1;
	(tag) =	ssettag s2;
	_ =	strace s9  }
0x27: {  	s1 =	sld [smem:$0x3FAF]  }
0x28: {  	s2 =	sld [smem:$0x3FB0]  }
0x29: {  	s4 =	sld [smem:$0x3FB2]  }
0x2a: {  	p0 =	seq.s32 s5, $0x0;
	s5 =	sld [smem:$0x3FB3]  }
0x2b: {  	s6 =	sld [smem:$0x3FB4]  }
0x2c: {  	s7 =	sld [smem:$0x3FB5]  }
0x2d: {  	s3 =	simm.s32 $0x108;
	s8 =	sld [smem:$0x3FB6]  }
0x2e: {  	s3 =	simm.s32 @!p0 $0x1082;
	s9 =	sld [smem:$0x3FB7]  }
0x2f: {  	lr =	sadd.s32 s0, s3;
	s0 =	sld [smem:$0x3FAE]  }
0x30: {  	s3 =	sld [smem:$0x3FB1]  }
0x31: {  	[smem:$0x3FBA] =	sst s10  }
0x32: {  	s10 =	sld [smem:$0x3FB8];
	_ =	sdelay $0x3  }
0x33: {  	p0 =	seq.s32 s10, $0x1;
	s10 =	sld [smem:$0x3FBA];
	_ =	sdelay $0x3  }
0x34: {  	[smem:$0x3FBA] =	sst s10  }
0x35: {  	s10 =	sld [smem:$0x3FB9];
	_ =	sdelay $0x3  }
0x36: {  	p1 =	seq.s32 s10, $0x1;
	s10 =	sld [smem:$0x3FBA];
	_ =	sdelay $0x3  }
0x37: {  	[smem:$0x3FBA] =	sst s10  }
0x38: {  	s10 =	sld [smem:$0x3FBB]  }
0x39: {  	_ = 	snop;
	(pc) =	sbr.ind lr, $3  }
0x3a: {  	_ = 	snop  }
0x3b: {  	_ = 	snop  }
0x3c: {  	p2 =	seq.s32 s10, $0x1;
	s10 =	sld [smem:$0x3FBA]  }
0x3d: {  	_ =	shalt  }
0x3e: {  	_ =	shalt  }
0x3f: {  	_ =	shalt  }
0x40: {  	_ =	shalt  }
0x41: {  	_ =	shalt  }
0x42: {  	_ =	shalt  }
0x43: {  	_ =	shalt  }
0x44: {  	_ =	shalt  }
0x45: {  	_ =	shalt  }
0x46: {  	_ =	shalt  }
0x47: {  	_ =	shalt  }
0x48: {  	_ =	shalt  }
0x49: {  	_ =	shalt  }
0x4a: {  	_ =	shalt  }
0x4b: {  	_ =	shalt  }
0x4c: {  	_ =	shalt  }
0x4d: {  	_ =	shalt  }
0x4e: {  	_ =	shalt  }
0x4f: {  	_ =	shalt  }
0x50: {  	_ =	shalt  }
0x51: {  	_ =	shalt  }
0x52: {  	_ =	shalt  }
0x53: {  	_ =	shalt  }
0x54: {  	_ =	shalt  }
0x55: {  	_ =	shalt  }
0x56: {  	_ =	shalt  }
0x57: {  	_ =	shalt  }
0x58: {  	_ =	shalt  }
0x59: {  	_ =	shalt  }
0x5a: {  	_ =	shalt  }
0x5b: {  	_ =	shalt  }
0x5c: {  	_ =	shalt  }
0x5d: {  	_ =	shalt  }
0x5e: {  	_ =	shalt  }
0x5f: {  	_ =	shalt  }
0x60: {  	_ =	shalt  }
0x61: {  	_ =	shalt  }
0x62: {  	_ =	shalt  }
0x63: {  	_ =	shalt  }
0x64: {  	_ =	shalt  }
0x65: {  	_ =	shalt  }
0x66: {  	_ =	shalt  }
0x67: {  	_ =	shalt  }
0x68: {  	_ =	shalt  }
0x69: {  	_ =	shalt  }
0x6a: {  	_ =	shalt  }
0x6b: {  	_ =	shalt  }
0x6c: {  	_ =	shalt  }
0x6d: {  	_ =	shalt  }
0x6e: {  	_ =	shalt  }
0x6f: {  	_ =	shalt  }
0x70: {  	_ =	shalt  }
0x71: {  	_ =	shalt  }
0x72: {  	_ =	shalt  }
0x73: {  	_ =	shalt  }
0x74: {  	_ =	shalt  }
0x75: {  	_ =	shalt  }
0x76: {  	_ =	shalt  }
0x77: {  	_ =	shalt  }
0x78: {  	_ =	shalt  }
0x79: {  	_ =	shalt  }
0x7a: {  	_ =	shalt  }
0x7b: {  	_ =	shalt  }
0x7c: {  	_ =	shalt  }
0x7d: {  	_ =	shalt  }
0x7e: {  	_ =	shalt  }
0x7f: {  	_ =	shalt  }
0x80: {  	_ =	shalt  }
0x81: {  	_ =	shalt  }
0x82: {  	_ =	shalt  }
0x83: {  	_ =	shalt  }
0x84: {  	_ =	shalt  }
0x85: {  	_ =	shalt  }
0x86: {  	_ =	shalt  }
0x87: {  	_ =	shalt  }
.Lfunc_end0:
.L_simem_size_0:
called_computation_lowered:
.L_overlay_start_0:
0x88: {  	s0 =	sld [smem:$0x3FD9]  }
0x89: {  	s1 =	sld [smem:$0x3FFE];
	_ =	sdelay $0x3  }
0x8a: {  	s0 =	sadd.s32 s1, s0  }
0x8b: {  	[smem:$0x3FC6] =	sst s0  }
0x8c: {  	_ = 	snop  }
0x8d: {  	(tm) =	ssettm $0x1  }
0x8e: {  	s15 =	sld [smem:$0x3FFB];
	_ =	sdelay $0x3  }
0x8f: {  	_ =	strace s15  }
0x90: {  	s0 =	sld [smem:$0x3FFC];
	_ =	sdelay $0x3  }
0x91: {  	_ =	strace s0  }
0x92: {  	s0 =	sld [smem:$0x3FFD];
	_ =	sdelay $0x3  }
0x93: {  	_ =	strace s0  }
0x94: {  	_ =	strace $0x8FFFFFFF  }
0x95: {  	s16 =	sld [smem:$0x3FDB];
	_ =	sdelay $0x1  }
0x96: {  	s17 =	simm.s32 $_scs_section_size  }
0x97: {  	s2 =	simm.s32 $_size__tile_overlayer_lowered;
	s3 =	simm.s32 $_tile_overlayer_lowered  }
0x98: {  	s20 =	simm.s32 $0x1BFF;
	s19 =	sshll.u32 s3, $0x1;
	s0 =	sadd.s32 s17, s16  }
0x99: {  	s4 =	simm.s32 $0x0;
	s18 =	sshll.u32 s2, $0x1;
	s2 =	sadd.s32 s19, s0  }
0x9a: {  	[timem:s4], [sflag:s20] =	dma.local [hbm:s2], s18  }
0x9b: {  	_ =	swait.ge [sflag:s20], s18  }
0x9c: {  	s1 =	ssub.s32 $0x0, s18;
	[sflag:s20] =	ssyncset.done $0x0  }
0x9d: {  	[sflag:s20] =	ssyncadd.s32 s1;
	_ =	sdelay $0x1  }
0x9e: {  	s21 =	simm.s32 $0x1B8B  }
0x9f: {  	_ =	swait.ge [sflag:s21], $0x1  }
0xa0: {  	[sflag:s21] =	ssyncset.done $0x0  }
0xa1: {  	s23 =	simm.s32 $0x1B8E;
	s22 =	sld [smem:$0x3FFE];
	[sflag:s21] =	ssyncadd.s32 $0xFFFFFFFF  }
0xa2: {  	s24 =	simm.s32 $execute0_lowered;
	[smem:$0x3FD2] =	sst s23  }
0xa3: {  	s2 =	sshll.u32 s24, $0x1;
	_ =	strace $0x80000049;
	[dreg:$0x1] =	wrdreg $0xFFFFFFFF  }
0xa4: {  	s25 =	simm.s32 $_size_execute0_lowered;
	s0 =	sadd.s32 s0, s2;
	[dreg:$0x0] =	wrdreg $0x0  }
0xa5: {  	s2 =	sshll.u32 s25, $0x1;
	[dreg:$0x2] =	wrdreg s0  }
0xa6: {  	[dreg:$0x3] =	wrdreg s2  }
0xa7: {  	[dreg:$0x4] =	wrdreg $0xC0  }
0xa8: {  	_ =	task [dreg:s4], $0x5FFFF  }
0xa9: {  	[dreg:$0x1] =	wrdreg $0xFFFFFFFF  }
0xaa: {  	[dreg:$0x0] =	wrdreg $0x60  }
0xab: {  	[dreg:$0x2] =	wrdreg s22  }
0xac: {  	[dreg:$0x3] =	wrdreg $0xA2800  }
0xad: {  	[dreg:$0x4] =	wrdreg $0x9  }
0xae: {  	_ =	task.clear_ibuf [dreg:s4], $0x5FFFF;
	_ =	strace $0x90000049  }
0xaf: {  	s26 =	simm.s32 $0x9;
	_ =	strace $0x8000004B  }
0xb0: {  	_ =	swait.ge [sflag:s26], $0x1  }
0xb1: {  	[sflag:s26] =	ssyncadd.s32 $0xFFFFFFFF  }
0xb2: {  	_ =	strace $0x9000004B  }
0xb3: {  	_ =	sfence  }
0xb4: {  	s28 =	sld [smem:$0x0];
	_ =	sdelay $0x1  }
0xb5: {  	s29 =	srdreg.scid  }
0xb6: {  	s30 =	sshll.u32 s29, $0xD;
	s31 =	sshrl.u32 s29, $0x2  }
0xb7: {  	s1 =	sand.u32 $0x1, s29;
	s2 =	sand.u32 $0x4000, s30;
	s0 =	sadd.s32 s31, s28  }
0xb8: {  	s1 =	sor.u32 s2, s1;
	s0 =	sshll.u32 s0, $0x11  }
0xb9: {  	s0 =	sor.u32 s0, s1  }
0xba: {  	s0 =	sadd.s32 $0x8F2B, s0  }
0xbb: {  	[sflag:s0] =	ssyncadd.remote.s32 $0x1  }
0xbc: {  	_ =	sfence.sel $0xFFFF  }
0xbd: {  	[dreg:$0x0] =	wrdreg $0xFFFFFFFF;
	(pc) =	sbr.abs _section_cstart, $3  }
0xbe: {  	[dreg:$0x1] =	wrdreg $0xFFFFFFFF  }
0xbf: {  	_ =	task.clear_ibuf [dreg:s4], $0x2FFFF;
	_ =	strace $0x9FFFFFFF  }
0xc0: {  	(tm) =	ssettm $0x7FFFFFFF  }
0xc1: {  	_ =	shalt  }
tec
execute0_lowered:
.L_overlay_start_1:
0x0: {  	(tag) =	ssettag $0x1  }
0x1: {  	s2 =	rddreg [dreg:$0x0]  }
0x2: {  	s3 =	rddreg [dreg:$0x1];
	s1 =	stileid.u32  }
0x3: {  	s0 =	rddreg [dreg:$0x2];
	s4 =	simm.s32 $0x0;
	s5 =	smul.u32 $0xC80, s1  }
0x4: {  	[smem:$0x7FF] =	sst s4  }
0x5: {  	s6 =	simm.s32 $0x0;
	_ =	strace $0x8000004A;
	s31 =	sadd.s32 s5, s2  }
0x6: {  	v0 =	vimm.f32 $0.0e+00;
	s2 =	sadd.s32 $0x38800, s2;
	s5 =	simm.s32 $0x40;
	s4 =	sadd.s32 $0x800, s31  }
.LBB2_1:
0x7: {  	p0 =	sne.s32 s5, $0xF7C0;
	[tilespmem:s6+$0x6400] =	vst v0;
	s6 =	smov.u32 s5;
	s5 =	sadd.s32 $0x40, s5  }
.Ltmp0:
0x8: {  	(pc) =	sbr.rel @p0 .LBB2_1-.Ltmp0, $2  }
0x9: {  	_ =	sdelay $0x2  }
0xa: {  	s6 =	sshra.s32 s6, $0x2  }
0xb: {  	[tilespmem:s6+$0x6400] =	vst v0;
	v63 =	vimm.f32 $1.000000000e+00  }
0xc: {  	[tilespmem:$0xA200] =	vst v63  }
0xd: {  	[tilespmem:$0xA210] =	vst v63  }
0xe: {  	[tilespmem:$0xA220] =	vst v63  }
0xf: {  	[tilespmem:$0xA230] =	vst v63  }
0x10: {  	[tilespmem:$0xA240] =	vst v63  }
0x11: {  	[tilespmem:$0xA250] =	vst v63  }
0x12: {  	[tilespmem:$0xA260] =	vst v63  }
0x13: {  	s5 =	simm.s32 $0x0;
	s21 =	simm.s32 $0x2;
	[tilespmem:$0xA270] =	vst v63  }
0x14: {  	[tilespmem:s5], [sflag:$0x2] =	stream.linear.gather [hbm4b:s4+s5], $0x6400, $0x38;
	[tilespmem:$0x19A80] =	vst v63  }
0x15: {  	s5 =	smul.u32 $0xF800, s1;
	_ =	swait.ge [sflag:s21], $0x6400  }
0x16: {  	[sflag:s21] =	ssyncset.done $0x0  }
0x17: {  	s7 =	simm.s32 $0x6400;
	s4 =	sadd.s32 s5, s3;
	[sflag:s21] =	ssyncadd.s32 $0xFFFF9C00  }
0x18: {  	[spmem:s4] =	stream.linear.scatter [tilespmem:s7], [sflag:$0x2], $0x3E00, $0x38;
	[tilespmem:$0x19A80] =	vst v63  }
0x19: {  	_ =	swait.ge [sflag:s21], $0x3E00  }
0x1a: {  	[sflag:s21] =	ssyncset.done $0x0  }
0x1b: {  	s8 =	sadd.s32 $0x3E00, s4;
	[sflag:s21] =	ssyncadd.s32 $0xFFFFC200  }
0x1c: {  	[spmem:s8] =	stream.linear.scatter [tilespmem:s7], [sflag:$0x2], $0x3E00, $0x38;
	[tilespmem:$0x19A80] =	vst v63  }
0x1d: {  	_ =	swait.ge [sflag:s21], $0x3E00  }
0x1e: {  	[sflag:s21] =	ssyncset.done $0x0  }
0x1f: {  	s22 =	sadd.s32 $0x7C00, s4;
	[sflag:s21] =	ssyncadd.s32 $0xFFFFC200  }
0x20: {  	[spmem:s22] =	stream.linear.scatter [tilespmem:s7], [sflag:$0x2], $0x3E00, $0x38;
	[tilespmem:$0x19A80] =	vst v63  }
0x21: {  	_ =	swait.ge [sflag:s21], $0x3E00  }
0x22: {  	[sflag:s21] =	ssyncset.done $0x0  }
0x23: {  	s23 =	sadd.s32 $0xBA00, s4;
	[sflag:s21] =	ssyncadd.s32 $0xFFFFC200  }
0x24: {  	[spmem:s23] =	stream.linear.scatter [tilespmem:s7], [sflag:$0x2], $0x3E00, $0x38;
	[tilespmem:$0x19A80] =	vst v63  }
0x25: {  	_ =	swait.ge [sflag:s21], $0x3E00  }
0x26: {  	[sflag:s21] =	ssyncset.done $0x0  }
0x27: {  	s24 =	simm.s32 $0x0;
	[sflag:s21] =	ssyncadd.s32 $0xFFFFC200  }
0x28: {  	s8 =	simm.s32 $0xA200;
	s7 =	simm.s32 $0x80;
	[bflag:$0x0] =	sbarrier.arrive $0xFFFF  }
0x29: {  	[spmem:s3] =	stream.indirect.scatter.add.f32 [tilespmem:s8], [sflag:$0x1], $0x1, s24, s7, $0xb8;
	[tilespmem:$0x19A80] =	vst v63  }
0x2a: {  	s25 =	simm.s32 $0x80  }
0x2b: {  	[spmem:s3] =	stream.indirect.scatter.add.f32 [tilespmem:s8], [sflag:$0x1], $0x1, s25, s7, $0xb8;
	[tilespmem:$0x19A80] =	vst v63  }
0x2c: {  	s26 =	simm.s32 $0x100  }
0x2d: {  	[spmem:s3] =	stream.indirect.scatter.add.f32 [tilespmem:s8], [sflag:$0x1], $0x1, s26, s7, $0xb8;
	[tilespmem:$0x19A80] =	vst v63  }
0x2e: {  	s28 =	simm.s32 $0x180  }
0x2f: {  	[spmem:s3] =	stream.indirect.scatter.add.f32 [tilespmem:s8], [sflag:$0x1], $0x1, s28, s7, $0xb8;
	[tilespmem:$0x19A80] =	vst v63  }
0x30: {  	s29 =	simm.s32 $0x200  }
0x31: {  	[spmem:s3] =	stream.indirect.scatter.add.f32 [tilespmem:s8], [sflag:$0x1], $0x1, s29, s7, $0xb8;
	[tilespmem:$0x19A80] =	vst v63  }
0x32: {  	s30 =	simm.s32 $0x280  }
0x33: {  	[spmem:s3] =	stream.indirect.scatter.add.f32 [tilespmem:s8], [sflag:$0x1], $0x1, s30, s7, $0xb8;
	[tilespmem:$0x19A80] =	vst v63  }
0x34: {  	s31 =	simm.s32 $0x300  }
0x35: {  	[spmem:s3] =	stream.indirect.scatter.add.f32 [tilespmem:s8], [sflag:$0x1], $0x1, s31, s7, $0xb8;
	[tilespmem:$0x19A80] =	vst v63  }
0x36: {  	s6 =	simm.s32 $0x1;
	s9 =	simm.s32 $0x380  }
0x37: {  	[spmem:s3] =	stream.indirect.scatter.add.f32 [tilespmem:s8], [sflag:$0x1], $0x1, s9, s7, $0xb8;
	[tilespmem:$0x19A80] =	vst v63  }
0x38: {  	_ =	swait.ge [sflag:s6], $0x80  }
0x39: {  	[sflag:s6] =	ssyncset.done $0x0  }
0x3a: {  	[sflag:s6] =	ssyncadd.s32 $0xFFFFFF80  }
0x3b: {  	_ =	swait.ge [sflag:s6], $0x80  }
0x3c: {  	[sflag:s6] =	ssyncset.done $0x0  }
0x3d: {  	[sflag:s6] =	ssyncadd.s32 $0xFFFFFF80  }
0x3e: {  	_ =	swait.ge [sflag:s6], $0x80  }
0x3f: {  	[sflag:s6] =	ssyncset.done $0x0  }
0x40: {  	[sflag:s6] =	ssyncadd.s32 $0xFFFFFF80  }
0x41: {  	_ =	swait.ge [sflag:s6], $0x80  }
0x42: {  	[sflag:s6] =	ssyncset.done $0x0  }
0x43: {  	[sflag:s6] =	ssyncadd.s32 $0xFFFFFF80  }
0x44: {  	_ =	swait.ge [sflag:s6], $0x80  }
0x45: {  	[sflag:s6] =	ssyncset.done $0x0  }
0x46: {  	[sflag:s6] =	ssyncadd.s32 $0xFFFFFF80  }
0x47: {  	_ =	swait.ge [sflag:s6], $0x80  }
0x48: {  	[sflag:s6] =	ssyncset.done $0x0  }
0x49: {  	[sflag:s6] =	ssyncadd.s32 $0xFFFFFF80  }
0x4a: {  	_ =	swait.ge [sflag:s6], $0x80  }
0x4b: {  	[sflag:s6] =	ssyncset.done $0x0  }
0x4c: {  	[sflag:s6] =	ssyncadd.s32 $0xFFFFFF80  }
0x4d: {  	_ =	swait.ge [sflag:s6], $0x80  }
0x4e: {  	s11 =	simm.s32 $0x2000;
	s9 =	simm.s32 $0x1000;
	[sflag:s6] =	ssyncset.done $0x0  }
.LBB2_3:
0x4f: {  	s12 =	sshra.s32 s9, $0x2  }
0x50: {  	[sflag:s6] =	ssyncadd.s32 $0xFFFFFF80;
	s9 =	smov.u32 s11;
	s10 =	sadd.s32 $0x1000, s11  }
0x51: {  	[spmem:s3] =	stream.indirect.scatter.add.f32 [tilespmem:s8], [sflag:$0x1], $0x1, s12, s7, $0xb8;
	[tilespmem:$0x19A80] =	vst v63  }
0x52: {  	p0 =	sne.s32 s11, $0x18000;
	s11 =	sadd.s32 $0x80, s12  }
0x53: {  	[spmem:s3] =	stream.indirect.scatter.add.f32 [tilespmem:s8], [sflag:$0x1], $0x1, s11, s7, $0xb8;
	[tilespmem:$0x19A80] =	vst v63  }
0x54: {  	s11 =	sadd.s32 $0x100, s12  }
0x55: {  	[spmem:s3] =	stream.indirect.scatter.add.f32 [tilespmem:s8], [sflag:$0x1], $0x1, s11, s7, $0xb8;
	[tilespmem:$0x19A80] =	vst v63  }
0x56: {  	s11 =	sadd.s32 $0x180, s12  }
0x57: {  	[spmem:s3] =	stream.indirect.scatter.add.f32 [tilespmem:s8], [sflag:$0x1], $0x1, s11, s7, $0xb8;
	[tilespmem:$0x19A80] =	vst v63  }
0x58: {  	s11 =	sadd.s32 $0x200, s12  }
0x59: {  	[spmem:s3] =	stream.indirect.scatter.add.f32 [tilespmem:s8], [sflag:$0x1], $0x1, s11, s7, $0xb8;
	[tilespmem:$0x19A80] =	vst v63  }
0x5a: {  	s11 =	sadd.s32 $0x280, s12  }
0x5b: {  	[spmem:s3] =	stream.indirect.scatter.add.f32 [tilespmem:s8], [sflag:$0x1], $0x1, s11, s7, $0xb8;
	[tilespmem:$0x19A80] =	vst v63  }
0x5c: {  	s11 =	sadd.s32 $0x300, s12  }
0x5d: {  	[spmem:s3] =	stream.indirect.scatter.add.f32 [tilespmem:s8], [sflag:$0x1], $0x1, s11, s7, $0xb8;
	[tilespmem:$0x19A80] =	vst v63  }
0x5e: {  	s11 =	sadd.s32 $0x380, s12  }
0x5f: {  	[spmem:s3] =	stream.indirect.scatter.add.f32 [tilespmem:s8], [sflag:$0x1], $0x1, s11, s7, $0xb8;
	[tilespmem:$0x19A80] =	vst v63  }
0x60: {  	_ =	swait.ge [sflag:s6], $0x80  }
0x61: {  	[sflag:s6] =	ssyncset.done $0x0  }
0x62: {  	[sflag:s6] =	ssyncadd.s32 $0xFFFFFF80  }
0x63: {  	_ =	swait.ge [sflag:s6], $0x80  }
0x64: {  	[sflag:s6] =	ssyncset.done $0x0  }
0x65: {  	[sflag:s6] =	ssyncadd.s32 $0xFFFFFF80  }
0x66: {  	_ =	swait.ge [sflag:s6], $0x80  }
0x67: {  	[sflag:s6] =	ssyncset.done $0x0  }
0x68: {  	[sflag:s6] =	ssyncadd.s32 $0xFFFFFF80  }
0x69: {  	_ =	swait.ge [sflag:s6], $0x80  }
0x6a: {  	[sflag:s6] =	ssyncset.done $0x0  }
0x6b: {  	[sflag:s6] =	ssyncadd.s32 $0xFFFFFF80  }
0x6c: {  	_ =	swait.ge [sflag:s6], $0x80  }
0x6d: {  	[sflag:s6] =	ssyncset.done $0x0  }
0x6e: {  	[sflag:s6] =	ssyncadd.s32 $0xFFFFFF80  }
0x6f: {  	_ =	swait.ge [sflag:s6], $0x80  }
0x70: {  	[sflag:s6] =	ssyncset.done $0x0  }
0x71: {  	[sflag:s6] =	ssyncadd.s32 $0xFFFFFF80  }
.Ltmp1:
0x72: {  	_ =	swait.ge [sflag:s6], $0x80;
	(pc) =	sbr.rel @p0 .LBB2_3-.Ltmp1, $4  }
0x73: {  	[sflag:s6] =	ssyncset.done $0x0  }
0x74: {  	[sflag:s6] =	ssyncadd.s32 $0xFFFFFF80  }
0x75: {  	_ =	swait.ge [sflag:s6], $0x80  }
0x76: {  	s11 =	smov.u32 s10;
	[sflag:s6] =	ssyncset.done $0x0  }
0x77: {  	s9 =	sshra.s32 s9, $0x2;
	[sflag:s6] =	ssyncadd.s32 $0xFFFFFF80  }
0x78: {  	[spmem:s3] =	stream.indirect.scatter.add.f32 [tilespmem:s8], [sflag:$0x1], $0x1, s9, s7, $0xb8;
	[tilespmem:$0x19A80] =	vst v63  }
0x79: {  	s10 =	sadd.s32 $0x80, s9  }
0x7a: {  	[spmem:s3] =	stream.indirect.scatter.add.f32 [tilespmem:s8], [sflag:$0x1], $0x1, s10, s7, $0xb8;
	[tilespmem:$0x19A80] =	vst v63  }
0x7b: {  	s23 =	sadd.s32 $0x100, s9  }
0x7c: {  	[spmem:s3] =	stream.indirect.scatter.add.f32 [tilespmem:s8], [sflag:$0x1], $0x1, s23, s7, $0xb8;
	[tilespmem:$0x19A80] =	vst v63  }
0x7d: {  	s24 =	sadd.s32 $0x180, s9  }
0x7e: {  	[spmem:s3] =	stream.indirect.scatter.add.f32 [tilespmem:s8], [sflag:$0x1], $0x1, s24, s7, $0xb8;
	[tilespmem:$0x19A80] =	vst v63  }
0x7f: {  	s25 =	sadd.s32 $0x200, s9  }
0x80: {  	[spmem:s3] =	stream.indirect.scatter.add.f32 [tilespmem:s8], [sflag:$0x1], $0x1, s25, s7, $0xb8;
	[tilespmem:$0x19A80] =	vst v63  }
0x81: {  	s26 =	sadd.s32 $0x280, s9  }
0x82: {  	[spmem:s3] =	stream.indirect.scatter.add.f32 [tilespmem:s8], [sflag:$0x1], $0x1, s26, s7, $0xb8;
	[tilespmem:$0x19A80] =	vst v63  }
0x83: {  	s28 =	sadd.s32 $0x300, s9  }
0x84: {  	[spmem:s3] =	stream.indirect.scatter.add.f32 [tilespmem:s8], [sflag:$0x1], $0x1, s28, s7, $0xb8;
	[tilespmem:$0x19A80] =	vst v63  }
0x85: {  	s9 =	sadd.s32 $0x380, s9  }
0x86: {  	[spmem:s3] =	stream.indirect.scatter.add.f32 [tilespmem:s8], [sflag:$0x1], $0x1, s9, s7, $0xb8;
	[tilespmem:$0x19A80] =	vst v63  }
0x87: {  	_ =	swait.ge [sflag:s6], $0x80  }
0x88: {  	[sflag:s6] =	ssyncset.done $0x0  }
0x89: {  	[sflag:s6] =	ssyncadd.s32 $0xFFFFFF80  }
0x8a: {  	_ =	swait.ge [sflag:s6], $0x80  }
0x8b: {  	[sflag:s6] =	ssyncset.done $0x0  }
0x8c: {  	[sflag:s6] =	ssyncadd.s32 $0xFFFFFF80  }
0x8d: {  	_ =	swait.ge [sflag:s6], $0x80  }
0x8e: {  	[sflag:s6] =	ssyncset.done $0x0  }
0x8f: {  	[sflag:s6] =	ssyncadd.s32 $0xFFFFFF80  }
0x90: {  	_ =	swait.ge [sflag:s6], $0x80  }
0x91: {  	[sflag:s6] =	ssyncset.done $0x0  }
0x92: {  	[sflag:s6] =	ssyncadd.s32 $0xFFFFFF80  }
0x93: {  	_ =	swait.ge [sflag:s6], $0x80  }
0x94: {  	[sflag:s6] =	ssyncset.done $0x0  }
0x95: {  	[sflag:s6] =	ssyncadd.s32 $0xFFFFFF80  }
0x96: {  	_ =	swait.ge [sflag:s6], $0x80  }
0x97: {  	[sflag:s6] =	ssyncset.done $0x0  }
0x98: {  	[sflag:s6] =	ssyncadd.s32 $0xFFFFFF80  }
0x99: {  	_ =	swait.ge [sflag:s6], $0x80  }
0x9a: {  	[sflag:s6] =	ssyncset.done $0x0  }
0x9b: {  	[sflag:s6] =	ssyncadd.s32 $0xFFFFFF80  }
0x9c: {  	_ =	swait.ge [sflag:s6], $0x80  }
0x9d: {  	s29 =	sshrl.u32 s5, $0x3;
	s30 =	sshll.u32 s1, $0x6;
	[sflag:s6] =	ssyncset.done $0x0  }
0x9e: {  	s4 =	sshrl.u32 s4, $0x3;
	s31 =	simm.s32 $0x2;
	[sflag:s6] =	ssyncadd.s32 $0xFFFFFF80  }
0x9f: {  	s2 =	sadd.s32 s2, s29;
	s3 =	sor.u32 $0x1C02, s30;
	[bflag:$0x0] =	sbarrier.arrive $0xFFFF  }
0xa0: {  	[hbm:s2], [sflag:s3] =	dma.local [spmem:s4], $0x1F00  }
0xa1: {  	_ =	swait.ge [sflag:s31], $0x1F00  }
0xa2: {  	[sflag:s31] =	ssyncset.done $0x0  }
0xa3: {  	[sflag:s31] =	ssyncadd.s32 $0xFFFFE100  }
0xa4: {  	_ =	sfence.sel $0x180000  }
0xa5: {  	[bflag:$0x0] =	sbarrier.arrive $0xFFFF  }
0xa6: {  	p0 =	sne.s32 s1, $0x0;
	_ =	strace $0x9000004A  }
0xa7: {  	s0 =	sadd.s32 @!p0 $0x100000, s0;
	[bflag:$0x2] =	sbarrier.arrive $0xFFFF  }
0xa8: {  	[sflag:s0] =	ssyncadd.tile.s32 @!p0 $0x1;
	_ =	shalt  }
.Lfunc_end2:
_tile_overlayer_lowered:
.L_overlay_start_2:
0xa9: {  	(tag) =	ssettag $0x2  }
0xaa: {  	s0 =	rddreg [dreg:$0x0];
	s2 =	stileid.u32  }
0xab: {  	s1 =	rddreg [dreg:$0x1];
	p0 =	sne.s32 s2, $0x0  }
0xac: {  	s3 =	rddreg [dreg:$0x2];
	[bflag:$0x3] =	sbarrier.arrive $0xFFFF;
	s2 =	simm.s32 @!p0 $0x1C02  }
0xad: {  	[timem:s3], [sflag:s2] =	dma.local @!p0 [hbm:s0], s1  }
0xae: {  	s0 =	simm.s32 @!p0 $0x2  }
0xaf: {  	_ =	swait.ge @!p0 [sflag:s0], s1  }
0xb0: {  	s1 =	ssub.s32 @!p0 $0x0, s1;
	[sflag:s0] =	ssyncset.done @!p0 $0x0  }
0xb1: {  	[sflag:s0] =	ssyncadd.s32 @!p0 s1  }
0xb2: {  	[bflag:$0x3] =	sbarrier.arrive $0xFFFF  }
0xb3: {  	_ =	shalt  }

// kernel: kernel.8.cloned.1.call-start
scs
__scs_entry_jumppad:
0x0: {  	(pc) =	sbr.rel $0x88, $3  }
0x1: {  	(tag) =	ssettag $0x0;
	lr =	simm.s32 $0x1  }
0x2: {  	[smem:$0x3F9F] =	sst lr;
	_ =	strace $0xD0000000  }
0x3: {  	_ = 	snop  }
0x4: {  	_ = 	snop  }
0x5: {  	_ = 	snop  }
0x6: {  	_ = 	snop  }
0x7: {  	_ = 	snop  }
__scs_overlays_trampoline_lowered:
0x8: {  	[smem:$0x3FAE] =	sst s0  }
0x9: {  	[smem:$0x3FAF] =	sst s1  }
0xa: {  	[smem:$0x3FB0] =	sst s2  }
0xb: {  	[smem:$0x3FB1] =	sst s3  }
0xc: {  	[smem:$0x3FB2] =	sst s4  }
0xd: {  	[smem:$0x3FB3] =	sst s5  }
0xe: {  	[smem:$0x3FB4] =	sst s6  }
0xf: {  	[smem:$0x3FB5] =	sst s7  }
0x10: {  	[smem:$0x3FB6] =	sst s8  }
0x11: {  	[smem:$0x3FB7] =	sst s9;
	s0 =	simm.s32 @!p0 $0x0  }
0x12: {  	s1 =	sld [smem:$0x3F9D];
	s0 =	simm.s32 @p0 $0x1  }
0x13: {  	[smem:$0x3FB8] =	sst s0;
	s0 =	simm.s32 @!p1 $0x0  }
0x14: {  	s2 =	sld [smem:$0x3F9C];
	s0 =	simm.s32 @p1 $0x1  }
0x15: {  	[smem:$0x3FB9] =	sst s0;
	s0 =	simm.s32 @!p2 $0x0  }
0x16: {  	s3 =	sld [smem:$0x3FDB];
	s0 =	simm.s32 @p2 $0x1  }
0x17: {  	s4 =	simm.s32 $0x1BF5;
	[smem:$0x3FBB] =	sst s0  }
0x18: {  	s0 =	sld [smem:$0x3F9E];
	_ =	swait.ge [sflag:s4], $0x0  }
0x19: {  	s7 =	sld [smem:$0x3F9F]  }
0x1a: {  	s8 =	sadd.s32 $0xFFFFE003, lr  }
0x1b: {  	s9 =	sadd.s32 $0xFFFFFEF7, lr;
	s5 =	simm.s32 $0xFFFFFFFF;
	p2 =	slt.u32 s8, $0xFFFFF086  }
0x1c: {  	p1 =	slt.u32 s9, $0xF7A;
	s5 =	simm.s32 @!p2 $0x0  }
0x1d: {  	s5 =	simm.s32 @p1 $0x1;
	p0 =	seq.s32 s7, s2  }
0x1e: {  	s7 =	smul.u32 @!p0 $0xF7A, s2;
	p2 =	seq.s32 @!p0 s5, $0x0  }
0x1f: {  	s9 =	smul.u32 $0xF7A, s1;
	s8 =	simm.s32 @!p0 $0x1BF5;
	p2 =	por !p2, p0  }
0x20: {  	[sflag:s8] =	ssyncset.s32 @!p0 $0xFFFFF086;
	s6 =	sadd.s32 @!p0 s3, s7;
	s7 =	simm.s32 @!p0 $0x108  }
0x21: {  	s3 =	sadd.s32 s3, s9;
	s6 =	sadd.s32 @!p0 $0x88, s6;
	s7 =	simm.s32 @p2 $0x1082  }
0x22: {  	[simem:s7], [sflag:s8] =	dma.local @!p0 [hbm:s6], $0xF7A  }
0x23: {  	s9 =	sor.u32 $0xD0000000, s2;
	s6 =	simm.s32 $0x108;
	_ =	swait.ge @!p0 [sflag:s8], $0x0  }
0x24: {  	s3 =	sadd.s32 $0x88, s3;
	s6 =	simm.s32 @!p1 $0x1082;
	[sflag:s4] =	ssyncset.s32 $0xFFFFF086  }
0x25: {  	[simem:s6], [sflag:s4] =	dma.local [hbm:s3], $0xF7A  }
0x26: {  	[smem:$0x3F9F] =	sst s1;
	(tag) =	ssettag s2;
	_ =	strace s9  }
0x27: {  	s1 =	sld [smem:$0x3FAF]  }
0x28: {  	s2 =	sld [smem:$0x3FB0]  }
0x29: {  	s4 =	sld [smem:$0x3FB2]  }
0x2a: {  	p0 =	seq.s32 s5, $0x0;
	s5 =	sld [smem:$0x3FB3]  }
0x2b: {  	s6 =	sld [smem:$0x3FB4]  }
0x2c: {  	s7 =	sld [smem:$0x3FB5]  }
0x2d: {  	s3 =	simm.s32 $0x108;
	s8 =	sld [smem:$0x3FB6]  }
0x2e: {  	s3 =	simm.s32 @!p0 $0x1082;
	s9 =	sld [smem:$0x3FB7]  }
0x2f: {  	lr =	sadd.s32 s0, s3;
	s0 =	sld [smem:$0x3FAE]  }
0x30: {  	s3 =	sld [smem:$0x3FB1]  }
0x31: {  	[smem:$0x3FBA] =	sst s10  }
0x32: {  	s10 =	sld [smem:$0x3FB8];
	_ =	sdelay $0x3  }
0x33: {  	p0 =	seq.s32 s10, $0x1;
	s10 =	sld [smem:$0x3FBA];
	_ =	sdelay $0x3  }
0x34: {  	[smem:$0x3FBA] =	sst s10  }
0x35: {  	s10 =	sld [smem:$0x3FB9];
	_ =	sdelay $0x3  }
0x36: {  	p1 =	seq.s32 s10, $0x1;
	s10 =	sld [smem:$0x3FBA];
	_ =	sdelay $0x3  }
0x37: {  	[smem:$0x3FBA] =	sst s10  }
0x38: {  	s10 =	sld [smem:$0x3FBB]  }
0x39: {  	_ = 	snop;
	(pc) =	sbr.ind lr, $3  }
0x3a: {  	_ = 	snop  }
0x3b: {  	_ = 	snop  }
0x3c: {  	p2 =	seq.s32 s10, $0x1;
	s10 =	sld [smem:$0x3FBA]  }
0x3d: {  	_ =	shalt  }
0x3e: {  	_ =	shalt  }
0x3f: {  	_ =	shalt  }
0x40: {  	_ =	shalt  }
0x41: {  	_ =	shalt  }
0x42: {  	_ =	shalt  }
0x43: {  	_ =	shalt  }
0x44: {  	_ =	shalt  }
0x45: {  	_ =	shalt  }
0x46: {  	_ =	shalt  }
0x47: {  	_ =	shalt  }
0x48: {  	_ =	shalt  }
0x49: {  	_ =	shalt  }
0x4a: {  	_ =	shalt  }
0x4b: {  	_ =	shalt  }
0x4c: {  	_ =	shalt  }
0x4d: {  	_ =	shalt  }
0x4e: {  	_ =	shalt  }
0x4f: {  	_ =	shalt  }
0x50: {  	_ =	shalt  }
0x51: {  	_ =	shalt  }
0x52: {  	_ =	shalt  }
0x53: {  	_ =	shalt  }
0x54: {  	_ =	shalt  }
0x55: {  	_ =	shalt  }
0x56: {  	_ =	shalt  }
0x57: {  	_ =	shalt  }
0x58: {  	_ =	shalt  }
0x59: {  	_ =	shalt  }
0x5a: {  	_ =	shalt  }
0x5b: {  	_ =	shalt  }
0x5c: {  	_ =	shalt  }
0x5d: {  	_ =	shalt  }
0x5e: {  	_ =	shalt  }
0x5f: {  	_ =	shalt  }
0x60: {  	_ =	shalt  }
0x61: {  	_ =	shalt  }
0x62: {  	_ =	shalt  }
0x63: {  	_ =	shalt  }
0x64: {  	_ =	shalt  }
0x65: {  	_ =	shalt  }
0x66: {  	_ =	shalt  }
0x67: {  	_ =	shalt  }
0x68: {  	_ =	shalt  }
0x69: {  	_ =	shalt  }
0x6a: {  	_ =	shalt  }
0x6b: {  	_ =	shalt  }
0x6c: {  	_ =	shalt  }
0x6d: {  	_ =	shalt  }
0x6e: {  	_ =	shalt  }
0x6f: {  	_ =	shalt  }
0x70: {  	_ =	shalt  }
0x71: {  	_ =	shalt  }
0x72: {  	_ =	shalt  }
0x73: {  	_ =	shalt  }
0x74: {  	_ =	shalt  }
0x75: {  	_ =	shalt  }
0x76: {  	_ =	shalt  }
0x77: {  	_ =	shalt  }
0x78: {  	_ =	shalt  }
0x79: {  	_ =	shalt  }
0x7a: {  	_ =	shalt  }
0x7b: {  	_ =	shalt  }
0x7c: {  	_ =	shalt  }
0x7d: {  	_ =	shalt  }
0x7e: {  	_ =	shalt  }
0x7f: {  	_ =	shalt  }
0x80: {  	_ =	shalt  }
0x81: {  	_ =	shalt  }
0x82: {  	_ =	shalt  }
0x83: {  	_ =	shalt  }
0x84: {  	_ =	shalt  }
0x85: {  	_ =	shalt  }
0x86: {  	_ =	shalt  }
0x87: {  	_ =	shalt  }
.Lfunc_end0:
.L_simem_size_0:
called_computation.1_lowered:
.L_overlay_start_0:
0x88: {  	s0 =	sld [smem:$0x3FD9]  }
0x89: {  	s1 =	sld [smem:$0x3FFE];
	_ =	sdelay $0x3  }
0x8a: {  	s0 =	sadd.s32 s1, s0  }
0x8b: {  	[smem:$0x3FC6] =	sst s0  }
0x8c: {  	_ = 	snop  }
0x8d: {  	(tm) =	ssettm $0x1  }
0x8e: {  	s15 =	sld [smem:$0x3FFB];
	_ =	sdelay $0x3  }
0x8f: {  	_ =	strace s15  }
0x90: {  	s0 =	sld [smem:$0x3FFC];
	_ =	sdelay $0x3  }
0x91: {  	_ =	strace s0  }
0x92: {  	s0 =	sld [smem:$0x3FFD];
	_ =	sdelay $0x3  }
0x93: {  	_ =	strace s0  }
0x94: {  	_ =	strace $0x8FFFFFFF  }
0x95: {  	s16 =	sld [smem:$0x3FDB];
	_ =	sdelay $0x1  }
0x96: {  	s17 =	simm.s32 $_scs_section_size  }
0x97: {  	s2 =	simm.s32 $_size__tile_overlayer_lowered;
	s3 =	simm.s32 $_tile_overlayer_lowered  }
0x98: {  	s20 =	simm.s32 $0x1BFF;
	s19 =	sshll.u32 s3, $0x1;
	s0 =	sadd.s32 s17, s16  }
0x99: {  	s4 =	simm.s32 $0x0;
	s18 =	sshll.u32 s2, $0x1;
	s2 =	sadd.s32 s19, s0  }
0x9a: {  	[timem:s4], [sflag:s20] =	dma.local [hbm:s2], s18  }
0x9b: {  	_ =	swait.ge [sflag:s20], s18  }
0x9c: {  	s1 =	ssub.s32 $0x0, s18;
	[sflag:s20] =	ssyncset.done $0x0  }
0x9d: {  	[sflag:s20] =	ssyncadd.s32 s1;
	_ =	sdelay $0x1  }
0x9e: {  	s21 =	simm.s32 $0x1B8B  }
0x9f: {  	_ =	swait.ge [sflag:s21], $0x1  }
0xa0: {  	[sflag:s21] =	ssyncset.done $0x0  }
0xa1: {  	s23 =	simm.s32 $0x1B8E;
	s22 =	sld [smem:$0x3FFE];
	[sflag:s21] =	ssyncadd.s32 $0xFFFFFFFF  }
0xa2: {  	s24 =	simm.s32 $execute0_lowered;
	[smem:$0x3FD2] =	sst s23  }
0xa3: {  	s2 =	sshll.u32 s24, $0x1;
	_ =	strace $0x80000046;
	[dreg:$0x1] =	wrdreg $0xFFFFFFFF  }
0xa4: {  	s25 =	simm.s32 $_size_execute0_lowered;
	s0 =	sadd.s32 s0, s2;
	[dreg:$0x0] =	wrdreg $0x0  }
0xa5: {  	s2 =	sshll.u32 s25, $0x1;
	[dreg:$0x2] =	wrdreg s0  }
0xa6: {  	[dreg:$0x3] =	wrdreg s2  }
0xa7: {  	[dreg:$0x4] =	wrdreg $0xC0  }
0xa8: {  	_ =	task [dreg:s4], $0x5FFFF  }
0xa9: {  	[dreg:$0x1] =	wrdreg $0xFFFFFFFF  }
0xaa: {  	[dreg:$0x0] =	wrdreg $0x60  }
0xab: {  	[dreg:$0x2] =	wrdreg s22  }
0xac: {  	[dreg:$0x3] =	wrdreg $0xA2800  }
0xad: {  	[dreg:$0x4] =	wrdreg $0xA  }
0xae: {  	_ =	task.clear_ibuf [dreg:s4], $0x5FFFF;
	_ =	strace $0x90000046  }
0xaf: {  	s26 =	simm.s32 $0xA;
	_ =	strace $0x80000048  }
0xb0: {  	_ =	swait.ge [sflag:s26], $0x1  }
0xb1: {  	[sflag:s26] =	ssyncadd.s32 $0xFFFFFFFF  }
0xb2: {  	_ =	strace $0x90000048  }
0xb3: {  	_ =	sfence  }
0xb4: {  	s28 =	sld [smem:$0x0];
	_ =	sdelay $0x1  }
0xb5: {  	s29 =	srdreg.scid  }
0xb6: {  	s30 =	sshll.u32 s29, $0xD;
	s31 =	sshrl.u32 s29, $0x2  }
0xb7: {  	s1 =	sand.u32 $0x1, s29;
	s2 =	sand.u32 $0x4000, s30;
	s0 =	sadd.s32 s31, s28  }
0xb8: {  	s1 =	sor.u32 s2, s1;
	s0 =	sshll.u32 s0, $0x11  }
0xb9: {  	s0 =	sor.u32 s0, s1  }
0xba: {  	s0 =	sadd.s32 $0x8F2B, s0  }
0xbb: {  	[sflag:s0] =	ssyncadd.remote.s32 $0x1  }
0xbc: {  	_ =	sfence.sel $0xFFFF  }
0xbd: {  	[dreg:$0x0] =	wrdreg $0xFFFFFFFF;
	(pc) =	sbr.abs _section_cstart, $3  }
0xbe: {  	[dreg:$0x1] =	wrdreg $0xFFFFFFFF  }
0xbf: {  	_ =	task.clear_ibuf [dreg:s4], $0x2FFFF;
	_ =	strace $0x9FFFFFFF  }
0xc0: {  	(tm) =	ssettm $0x7FFFFFFF  }
0xc1: {  	_ =	shalt  }
tec
execute0_lowered:
.L_overlay_start_1:
0x0: {  	(tag) =	ssettag $0x1  }
0x1: {  	s4 =	rddreg [dreg:$0x0];
	s0 =	stileid.u32  }
0x2: {  	s3 =	rddreg [dreg:$0x1];
	s2 =	smul.u32 $0x6400, s0  }
0x3: {  	s1 =	rddreg [dreg:$0x2]  }
0x4: {  	s5 =	simm.s32 $0x0;
	s6 =	simm.s32 $0x0;
	s31 =	sshrl.u32 s2, $0x3  }
0x5: {  	[smem:$0x7FF] =	sst s5;
	s2 =	sadd.s32 $0x19800, s4;
	s4 =	sadd.s32 s4, s31  }
0x6: {  	v0 =	vimm.f32 $0.0e+00;
	s5 =	simm.s32 $0x40;
	_ =	strace $0x80000047;
	s4 =	sadd.s32 $0xD000, s4  }
.LBB2_1:
0x7: {  	p0 =	sne.s32 s5, $0xF7C0;
	[tilespmem:s6+$0x6400] =	vst v0;
	s6 =	smov.u32 s5;
	s5 =	sadd.s32 $0x40, s5  }
.Ltmp0:
0x8: {  	(pc) =	sbr.rel @p0 .LBB2_1-.Ltmp0, $2  }
0x9: {  	_ =	sdelay $0x2  }
0xa: {  	s6 =	sshra.s32 s6, $0x2  }
0xb: {  	[tilespmem:s6+$0x6400] =	vst v0;
	v63 =	vimm.f32 $1.000000000e+00  }
0xc: {  	[tilespmem:$0xA200] =	vst v63  }
0xd: {  	[tilespmem:$0xA210] =	vst v63  }
0xe: {  	[tilespmem:$0xA220] =	vst v63  }
0xf: {  	[tilespmem:$0xA230] =	vst v63  }
0x10: {  	[tilespmem:$0xA240] =	vst v63  }
0x11: {  	[tilespmem:$0xA250] =	vst v63  }
0x12: {  	[tilespmem:$0xA260] =	vst v63  }
0x13: {  	s5 =	simm.s32 $0x0;
	s21 =	simm.s32 $0x2;
	[tilespmem:$0xA270] =	vst v63  }
0x14: {  	[tilespmem:s5], [sflag:$0x2] =	stream.linear.gather [hbm4b:s4+s5], $0x6400, $0x38;
	[tilespmem:$0x19A80] =	vst v63  }
0x15: {  	s5 =	smul.u32 $0xF800, s0;
	_ =	swait.ge [sflag:s21], $0x6400  }
0x16: {  	[sflag:s21] =	ssyncset.done $0x0  }
0x17: {  	s7 =	simm.s32 $0x6400;
	s4 =	sadd.s32 s5, s3;
	[sflag:s21] =	ssyncadd.s32 $0xFFFF9C00  }
0x18: {  	[spmem:s4] =	stream.linear.scatter [tilespmem:s7], [sflag:$0x2], $0x3E00, $0x38;
	[tilespmem:$0x19A80] =	vst v63  }
0x19: {  	_ =	swait.ge [sflag:s21], $0x3E00  }
0x1a: {  	[sflag:s21] =	ssyncset.done $0x0  }
0x1b: {  	s8 =	sadd.s32 $0x3E00, s4;
	[sflag:s21] =	ssyncadd.s32 $0xFFFFC200  }
0x1c: {  	[spmem:s8] =	stream.linear.scatter [tilespmem:s7], [sflag:$0x2], $0x3E00, $0x38;
	[tilespmem:$0x19A80] =	vst v63  }
0x1d: {  	_ =	swait.ge [sflag:s21], $0x3E00  }
0x1e: {  	[sflag:s21] =	ssyncset.done $0x0  }
0x1f: {  	s22 =	sadd.s32 $0x7C00, s4;
	[sflag:s21] =	ssyncadd.s32 $0xFFFFC200  }
0x20: {  	[spmem:s22] =	stream.linear.scatter [tilespmem:s7], [sflag:$0x2], $0x3E00, $0x38;
	[tilespmem:$0x19A80] =	vst v63  }
0x21: {  	_ =	swait.ge [sflag:s21], $0x3E00  }
0x22: {  	[sflag:s21] =	ssyncset.done $0x0  }
0x23: {  	s23 =	sadd.s32 $0xBA00, s4;
	[sflag:s21] =	ssyncadd.s32 $0xFFFFC200  }
0x24: {  	[spmem:s23] =	stream.linear.scatter [tilespmem:s7], [sflag:$0x2], $0x3E00, $0x38;
	[tilespmem:$0x19A80] =	vst v63  }
0x25: {  	_ =	swait.ge [sflag:s21], $0x3E00  }
0x26: {  	[sflag:s21] =	ssyncset.done $0x0  }
0x27: {  	s24 =	simm.s32 $0x0;
	[sflag:s21] =	ssyncadd.s32 $0xFFFFC200  }
0x28: {  	s8 =	simm.s32 $0xA200;
	s7 =	simm.s32 $0x80;
	[bflag:$0x0] =	sbarrier.arrive $0xFFFF  }
0x29: {  	[spmem:s3] =	stream.indirect.scatter.add.f32 [tilespmem:s8], [sflag:$0x1], $0x1, s24, s7, $0xb8;
	[tilespmem:$0x19A80] =	vst v63  }
0x2a: {  	s25 =	simm.s32 $0x80  }
0x2b: {  	[spmem:s3] =	stream.indirect.scatter.add.f32 [tilespmem:s8], [sflag:$0x1], $0x1, s25, s7, $0xb8;
	[tilespmem:$0x19A80] =	vst v63  }
0x2c: {  	s26 =	simm.s32 $0x100  }
0x2d: {  	[spmem:s3] =	stream.indirect.scatter.add.f32 [tilespmem:s8], [sflag:$0x1], $0x1, s26, s7, $0xb8;
	[tilespmem:$0x19A80] =	vst v63  }
0x2e: {  	s28 =	simm.s32 $0x180  }
0x2f: {  	[spmem:s3] =	stream.indirect.scatter.add.f32 [tilespmem:s8], [sflag:$0x1], $0x1, s28, s7, $0xb8;
	[tilespmem:$0x19A80] =	vst v63  }
0x30: {  	s29 =	simm.s32 $0x200  }
0x31: {  	[spmem:s3] =	stream.indirect.scatter.add.f32 [tilespmem:s8], [sflag:$0x1], $0x1, s29, s7, $0xb8;
	[tilespmem:$0x19A80] =	vst v63  }
0x32: {  	s30 =	simm.s32 $0x280  }
0x33: {  	[spmem:s3] =	stream.indirect.scatter.add.f32 [tilespmem:s8], [sflag:$0x1], $0x1, s30, s7, $0xb8;
	[tilespmem:$0x19A80] =	vst v63  }
0x34: {  	s31 =	simm.s32 $0x300  }
0x35: {  	[spmem:s3] =	stream.indirect.scatter.add.f32 [tilespmem:s8], [sflag:$0x1], $0x1, s31, s7, $0xb8;
	[tilespmem:$0x19A80] =	vst v63  }
0x36: {  	s6 =	simm.s32 $0x1;
	s9 =	simm.s32 $0x380  }
0x37: {  	[spmem:s3] =	stream.indirect.scatter.add.f32 [tilespmem:s8], [sflag:$0x1], $0x1, s9, s7, $0xb8;
	[tilespmem:$0x19A80] =	vst v63  }
0x38: {  	_ =	swait.ge [sflag:s6], $0x80  }
0x39: {  	[sflag:s6] =	ssyncset.done $0x0  }
0x3a: {  	[sflag:s6] =	ssyncadd.s32 $0xFFFFFF80  }
0x3b: {  	_ =	swait.ge [sflag:s6], $0x80  }
0x3c: {  	[sflag:s6] =	ssyncset.done $0x0  }
0x3d: {  	[sflag:s6] =	ssyncadd.s32 $0xFFFFFF80  }
0x3e: {  	_ =	swait.ge [sflag:s6], $0x80  }
0x3f: {  	[sflag:s6] =	ssyncset.done $0x0  }
0x40: {  	[sflag:s6] =	ssyncadd.s32 $0xFFFFFF80  }
0x41: {  	_ =	swait.ge [sflag:s6], $0x80  }
0x42: {  	[sflag:s6] =	ssyncset.done $0x0  }
0x43: {  	[sflag:s6] =	ssyncadd.s32 $0xFFFFFF80  }
0x44: {  	_ =	swait.ge [sflag:s6], $0x80  }
0x45: {  	[sflag:s6] =	ssyncset.done $0x0  }
0x46: {  	[sflag:s6] =	ssyncadd.s32 $0xFFFFFF80  }
0x47: {  	_ =	swait.ge [sflag:s6], $0x80  }
0x48: {  	[sflag:s6] =	ssyncset.done $0x0  }
0x49: {  	[sflag:s6] =	ssyncadd.s32 $0xFFFFFF80  }
0x4a: {  	_ =	swait.ge [sflag:s6], $0x80  }
0x4b: {  	[sflag:s6] =	ssyncset.done $0x0  }
0x4c: {  	[sflag:s6] =	ssyncadd.s32 $0xFFFFFF80  }
0x4d: {  	_ =	swait.ge [sflag:s6], $0x80  }
0x4e: {  	s11 =	simm.s32 $0x2000;
	s9 =	simm.s32 $0x1000;
	[sflag:s6] =	ssyncset.done $0x0  }
.LBB2_3:
0x4f: {  	s12 =	sshra.s32 s9, $0x2  }
0x50: {  	[sflag:s6] =	ssyncadd.s32 $0xFFFFFF80;
	s9 =	smov.u32 s11;
	s10 =	sadd.s32 $0x1000, s11  }
0x51: {  	[spmem:s3] =	stream.indirect.scatter.add.f32 [tilespmem:s8], [sflag:$0x1], $0x1, s12, s7, $0xb8;
	[tilespmem:$0x19A80] =	vst v63  }
0x52: {  	p0 =	sne.s32 s11, $0x18000;
	s11 =	sadd.s32 $0x80, s12  }
0x53: {  	[spmem:s3] =	stream.indirect.scatter.add.f32 [tilespmem:s8], [sflag:$0x1], $0x1, s11, s7, $0xb8;
	[tilespmem:$0x19A80] =	vst v63  }
0x54: {  	s11 =	sadd.s32 $0x100, s12  }
0x55: {  	[spmem:s3] =	stream.indirect.scatter.add.f32 [tilespmem:s8], [sflag:$0x1], $0x1, s11, s7, $0xb8;
	[tilespmem:$0x19A80] =	vst v63  }
0x56: {  	s11 =	sadd.s32 $0x180, s12  }
0x57: {  	[spmem:s3] =	stream.indirect.scatter.add.f32 [tilespmem:s8], [sflag:$0x1], $0x1, s11, s7, $0xb8;
	[tilespmem:$0x19A80] =	vst v63  }
0x58: {  	s11 =	sadd.s32 $0x200, s12  }
0x59: {  	[spmem:s3] =	stream.indirect.scatter.add.f32 [tilespmem:s8], [sflag:$0x1], $0x1, s11, s7, $0xb8;
	[tilespmem:$0x19A80] =	vst v63  }
0x5a: {  	s11 =	sadd.s32 $0x280, s12  }
0x5b: {  	[spmem:s3] =	stream.indirect.scatter.add.f32 [tilespmem:s8], [sflag:$0x1], $0x1, s11, s7, $0xb8;
	[tilespmem:$0x19A80] =	vst v63  }
0x5c: {  	s11 =	sadd.s32 $0x300, s12  }
0x5d: {  	[spmem:s3] =	stream.indirect.scatter.add.f32 [tilespmem:s8], [sflag:$0x1], $0x1, s11, s7, $0xb8;
	[tilespmem:$0x19A80] =	vst v63  }
0x5e: {  	s11 =	sadd.s32 $0x380, s12  }
0x5f: {  	[spmem:s3] =	stream.indirect.scatter.add.f32 [tilespmem:s8], [sflag:$0x1], $0x1, s11, s7, $0xb8;
	[tilespmem:$0x19A80] =	vst v63  }
0x60: {  	_ =	swait.ge [sflag:s6], $0x80  }
0x61: {  	[sflag:s6] =	ssyncset.done $0x0  }
0x62: {  	[sflag:s6] =	ssyncadd.s32 $0xFFFFFF80  }
0x63: {  	_ =	swait.ge [sflag:s6], $0x80  }
0x64: {  	[sflag:s6] =	ssyncset.done $0x0  }
0x65: {  	[sflag:s6] =	ssyncadd.s32 $0xFFFFFF80  }
0x66: {  	_ =	swait.ge [sflag:s6], $0x80  }
0x67: {  	[sflag:s6] =	ssyncset.done $0x0  }
0x68: {  	[sflag:s6] =	ssyncadd.s32 $0xFFFFFF80  }
0x69: {  	_ =	swait.ge [sflag:s6], $0x80  }
0x6a: {  	[sflag:s6] =	ssyncset.done $0x0  }
0x6b: {  	[sflag:s6] =	ssyncadd.s32 $0xFFFFFF80  }
0x6c: {  	_ =	swait.ge [sflag:s6], $0x80  }
0x6d: {  	[sflag:s6] =	ssyncset.done $0x0  }
0x6e: {  	[sflag:s6] =	ssyncadd.s32 $0xFFFFFF80  }
0x6f: {  	_ =	swait.ge [sflag:s6], $0x80  }
0x70: {  	[sflag:s6] =	ssyncset.done $0x0  }
0x71: {  	[sflag:s6] =	ssyncadd.s32 $0xFFFFFF80  }
.Ltmp1:
0x72: {  	_ =	swait.ge [sflag:s6], $0x80;
	(pc) =	sbr.rel @p0 .LBB2_3-.Ltmp1, $4  }
0x73: {  	[sflag:s6] =	ssyncset.done $0x0  }
0x74: {  	[sflag:s6] =	ssyncadd.s32 $0xFFFFFF80  }
0x75: {  	_ =	swait.ge [sflag:s6], $0x80  }
0x76: {  	s11 =	smov.u32 s10;
	[sflag:s6] =	ssyncset.done $0x0  }
0x77: {  	s9 =	sshra.s32 s9, $0x2;
	[sflag:s6] =	ssyncadd.s32 $0xFFFFFF80  }
0x78: {  	[spmem:s3] =	stream.indirect.scatter.add.f32 [tilespmem:s8], [sflag:$0x1], $0x1, s9, s7, $0xb8;
	[tilespmem:$0x19A80] =	vst v63  }
0x79: {  	s10 =	sadd.s32 $0x80, s9  }
0x7a: {  	[spmem:s3] =	stream.indirect.scatter.add.f32 [tilespmem:s8], [sflag:$0x1], $0x1, s10, s7, $0xb8;
	[tilespmem:$0x19A80] =	vst v63  }
0x7b: {  	s23 =	sadd.s32 $0x100, s9  }
0x7c: {  	[spmem:s3] =	stream.indirect.scatter.add.f32 [tilespmem:s8], [sflag:$0x1], $0x1, s23, s7, $0xb8;
	[tilespmem:$0x19A80] =	vst v63  }
0x7d: {  	s24 =	sadd.s32 $0x180, s9  }
0x7e: {  	[spmem:s3] =	stream.indirect.scatter.add.f32 [tilespmem:s8], [sflag:$0x1], $0x1, s24, s7, $0xb8;
	[tilespmem:$0x19A80] =	vst v63  }
0x7f: {  	s25 =	sadd.s32 $0x200, s9  }
0x80: {  	[spmem:s3] =	stream.indirect.scatter.add.f32 [tilespmem:s8], [sflag:$0x1], $0x1, s25, s7, $0xb8;
	[tilespmem:$0x19A80] =	vst v63  }
0x81: {  	s26 =	sadd.s32 $0x280, s9  }
0x82: {  	[spmem:s3] =	stream.indirect.scatter.add.f32 [tilespmem:s8], [sflag:$0x1], $0x1, s26, s7, $0xb8;
	[tilespmem:$0x19A80] =	vst v63  }
0x83: {  	s28 =	sadd.s32 $0x300, s9  }
0x84: {  	[spmem:s3] =	stream.indirect.scatter.add.f32 [tilespmem:s8], [sflag:$0x1], $0x1, s28, s7, $0xb8;
	[tilespmem:$0x19A80] =	vst v63  }
0x85: {  	s9 =	sadd.s32 $0x380, s9  }
0x86: {  	[spmem:s3] =	stream.indirect.scatter.add.f32 [tilespmem:s8], [sflag:$0x1], $0x1, s9, s7, $0xb8;
	[tilespmem:$0x19A80] =	vst v63  }
0x87: {  	_ =	swait.ge [sflag:s6], $0x80  }
0x88: {  	[sflag:s6] =	ssyncset.done $0x0  }
0x89: {  	[sflag:s6] =	ssyncadd.s32 $0xFFFFFF80  }
0x8a: {  	_ =	swait.ge [sflag:s6], $0x80  }
0x8b: {  	[sflag:s6] =	ssyncset.done $0x0  }
0x8c: {  	[sflag:s6] =	ssyncadd.s32 $0xFFFFFF80  }
0x8d: {  	_ =	swait.ge [sflag:s6], $0x80  }
0x8e: {  	[sflag:s6] =	ssyncset.done $0x0  }
0x8f: {  	[sflag:s6] =	ssyncadd.s32 $0xFFFFFF80  }
0x90: {  	_ =	swait.ge [sflag:s6], $0x80  }
0x91: {  	[sflag:s6] =	ssyncset.done $0x0  }
0x92: {  	[sflag:s6] =	ssyncadd.s32 $0xFFFFFF80  }
0x93: {  	_ =	swait.ge [sflag:s6], $0x80  }
0x94: {  	[sflag:s6] =	ssyncset.done $0x0  }
0x95: {  	[sflag:s6] =	ssyncadd.s32 $0xFFFFFF80  }
0x96: {  	_ =	swait.ge [sflag:s6], $0x80  }
0x97: {  	[sflag:s6] =	ssyncset.done $0x0  }
0x98: {  	[sflag:s6] =	ssyncadd.s32 $0xFFFFFF80  }
0x99: {  	_ =	swait.ge [sflag:s6], $0x80  }
0x9a: {  	[sflag:s6] =	ssyncset.done $0x0  }
0x9b: {  	[sflag:s6] =	ssyncadd.s32 $0xFFFFFF80  }
0x9c: {  	_ =	swait.ge [sflag:s6], $0x80  }
0x9d: {  	s29 =	sshrl.u32 s5, $0x3;
	s30 =	sshll.u32 s0, $0x6;
	[sflag:s6] =	ssyncset.done $0x0  }
0x9e: {  	s4 =	sshrl.u32 s4, $0x3;
	s31 =	simm.s32 $0x2;
	[sflag:s6] =	ssyncadd.s32 $0xFFFFFF80  }
0x9f: {  	s2 =	sadd.s32 s2, s29;
	s3 =	sor.u32 $0x1C02, s30;
	[bflag:$0x0] =	sbarrier.arrive $0xFFFF  }
0xa0: {  	[hbm:s2], [sflag:s3] =	dma.local [spmem:s4], $0x1F00  }
0xa1: {  	_ =	swait.ge [sflag:s31], $0x1F00  }
0xa2: {  	[sflag:s31] =	ssyncset.done $0x0  }
0xa3: {  	[sflag:s31] =	ssyncadd.s32 $0xFFFFE100  }
0xa4: {  	_ =	sfence.sel $0x180000  }
0xa5: {  	[bflag:$0x0] =	sbarrier.arrive $0xFFFF  }
0xa6: {  	p0 =	sne.s32 s0, $0x0;
	_ =	strace $0x90000047  }
0xa7: {  	s0 =	sadd.s32 @!p0 $0x100000, s1;
	[bflag:$0x2] =	sbarrier.arrive $0xFFFF  }
0xa8: {  	[sflag:s0] =	ssyncadd.tile.s32 @!p0 $0x1;
	_ =	shalt  }
.Lfunc_end2:
_tile_overlayer_lowered:
.L_overlay_start_2:
0xa9: {  	(tag) =	ssettag $0x2  }
0xaa: {  	s0 =	rddreg [dreg:$0x0];
	s2 =	stileid.u32  }
0xab: {  	s1 =	rddreg [dreg:$0x1];
	p0 =	sne.s32 s2, $0x0  }
0xac: {  	s3 =	rddreg [dreg:$0x2];
	[bflag:$0x3] =	sbarrier.arrive $0xFFFF;
	s2 =	simm.s32 @!p0 $0x1C02  }
0xad: {  	[timem:s3], [sflag:s2] =	dma.local @!p0 [hbm:s0], s1  }
0xae: {  	s0 =	simm.s32 @!p0 $0x2  }
0xaf: {  	_ =	swait.ge @!p0 [sflag:s0], s1  }
0xb0: {  	s1 =	ssub.s32 @!p0 $0x0, s1;
	[sflag:s0] =	ssyncset.done @!p0 $0x0  }
0xb1: {  	[sflag:s0] =	ssyncadd.s32 @!p0 s1  }
0xb2: {  	[bflag:$0x3] =	sbarrier.arrive $0xFFFF  }
0xb3: {  	_ =	shalt  }

</sc_bundles>
